<compile_context>
chip_gen: v7x
topology: tpu7x:2x2x1
jax: 0.10.2.dev20260603
libtpu: 0.0.44.dev20260713+nightly
codegen_flags: <defaults>
</compile_context>

<pallas_src>
import functools

import jax
import jax.numpy as jnp
from jax import lax
from jax.experimental import pallas as pl
from jax.experimental.pallas import tpu as pltpu
from jax.experimental.pallas import tpu_sc as plsc

N = 10000
E = 320000
D = 128

NC = 2
NS = 16
NW = NC * NS
EW = E // NW
K = 125
NCHUNK = EW // K
PH = NCHUNK // 2
KR = 128
NP = 10240
RPT = NP // NS

_mesh = plsc.VectorSubcoreMesh(core_axis_name="c", subcore_axis_name="s")


def _sc_agg_body(x_hbm, ei_hbm, out0_hbm, out1_hbm,
                 sbuf, dbuf, rows0, rows1, agg,
                 gsem0, gsem1, ssem0, ssem1):
    c = lax.axis_index("c")
    s = lax.axis_index("s")
    wid = s * NC + c

    zeros16 = jnp.zeros((16,), jnp.float32)

    def zfill(i, carry):
        for j in range(D // 16):
            rows0[i, pl.ds(j * 16, 16)] = zeros16
        return carry

    lax.fori_loop(0, KR, zfill, 0)

    gsem = (gsem0, gsem1)
    ssem = (ssem0, ssem1)
    rr = (rows0.at[pl.ds(0, K)], rows1.at[pl.ds(0, K)])

    for p in range(2):
        pltpu.sync_copy(ei_hbm.at[0].at[pl.ds(wid * NCHUNK + p * PH, PH)],
                        sbuf)
        pltpu.sync_copy(ei_hbm.at[1].at[pl.ds(wid * NCHUNK + p * PH, PH)],
                        dbuf)
        if p == 0:
            pltpu.async_copy(x_hbm.at[sbuf.at[1]], rr[1], gsem1)
            for t in range(RPT // KR):
                pltpu.async_copy(rows0, agg.at[pl.ds(s * RPT + t * KR, KR)],
                                 ssem0)
            for t in range(RPT // KR):
                pltpu.make_async_copy(
                    rows0, agg.at[pl.ds(s * RPT + t * KR, KR)],
                    ssem0).wait()
            pltpu.async_copy(x_hbm.at[sbuf.at[0]], rr[0], gsem0)
            plsc.subcore_barrier()
        else:
            pltpu.async_copy(x_hbm.at[sbuf.at[0]], rr[0], gsem0)
            pltpu.async_copy(x_hbm.at[sbuf.at[1]], rr[1], gsem1)

        def body(i, carry):
            for b in range(2):
                j = 2 * i + b
                pltpu.make_async_copy(x_hbm.at[sbuf.at[j]], rr[b],
                                      gsem[b]).wait()
                pltpu.async_copy(rr[b], agg.at[dbuf.at[j]], ssem[b],
                                 add=True)
                pltpu.make_async_copy(rr[b], agg.at[dbuf.at[j]],
                                      ssem[b]).wait()
                pltpu.async_copy(x_hbm.at[sbuf.at[j + 2]], rr[b], gsem[b])
            return carry

        lax.fori_loop(0, PH // 2 - 1, body, 0)
        for b in range(2):
            j = PH - 2 + b
            pltpu.make_async_copy(x_hbm.at[sbuf.at[j]], rr[b],
                                  gsem[b]).wait()
            pltpu.async_copy(rr[b], agg.at[dbuf.at[j]], ssem[b], add=True)
            pltpu.make_async_copy(rr[b], agg.at[dbuf.at[j]], ssem[b]).wait()
    plsc.subcore_barrier()

    @pl.when(c == 0)
    def _():
        pltpu.sync_copy(agg.at[pl.ds(s * RPT, RPT)],
                        out0_hbm.at[pl.ds(s * RPT, RPT)])

    @pl.when(c == 1)
    def _():
        pltpu.sync_copy(agg.at[pl.ds(s * RPT, RPT)],
                        out1_hbm.at[pl.ds(s * RPT, RPT)])


_sc_agg = functools.partial(
    pl.kernel,
    out_type=(jax.ShapeDtypeStruct((NP, D), jnp.float32),
              jax.ShapeDtypeStruct((NP, D), jnp.float32)),
    mesh=_mesh,
    scratch_types=[
        pltpu.VMEM((PH, K), jnp.int32),
        pltpu.VMEM((PH, K), jnp.int32),
        pltpu.VMEM((KR, D), jnp.float32),
        pltpu.VMEM((KR, D), jnp.float32),
        pltpu.VMEM_SHARED((NP, D), jnp.float32),
        pltpu.SemaphoreType.DMA,
        pltpu.SemaphoreType.DMA,
        pltpu.SemaphoreType.DMA,
        pltpu.SemaphoreType.DMA,
    ],
)(_sc_agg_body)


BM = 5000


_DN = (((1,), (1,)), ((), ()))


def _tc_body(relu, a0_ref, a1_ref, x_ref, wr_ref, b_ref, wt_ref, o_ref):
    agg = a0_ref[...] + a1_ref[...]
    z = (lax.dot_general(agg, wr_ref[...], _DN,
                         preferred_element_type=jnp.float32)
         + b_ref[...]
         + lax.dot_general(x_ref[...], wt_ref[...], _DN,
                           preferred_element_type=jnp.float32))
    o_ref[...] = jnp.maximum(z, 0.0) if relu else z


def _tc_layer(a0, a1, x, w_rel_t, b_rel, w_root_t, relu):
    return pl.pallas_call(
        functools.partial(_tc_body, relu),
        grid=(N // BM,),
        in_specs=[
            pl.BlockSpec((BM, D), lambda i: (i, 0)),
            pl.BlockSpec((BM, D), lambda i: (i, 0)),
            pl.BlockSpec((BM, D), lambda i: (i, 0)),
            pl.BlockSpec((D, D), lambda i: (0, 0)),
            pl.BlockSpec((1, D), lambda i: (0, 0)),
            pl.BlockSpec((D, D), lambda i: (0, 0)),
        ],
        out_specs=pl.BlockSpec((BM, D), lambda i: (i, 0)),
        out_shape=jax.ShapeDtypeStruct((N, D), jnp.float32),
    )(a0, a1, x, w_rel_t, b_rel, w_root_t)


@jax.jit
def kernel(x, edge_index, W_rel1, b_rel1, W_root1, W_rel2, b_rel2, W_root2):
    ei = edge_index.reshape(2, E // K, K)
    a10, a11 = _sc_agg(x, ei)
    h = _tc_layer(a10, a11, x, W_rel1, b_rel1.reshape(1, D), W_root1, True)
    a20, a21 = _sc_agg(h, ei)
    return _tc_layer(a20, a21, h, W_rel2, b_rel2.reshape(1, D), W_root2,
                     False)

# --- scband reference (transcript-rebuilt; emitter-appended) ---
"""Pipeline reference for scband-conv-block-60971355734041 (READ-ONLY COPY).

The authoritative reference and input builder live on the scoring server;
editing this copy changes nothing except your own understanding.
"""

import jax, jax.numpy as jnp
import numpy as np

N_NODES = 10000
N_EDGES = 320000
D = 128


def _graph_conv(x, src, dst, W_rel, b_rel, W_root):
    # PyG GraphConv (aggr='add'):
    # out_i = lin_rel( sum_{j in N(i)} x_j ) + lin_root(x_i)
    msgs = x[src]                                   # gather [E, D]
    agg = jnp.zeros((x.shape[0], x.shape[1]), dtype=x.dtype).at[dst].add(msgs)  # scatter-add
    return agg @ W_rel.T + b_rel + x @ W_root.T


def setup_inputs(seed: int = 0) -> dict:
    key = jax.random.key(seed)
    ks = jax.random.split(key, 8)
    x = jax.random.normal(ks[0], (N_NODES, D), dtype=jnp.float32)
    edge_index = jax.random.randint(ks[1], (2, N_EDGES), 0, N_NODES, dtype=jnp.int32)
    s = 1.0 / np.sqrt(D)
    W_rel1 = jax.random.uniform(ks[2], (D, D), dtype=jnp.float32, minval=-s, maxval=s)
    b_rel1 = jax.random.uniform(ks[3], (D,), dtype=jnp.float32, minval=-s, maxval=s)
    W_root1 = jax.random.uniform(ks[4], (D, D), dtype=jnp.float32, minval=-s, maxval=s)
    W_rel2 = jax.random.uniform(ks[5], (D, D), dtype=jnp.float32, minval=-s, maxval=s)
    b_rel2 = jax.random.uniform(ks[6], (D,), dtype=jnp.float32, minval=-s, maxval=s)
    W_root2 = jax.random.uniform(ks[7], (D, D), dtype=jnp.float32, minval=-s, maxval=s)
    return {"x": x, "edge_index": edge_index,
            "W_rel1": W_rel1, "b_rel1": b_rel1, "W_root1": W_root1,
            "W_rel2": W_rel2, "b_rel2": b_rel2, "W_root2": W_root2}


def reference(x, edge_index, W_rel1, b_rel1, W_root1, W_rel2, b_rel2, W_root2):
    src = edge_index[0]
    dst = edge_index[1]
    h = _graph_conv(x, src, dst, W_rel1, b_rel1, W_root1)
    h = jax.nn.relu(h)
    h = _graph_conv(h, src, dst, W_rel2, b_rel2, W_root2)
    return h

if __name__ == "__main__":
    import jax
    _d = setup_inputs()
    print(jax.jit(kernel)(*tuple(_d.values())))

</pallas_src>

<mosaic_0001>
#map = affine_map<(d0, d1) -> (0, 0)>
#map1 = affine_map<(d0, d1) -> (0, 0, 0)>
module attributes {stable_mosaic.version = 14 : i64} {
  func.func @_sc_agg_body(%arg0: i32, %arg1: i32, %arg2: memref<10000x128xf32, #tpu.memory_space<hbm>>, %arg3: memref<2x2560x125xi32, #tpu.memory_space<hbm>>, %arg4: memref<10240x128xf32, #tpu.memory_space<hbm>>, %arg5: memref<10240x128xf32, #tpu.memory_space<hbm>>, %arg6: memref<40x125xi32, #tpu.memory_space<vmem>>, %arg7: memref<40x125xi32, #tpu.memory_space<vmem>>, %arg8: memref<128x128xf32, #tpu.memory_space<vmem>>, %arg9: memref<128x128xf32, #tpu.memory_space<vmem>>, %arg10: memref<10240x128xf32, #tpu.memory_space<vmem_shared>>, %arg11: memref<!tpu.dma_semaphore, #tpu.memory_space<semaphore_mem>>, %arg12: memref<!tpu.dma_semaphore, #tpu.memory_space<semaphore_mem>>, %arg13: memref<!tpu.dma_semaphore, #tpu.memory_space<semaphore_mem>>, %arg14: memref<!tpu.dma_semaphore, #tpu.memory_space<semaphore_mem>>) attributes {dimension_semantics = [#tpu.dimension_semantics<core_parallel>, #tpu.dimension_semantics<subcore_parallel>], iteration_bounds = array<i64: 2, 16>, scalar_prefetch = 0 : i64, scratch_operands = 9 : i64, tpu.core_type = #tpu.core_type<sc_vector_subcore>, window_params = [{transform_indices = #map}, {transform_indices = #map1}, {transform_indices = #map}, {transform_indices = #map}]} {
    %mul3A = arith.constant 2 : i32
    %mul3A_0 = arith.muli %arg1, %mul3A : i32
    %add3A = arith.addi %mul3A_0, %arg0 : i32
    %broadcast_in_dim3A = arith.constant 0.000000e+00 : f32
    %broadcast_in_dim3A_1 = vector.broadcast %broadcast_in_dim3A : f32 to vector<16xf32>
    %scan3A = arith.constant 0 : i32
    %scan3A_2 = arith.constant 0 : i32
    %scan3A_3 = arith.constant 128 : i32
    %scan3A_4 = arith.addi %scan3A_2, %scan3A_3 : i32
    %scan3A_5 = arith.constant 1 : i32
    scf.for %scan3A_284 = %scan3A_2 to %scan3A_4 step %scan3A_5  : i32 {
      %swap3A = arith.index_cast %scan3A_284 : i32 to index
      %swap3A_285 = arith.constant 0 : index
      %swap3A_286 = tpu.vector_load %arg8[%swap3A, %swap3A_285] {strides = array<i32>} : memref<128x128xf32, #tpu.memory_space<vmem>>, vector<1x16xf32>,
      %swap3A_287 = vector.shape_cast %swap3A_286 : vector<1x16xf32> to vector<16xf32>
      %swap3A_288 = vector.shape_cast %broadcast_in_dim3A_1 : vector<16xf32> to vector<1x16xf32>
      tpu.vector_store %arg8[%swap3A, %swap3A_285], %swap3A_288 {strides = array<i32>} : memref<128x128xf32, #tpu.memory_space<vmem>>, vector<1x16xf32>,
      %swap3A_289 = arith.index_cast %scan3A_284 : i32 to index
      %swap3A_290 = arith.constant 16 : index
      %swap3A_291 = tpu.vector_load %arg8[%swap3A_289, %swap3A_290] {strides = array<i32>} : memref<128x128xf32, #tpu.memory_space<vmem>>, vector<1x16xf32>,
      %swap3A_292 = vector.shape_cast %swap3A_291 : vector<1x16xf32> to vector<16xf32>
      %swap3A_293 = vector.shape_cast %broadcast_in_dim3A_1 : vector<16xf32> to vector<1x16xf32>
      tpu.vector_store %arg8[%swap3A_289, %swap3A_290], %swap3A_293 {strides = array<i32>} : memref<128x128xf32, #tpu.memory_space<vmem>>, vector<1x16xf32>,
      %swap3A_294 = arith.index_cast %scan3A_284 : i32 to index
      %swap3A_295 = arith.constant 32 : index
      %swap3A_296 = tpu.vector_load %arg8[%swap3A_294, %swap3A_295] {strides = array<i32>} : memref<128x128xf32, #tpu.memory_space<vmem>>, vector<1x16xf32>,
      %swap3A_297 = vector.shape_cast %swap3A_296 : vector<1x16xf32> to vector<16xf32>
      %swap3A_298 = vector.shape_cast %broadcast_in_dim3A_1 : vector<16xf32> to vector<1x16xf32>
      tpu.vector_store %arg8[%swap3A_294, %swap3A_295], %swap3A_298 {strides = array<i32>} : memref<128x128xf32, #tpu.memory_space<vmem>>, vector<1x16xf32>,
      %swap3A_299 = arith.index_cast %scan3A_284 : i32 to index
      %swap3A_300 = arith.constant 48 : index
      %swap3A_301 = tpu.vector_load %arg8[%swap3A_299, %swap3A_300] {strides = array<i32>} : memref<128x128xf32, #tpu.memory_space<vmem>>, vector<1x16xf32>,
      %swap3A_302 = vector.shape_cast %swap3A_301 : vector<1x16xf32> to vector<16xf32>
      %swap3A_303 = vector.shape_cast %broadcast_in_dim3A_1 : vector<16xf32> to vector<1x16xf32>
      tpu.vector_store %arg8[%swap3A_299, %swap3A_300], %swap3A_303 {strides = array<i32>} : memref<128x128xf32, #tpu.memory_space<vmem>>, vector<1x16xf32>,
      %swap3A_304 = arith.index_cast %scan3A_284 : i32 to index
      %swap3A_305 = arith.constant 64 : index
      %swap3A_306 = tpu.vector_load %arg8[%swap3A_304, %swap3A_305] {strides = array<i32>} : memref<128x128xf32, #tpu.memory_space<vmem>>, vector<1x16xf32>,
      %swap3A_307 = vector.shape_cast %swap3A_306 : vector<1x16xf32> to vector<16xf32>
      %swap3A_308 = vector.shape_cast %broadcast_in_dim3A_1 : vector<16xf32> to vector<1x16xf32>
      tpu.vector_store %arg8[%swap3A_304, %swap3A_305], %swap3A_308 {strides = array<i32>} : memref<128x128xf32, #tpu.memory_space<vmem>>, vector<1x16xf32>,
      %swap3A_309 = arith.index_cast %scan3A_284 : i32 to index
      %swap3A_310 = arith.constant 80 : index
      %swap3A_311 = tpu.vector_load %arg8[%swap3A_309, %swap3A_310] {strides = array<i32>} : memref<128x128xf32, #tpu.memory_space<vmem>>, vector<1x16xf32>,
      %swap3A_312 = vector.shape_cast %swap3A_311 : vector<1x16xf32> to vector<16xf32>
      %swap3A_313 = vector.shape_cast %broadcast_in_dim3A_1 : vector<16xf32> to vector<1x16xf32>
      tpu.vector_store %arg8[%swap3A_309, %swap3A_310], %swap3A_313 {strides = array<i32>} : memref<128x128xf32, #tpu.memory_space<vmem>>, vector<1x16xf32>,
      %swap3A_314 = arith.index_cast %scan3A_284 : i32 to index
      %swap3A_315 = arith.constant 96 : index
      %swap3A_316 = tpu.vector_load %arg8[%swap3A_314, %swap3A_315] {strides = array<i32>} : memref<128x128xf32, #tpu.memory_space<vmem>>, vector<1x16xf32>,
      %swap3A_317 = vector.shape_cast %swap3A_316 : vector<1x16xf32> to vector<16xf32>
      %swap3A_318 = vector.shape_cast %broadcast_in_dim3A_1 : vector<16xf32> to vector<1x16xf32>
      tpu.vector_store %arg8[%swap3A_314, %swap3A_315], %swap3A_318 {strides = array<i32>} : memref<128x128xf32, #tpu.memory_space<vmem>>, vector<1x16xf32>,
      %swap3A_319 = arith.index_cast %scan3A_284 : i32 to index
      %swap3A_320 = arith.constant 112 : index
      %swap3A_321 = tpu.vector_load %arg8[%swap3A_319, %swap3A_320] {strides = array<i32>} : memref<128x128xf32, #tpu.memory_space<vmem>>, vector<1x16xf32>,
      %swap3A_322 = vector.shape_cast %swap3A_321 : vector<1x16xf32> to vector<16xf32>
      %swap3A_323 = vector.shape_cast %broadcast_in_dim3A_1 : vector<16xf32> to vector<1x16xf32>
      tpu.vector_store %arg8[%swap3A_319, %swap3A_320], %swap3A_323 {strides = array<i32>} : memref<128x128xf32, #tpu.memory_space<vmem>>, vector<1x16xf32>,
    }
    %scan3A_6 = arith.constant 128 : i32
    %mul3A_7 = arith.constant 80 : i32
    %mul3A_8 = arith.muli %add3A, %mul3A_7 : i32
    %add3A_9 = arith.constant 0 : i32
    %add3A_10 = arith.addi %mul3A_8, %add3A_9 : i32
    %run_scoped3A = arith.constant 0 : i32
    "tpu.region"() ({
      %run_scoped3A_284 = tpu.sem_alloc : memref<!tpu.dma_semaphore, #tpu.memory_space<semaphore_mem>>
      %dma_start3A_285 = arith.constant 0 : i32
      %dma_start3A_286 = arith.constant 0 : i32
      %dma_start3A_287 = tpu.memref_slice %arg3[%run_scoped3A, %dma_start3A_285, %dma_start3A_286] : memref<2x2560x125xi32, #tpu.memory_space<hbm>> -> memref<1x2560x125xi32, #tpu.memory_space<hbm>>
      %dma_start3A_288 = tpu.memref_squeeze %dma_start3A_287 : memref<1x2560x125xi32, #tpu.memory_space<hbm>> -> memref<2560x125xi32, #tpu.memory_space<hbm>>
      %dma_start3A_289 = arith.constant 0 : i32
      %dma_start3A_290 = tpu.memref_slice %dma_start3A_288[%add3A_10, %dma_start3A_289] : memref<2560x125xi32, #tpu.memory_space<hbm>> -> memref<40x125xi32, #tpu.memory_space<hbm>>
      %dma_start3A_291 = arith.constant 0 : i32
      %dma_start3A_292 = arith.constant 0 : i32
      %dma_start3A_293 = tpu.memref_slice %arg3[%run_scoped3A, %dma_start3A_291, %dma_start3A_292] : memref<2x2560x125xi32, #tpu.memory_space<hbm>> -> memref<1x2560x125xi32, #tpu.memory_space<hbm>>
      %dma_start3A_294 = tpu.memref_squeeze %dma_start3A_293 : memref<1x2560x125xi32, #tpu.memory_space<hbm>> -> memref<2560x125xi32, #tpu.memory_space<hbm>>
      %dma_start3A_295 = arith.constant 0 : i32
      %dma_start3A_296 = tpu.memref_slice %dma_start3A_294[%add3A_10, %dma_start3A_295] : memref<2560x125xi32, #tpu.memory_space<hbm>> -> memref<40x125xi32, #tpu.memory_space<hbm>>
      tpu.enqueue_dma source(%dma_start3A_296 : memref<40x125xi32, #tpu.memory_space<hbm>>) target(%arg6 : memref<40x125xi32, #tpu.memory_space<vmem>>) target_semaphore(%run_scoped3A_284 : memref<!tpu.dma_semaphore, #tpu.memory_space<semaphore_mem>>)
      %dma_wait3A_297 = arith.constant 0 : i32
      %dma_wait3A_298 = arith.constant 0 : i32
      %dma_wait3A_299 = tpu.memref_slice %arg3[%run_scoped3A, %dma_wait3A_297, %dma_wait3A_298] : memref<2x2560x125xi32, #tpu.memory_space<hbm>> -> memref<1x2560x125xi32, #tpu.memory_space<hbm>>
      %dma_wait3A_300 = tpu.memref_squeeze %dma_wait3A_299 : memref<1x2560x125xi32, #tpu.memory_space<hbm>> -> memref<2560x125xi32, #tpu.memory_space<hbm>>
      %dma_wait3A_301 = arith.constant 0 : i32
      %dma_wait3A_302 = tpu.memref_slice %dma_wait3A_300[%add3A_10, %dma_wait3A_301] : memref<2560x125xi32, #tpu.memory_space<hbm>> -> memref<40x125xi32, #tpu.memory_space<hbm>>
      %dma_wait3A_303 = arith.constant 0 : i32
      %dma_wait3A_304 = arith.constant 0 : i32
      %dma_wait3A_305 = tpu.memref_slice %arg3[%run_scoped3A, %dma_wait3A_303, %dma_wait3A_304] : memref<2x2560x125xi32, #tpu.memory_space<hbm>> -> memref<1x2560x125xi32, #tpu.memory_space<hbm>>
      %dma_wait3A_306 = tpu.memref_squeeze %dma_wait3A_305 : memref<1x2560x125xi32, #tpu.memory_space<hbm>> -> memref<2560x125xi32, #tpu.memory_space<hbm>>
      %dma_wait3A_307 = arith.constant 0 : i32
      %dma_wait3A_308 = tpu.memref_slice %dma_wait3A_306[%add3A_10, %dma_wait3A_307] : memref<2560x125xi32, #tpu.memory_space<hbm>> -> memref<40x125xi32, #tpu.memory_space<hbm>>
      tpu.wait_dma2 semaphore(%run_scoped3A_284 : memref<!tpu.dma_semaphore, #tpu.memory_space<semaphore_mem>>) src(%dma_wait3A_308 : memref<40x125xi32, #tpu.memory_space<hbm>>) dst(%arg6 : memref<40x125xi32, #tpu.memory_space<vmem>>)
      tpu.yield
    }) : () -> ()
    %mul3A_11 = arith.constant 80 : i32
    %mul3A_12 = arith.muli %add3A, %mul3A_11 : i32
    %add3A_13 = arith.constant 0 : i32
    %add3A_14 = arith.addi %mul3A_12, %add3A_13 : i32
    %run_scoped3A_15 = arith.constant 1 : i32
    "tpu.region"() ({
      %run_scoped3A_284 = tpu.sem_alloc : memref<!tpu.dma_semaphore, #tpu.memory_space<semaphore_mem>>
      %dma_start3A_285 = arith.constant 0 : i32
      %dma_start3A_286 = arith.constant 0 : i32
      %dma_start3A_287 = tpu.memref_slice %arg3[%run_scoped3A_15, %dma_start3A_285, %dma_start3A_286] : memref<2x2560x125xi32, #tpu.memory_space<hbm>> -> memref<1x2560x125xi32, #tpu.memory_space<hbm>>
      %dma_start3A_288 = tpu.memref_squeeze %dma_start3A_287 : memref<1x2560x125xi32, #tpu.memory_space<hbm>> -> memref<2560x125xi32, #tpu.memory_space<hbm>>
      %dma_start3A_289 = arith.constant 0 : i32
      %dma_start3A_290 = tpu.memref_slice %dma_start3A_288[%add3A_14, %dma_start3A_289] : memref<2560x125xi32, #tpu.memory_space<hbm>> -> memref<40x125xi32, #tpu.memory_space<hbm>>
      %dma_start3A_291 = arith.constant 0 : i32
      %dma_start3A_292 = arith.constant 0 : i32
      %dma_start3A_293 = tpu.memref_slice %arg3[%run_scoped3A_15, %dma_start3A_291, %dma_start3A_292] : memref<2x2560x125xi32, #tpu.memory_space<hbm>> -> memref<1x2560x125xi32, #tpu.memory_space<hbm>>
      %dma_start3A_294 = tpu.memref_squeeze %dma_start3A_293 : memref<1x2560x125xi32, #tpu.memory_space<hbm>> -> memref<2560x125xi32, #tpu.memory_space<hbm>>
      %dma_start3A_295 = arith.constant 0 : i32
      %dma_start3A_296 = tpu.memref_slice %dma_start3A_294[%add3A_14, %dma_start3A_295] : memref<2560x125xi32, #tpu.memory_space<hbm>> -> memref<40x125xi32, #tpu.memory_space<hbm>>
      tpu.enqueue_dma source(%dma_start3A_296 : memref<40x125xi32, #tpu.memory_space<hbm>>) target(%arg7 : memref<40x125xi32, #tpu.memory_space<vmem>>) target_semaphore(%run_scoped3A_284 : memref<!tpu.dma_semaphore, #tpu.memory_space<semaphore_mem>>)
      %dma_wait3A_297 = arith.constant 0 : i32
      %dma_wait3A_298 = arith.constant 0 : i32
      %dma_wait3A_299 = tpu.memref_slice %arg3[%run_scoped3A_15, %dma_wait3A_297, %dma_wait3A_298] : memref<2x2560x125xi32, #tpu.memory_space<hbm>> -> memref<1x2560x125xi32, #tpu.memory_space<hbm>>
      %dma_wait3A_300 = tpu.memref_squeeze %dma_wait3A_299 : memref<1x2560x125xi32, #tpu.memory_space<hbm>> -> memref<2560x125xi32, #tpu.memory_space<hbm>>
      %dma_wait3A_301 = arith.constant 0 : i32
      %dma_wait3A_302 = tpu.memref_slice %dma_wait3A_300[%add3A_14, %dma_wait3A_301] : memref<2560x125xi32, #tpu.memory_space<hbm>> -> memref<40x125xi32, #tpu.memory_space<hbm>>
      %dma_wait3A_303 = arith.constant 0 : i32
      %dma_wait3A_304 = arith.constant 0 : i32
      %dma_wait3A_305 = tpu.memref_slice %arg3[%run_scoped3A_15, %dma_wait3A_303, %dma_wait3A_304] : memref<2x2560x125xi32, #tpu.memory_space<hbm>> -> memref<1x2560x125xi32, #tpu.memory_space<hbm>>
      %dma_wait3A_306 = tpu.memref_squeeze %dma_wait3A_305 : memref<1x2560x125xi32, #tpu.memory_space<hbm>> -> memref<2560x125xi32, #tpu.memory_space<hbm>>
      %dma_wait3A_307 = arith.constant 0 : i32
      %dma_wait3A_308 = tpu.memref_slice %dma_wait3A_306[%add3A_14, %dma_wait3A_307] : memref<2560x125xi32, #tpu.memory_space<hbm>> -> memref<40x125xi32, #tpu.memory_space<hbm>>
      tpu.wait_dma2 semaphore(%run_scoped3A_284 : memref<!tpu.dma_semaphore, #tpu.memory_space<semaphore_mem>>) src(%dma_wait3A_308 : memref<40x125xi32, #tpu.memory_space<hbm>>) dst(%arg7 : memref<40x125xi32, #tpu.memory_space<vmem>>)
      tpu.yield
    }) : () -> ()
    %dma_start3A = arith.constant 1 : i32
    %dma_start3A_16 = arith.constant 0 : i32
    %dma_start3A_17 = arith.constant 0 : i32
    %dma_start3A_18 = tpu.memref_slice %arg9[%dma_start3A_16, %dma_start3A_17] : memref<128x128xf32, #tpu.memory_space<vmem>> -> memref<125x128xf32, #tpu.memory_space<vmem>>
    %dma_start3A_19 = arith.constant 0 : i32
    %dma_start3A_20 = tpu.memref_slice %arg6[%dma_start3A, %dma_start3A_19] : memref<40x125xi32, #tpu.memory_space<vmem>> -> memref<1x125xi32, #tpu.memory_space<vmem>>
    %dma_start3A_21 = tpu.memref_squeeze %dma_start3A_20 : memref<1x125xi32, #tpu.memory_space<vmem>> -> memref<125xi32, #tpu.memory_space<vmem>>
    %dma_start3A_22 = arith.constant 0 : i32
    %dma_start3A_23 = arith.constant 0 : i32
    %dma_start3A_24 = tpu.memref_slice %arg2[%dma_start3A_22, %dma_start3A_23] : memref<10000x128xf32, #tpu.memory_space<hbm>> -> memref<10000x128xf32, #tpu.memory_space<hbm>>
    tpu.enqueue_indirect_dma source(%dma_start3A_24 : memref<10000x128xf32, #tpu.memory_space<hbm>>) target(%dma_start3A_18 : memref<125x128xf32, #tpu.memory_space<vmem>>) offsets(%dma_start3A_21 : memref<125xi32, #tpu.memory_space<vmem>>) semaphore(%arg12 : memref<!tpu.dma_semaphore, #tpu.memory_space<semaphore_mem>>)
    %mul3A_25 = arith.constant 640 : i32
    %mul3A_26 = arith.muli %arg1, %mul3A_25 : i32
    %add3A_27 = arith.constant 0 : i32
    %add3A_28 = arith.addi %mul3A_26, %add3A_27 : i32
    %dma_start3A_29 = arith.constant 0 : i32
    %dma_start3A_30 = tpu.memref_slice %arg10[%add3A_28, %dma_start3A_29] : memref<10240x128xf32, #tpu.memory_space<vmem_shared>> -> memref<128x128xf32, #tpu.memory_space<vmem_shared>>
    %dma_start3A_31 = arith.constant 0 : i32
    %dma_start3A_32 = tpu.memref_slice %arg10[%add3A_28, %dma_start3A_31] : memref<10240x128xf32, #tpu.memory_space<vmem_shared>> -> memref<128x128xf32, #tpu.memory_space<vmem_shared>>
    tpu.enqueue_dma source(%arg8 : memref<128x128xf32, #tpu.memory_space<vmem>>) target(%dma_start3A_32 : memref<128x128xf32, #tpu.memory_space<vmem_shared>>) target_semaphore(%arg13 : memref<!tpu.dma_semaphore, #tpu.memory_space<semaphore_mem>>)
    %mul3A_33 = arith.constant 640 : i32
    %mul3A_34 = arith.muli %arg1, %mul3A_33 : i32
    %add3A_35 = arith.constant 128 : i32
    %add3A_36 = arith.addi %mul3A_34, %add3A_35 : i32
    %dma_start3A_37 = arith.constant 0 : i32
    %dma_start3A_38 = tpu.memref_slice %arg10[%add3A_36, %dma_start3A_37] : memref<10240x128xf32, #tpu.memory_space<vmem_shared>> -> memref<128x128xf32, #tpu.memory_space<vmem_shared>>
    %dma_start3A_39 = arith.constant 0 : i32
    %dma_start3A_40 = tpu.memref_slice %arg10[%add3A_36, %dma_start3A_39] : memref<10240x128xf32, #tpu.memory_space<vmem_shared>> -> memref<128x128xf32, #tpu.memory_space<vmem_shared>>
    tpu.enqueue_dma source(%arg8 : memref<128x128xf32, #tpu.memory_space<vmem>>) target(%dma_start3A_40 : memref<128x128xf32, #tpu.memory_space<vmem_shared>>) target_semaphore(%arg13 : memref<!tpu.dma_semaphore, #tpu.memory_space<semaphore_mem>>)
    %mul3A_41 = arith.constant 640 : i32
    %mul3A_42 = arith.muli %arg1, %mul3A_41 : i32
    %add3A_43 = arith.constant 256 : i32
    %add3A_44 = arith.addi %mul3A_42, %add3A_43 : i32
    %dma_start3A_45 = arith.constant 0 : i32
    %dma_start3A_46 = tpu.memref_slice %arg10[%add3A_44, %dma_start3A_45] : memref<10240x128xf32, #tpu.memory_space<vmem_shared>> -> memref<128x128xf32, #tpu.memory_space<vmem_shared>>
    %dma_start3A_47 = arith.constant 0 : i32
    %dma_start3A_48 = tpu.memref_slice %arg10[%add3A_44, %dma_start3A_47] : memref<10240x128xf32, #tpu.memory_space<vmem_shared>> -> memref<128x128xf32, #tpu.memory_space<vmem_shared>>
    tpu.enqueue_dma source(%arg8 : memref<128x128xf32, #tpu.memory_space<vmem>>) target(%dma_start3A_48 : memref<128x128xf32, #tpu.memory_space<vmem_shared>>) target_semaphore(%arg13 : memref<!tpu.dma_semaphore, #tpu.memory_space<semaphore_mem>>)
    %mul3A_49 = arith.constant 640 : i32
    %mul3A_50 = arith.muli %arg1, %mul3A_49 : i32
    %add3A_51 = arith.constant 384 : i32
    %add3A_52 = arith.addi %mul3A_50, %add3A_51 : i32
    %dma_start3A_53 = arith.constant 0 : i32
    %dma_start3A_54 = tpu.memref_slice %arg10[%add3A_52, %dma_start3A_53] : memref<10240x128xf32, #tpu.memory_space<vmem_shared>> -> memref<128x128xf32, #tpu.memory_space<vmem_shared>>
    %dma_start3A_55 = arith.constant 0 : i32
    %dma_start3A_56 = tpu.memref_slice %arg10[%add3A_52, %dma_start3A_55] : memref<10240x128xf32, #tpu.memory_space<vmem_shared>> -> memref<128x128xf32, #tpu.memory_space<vmem_shared>>
    tpu.enqueue_dma source(%arg8 : memref<128x128xf32, #tpu.memory_space<vmem>>) target(%dma_start3A_56 : memref<128x128xf32, #tpu.memory_space<vmem_shared>>) target_semaphore(%arg13 : memref<!tpu.dma_semaphore, #tpu.memory_space<semaphore_mem>>)
    %mul3A_57 = arith.constant 640 : i32
    %mul3A_58 = arith.muli %arg1, %mul3A_57 : i32
    %add3A_59 = arith.constant 512 : i32
    %add3A_60 = arith.addi %mul3A_58, %add3A_59 : i32
    %dma_start3A_61 = arith.constant 0 : i32
    %dma_start3A_62 = tpu.memref_slice %arg10[%add3A_60, %dma_start3A_61] : memref<10240x128xf32, #tpu.memory_space<vmem_shared>> -> memref<128x128xf32, #tpu.memory_space<vmem_shared>>
    %dma_start3A_63 = arith.constant 0 : i32
    %dma_start3A_64 = tpu.memref_slice %arg10[%add3A_60, %dma_start3A_63] : memref<10240x128xf32, #tpu.memory_space<vmem_shared>> -> memref<128x128xf32, #tpu.memory_space<vmem_shared>>
    tpu.enqueue_dma source(%arg8 : memref<128x128xf32, #tpu.memory_space<vmem>>) target(%dma_start3A_64 : memref<128x128xf32, #tpu.memory_space<vmem_shared>>) target_semaphore(%arg13 : memref<!tpu.dma_semaphore, #tpu.memory_space<semaphore_mem>>)
    %mul3A_65 = arith.constant 640 : i32
    %mul3A_66 = arith.muli %arg1, %mul3A_65 : i32
    %add3A_67 = arith.constant 0 : i32
    %add3A_68 = arith.addi %mul3A_66, %add3A_67 : i32
    %dma_wait3A = arith.constant 0 : i32
    %dma_wait3A_69 = tpu.memref_slice %arg10[%add3A_68, %dma_wait3A] : memref<10240x128xf32, #tpu.memory_space<vmem_shared>> -> memref<128x128xf32, #tpu.memory_space<vmem_shared>>
    %dma_wait3A_70 = arith.constant 0 : i32
    %dma_wait3A_71 = tpu.memref_slice %arg10[%add3A_68, %dma_wait3A_70] : memref<10240x128xf32, #tpu.memory_space<vmem_shared>> -> memref<128x128xf32, #tpu.memory_space<vmem_shared>>
    tpu.wait_dma2 semaphore(%arg13 : memref<!tpu.dma_semaphore, #tpu.memory_space<semaphore_mem>>) src(%arg8 : memref<128x128xf32, #tpu.memory_space<vmem>>) dst(%dma_wait3A_71 : memref<128x128xf32, #tpu.memory_space<vmem_shared>>)
    %mul3A_72 = arith.constant 640 : i32
    %mul3A_73 = arith.muli %arg1, %mul3A_72 : i32
    %add3A_74 = arith.constant 128 : i32
    %add3A_75 = arith.addi %mul3A_73, %add3A_74 : i32
    %dma_wait3A_76 = arith.constant 0 : i32
    %dma_wait3A_77 = tpu.memref_slice %arg10[%add3A_75, %dma_wait3A_76] : memref<10240x128xf32, #tpu.memory_space<vmem_shared>> -> memref<128x128xf32, #tpu.memory_space<vmem_shared>>
    %dma_wait3A_78 = arith.constant 0 : i32
    %dma_wait3A_79 = tpu.memref_slice %arg10[%add3A_75, %dma_wait3A_78] : memref<10240x128xf32, #tpu.memory_space<vmem_shared>> -> memref<128x128xf32, #tpu.memory_space<vmem_shared>>
    tpu.wait_dma2 semaphore(%arg13 : memref<!tpu.dma_semaphore, #tpu.memory_space<semaphore_mem>>) src(%arg8 : memref<128x128xf32, #tpu.memory_space<vmem>>) dst(%dma_wait3A_79 : memref<128x128xf32, #tpu.memory_space<vmem_shared>>)
    %mul3A_80 = arith.constant 640 : i32
    %mul3A_81 = arith.muli %arg1, %mul3A_80 : i32
    %add3A_82 = arith.constant 256 : i32
    %add3A_83 = arith.addi %mul3A_81, %add3A_82 : i32
    %dma_wait3A_84 = arith.constant 0 : i32
    %dma_wait3A_85 = tpu.memref_slice %arg10[%add3A_83, %dma_wait3A_84] : memref<10240x128xf32, #tpu.memory_space<vmem_shared>> -> memref<128x128xf32, #tpu.memory_space<vmem_shared>>
    %dma_wait3A_86 = arith.constant 0 : i32
    %dma_wait3A_87 = tpu.memref_slice %arg10[%add3A_83, %dma_wait3A_86] : memref<10240x128xf32, #tpu.memory_space<vmem_shared>> -> memref<128x128xf32, #tpu.memory_space<vmem_shared>>
    tpu.wait_dma2 semaphore(%arg13 : memref<!tpu.dma_semaphore, #tpu.memory_space<semaphore_mem>>) src(%arg8 : memref<128x128xf32, #tpu.memory_space<vmem>>) dst(%dma_wait3A_87 : memref<128x128xf32, #tpu.memory_space<vmem_shared>>)
    %mul3A_88 = arith.constant 640 : i32
    %mul3A_89 = arith.muli %arg1, %mul3A_88 : i32
    %add3A_90 = arith.constant 384 : i32
    %add3A_91 = arith.addi %mul3A_89, %add3A_90 : i32
    %dma_wait3A_92 = arith.constant 0 : i32
    %dma_wait3A_93 = tpu.memref_slice %arg10[%add3A_91, %dma_wait3A_92] : memref<10240x128xf32, #tpu.memory_space<vmem_shared>> -> memref<128x128xf32, #tpu.memory_space<vmem_shared>>
    %dma_wait3A_94 = arith.constant 0 : i32
    %dma_wait3A_95 = tpu.memref_slice %arg10[%add3A_91, %dma_wait3A_94] : memref<10240x128xf32, #tpu.memory_space<vmem_shared>> -> memref<128x128xf32, #tpu.memory_space<vmem_shared>>
    tpu.wait_dma2 semaphore(%arg13 : memref<!tpu.dma_semaphore, #tpu.memory_space<semaphore_mem>>) src(%arg8 : memref<128x128xf32, #tpu.memory_space<vmem>>) dst(%dma_wait3A_95 : memref<128x128xf32, #tpu.memory_space<vmem_shared>>)
    %mul3A_96 = arith.constant 640 : i32
    %mul3A_97 = arith.muli %arg1, %mul3A_96 : i32
    %add3A_98 = arith.constant 512 : i32
    %add3A_99 = arith.addi %mul3A_97, %add3A_98 : i32
    %dma_wait3A_100 = arith.constant 0 : i32
    %dma_wait3A_101 = tpu.memref_slice %arg10[%add3A_99, %dma_wait3A_100] : memref<10240x128xf32, #tpu.memory_space<vmem_shared>> -> memref<128x128xf32, #tpu.memory_space<vmem_shared>>
    %dma_wait3A_102 = arith.constant 0 : i32
    %dma_wait3A_103 = tpu.memref_slice %arg10[%add3A_99, %dma_wait3A_102] : memref<10240x128xf32, #tpu.memory_space<vmem_shared>> -> memref<128x128xf32, #tpu.memory_space<vmem_shared>>
    tpu.wait_dma2 semaphore(%arg13 : memref<!tpu.dma_semaphore, #tpu.memory_space<semaphore_mem>>) src(%arg8 : memref<128x128xf32, #tpu.memory_space<vmem>>) dst(%dma_wait3A_103 : memref<128x128xf32, #tpu.memory_space<vmem_shared>>)
    %dma_start3A_104 = arith.constant 0 : i32
    %dma_start3A_105 = arith.constant 0 : i32
    %dma_start3A_106 = arith.constant 0 : i32
    %dma_start3A_107 = tpu.memref_slice %arg8[%dma_start3A_105, %dma_start3A_106] : memref<128x128xf32, #tpu.memory_space<vmem>> -> memref<125x128xf32, #tpu.memory_space<vmem>>
    %dma_start3A_108 = arith.constant 0 : i32
    %dma_start3A_109 = tpu.memref_slice %arg6[%dma_start3A_104, %dma_start3A_108] : memref<40x125xi32, #tpu.memory_space<vmem>> -> memref<1x125xi32, #tpu.memory_space<vmem>>
    %dma_start3A_110 = tpu.memref_squeeze %dma_start3A_109 : memref<1x125xi32, #tpu.memory_space<vmem>> -> memref<125xi32, #tpu.memory_space<vmem>>
    %dma_start3A_111 = arith.constant 0 : i32
    %dma_start3A_112 = arith.constant 0 : i32
    %dma_start3A_113 = tpu.memref_slice %arg2[%dma_start3A_111, %dma_start3A_112] : memref<10000x128xf32, #tpu.memory_space<hbm>> -> memref<10000x128xf32, #tpu.memory_space<hbm>>
    tpu.enqueue_indirect_dma source(%dma_start3A_113 : memref<10000x128xf32, #tpu.memory_space<hbm>>) target(%dma_start3A_107 : memref<125x128xf32, #tpu.memory_space<vmem>>) offsets(%dma_start3A_110 : memref<125xi32, #tpu.memory_space<vmem>>) semaphore(%arg11 : memref<!tpu.dma_semaphore, #tpu.memory_space<semaphore_mem>>)
    %barrier3A = arith.constant 0 : index
    tpu.barrier barrier_id(%barrier3A)
    %scan3A_114 = arith.constant 0 : i32
    %scan3A_115 = arith.constant 0 : i32
    %scan3A_116 = arith.constant 19 : i32
    %scan3A_117 = arith.addi %scan3A_115, %scan3A_116 : i32
    %scan3A_118 = arith.constant 1 : i32
    scf.for %scan3A_284 = %scan3A_115 to %scan3A_117 step %scan3A_118  : i32 {
      %mul3A_285 = arith.constant 2 : i32
      %mul3A_286 = arith.muli %mul3A_285, %scan3A_284 : i32
      %add3A_287 = arith.constant 0 : i32
      %add3A_288 = arith.addi %mul3A_286, %add3A_287 : i32
      %dma_wait3A_289 = arith.constant 0 : i32
      %dma_wait3A_290 = arith.constant 0 : i32
      %dma_wait3A_291 = tpu.memref_slice %arg8[%dma_wait3A_289, %dma_wait3A_290] : memref<128x128xf32, #tpu.memory_space<vmem>> -> memref<125x128xf32, #tpu.memory_space<vmem>>
      %dma_wait3A_292 = arith.constant 0 : i32
      %dma_wait3A_293 = tpu.memref_slice %arg6[%add3A_288, %dma_wait3A_292] : memref<40x125xi32, #tpu.memory_space<vmem>> -> memref<1x125xi32, #tpu.memory_space<vmem>>
      %dma_wait3A_294 = tpu.memref_squeeze %dma_wait3A_293 : memref<1x125xi32, #tpu.memory_space<vmem>> -> memref<125xi32, #tpu.memory_space<vmem>>
      %dma_wait3A_295 = arith.constant 0 : i32
      %dma_wait3A_296 = arith.constant 0 : i32
      %dma_wait3A_297 = tpu.memref_slice %arg2[%dma_wait3A_295, %dma_wait3A_296] : memref<10000x128xf32, #tpu.memory_space<hbm>> -> memref<10000x128xf32, #tpu.memory_space<hbm>>
      tpu.wait_indirect_dma semaphore(%arg11 : memref<!tpu.dma_semaphore, #tpu.memory_space<semaphore_mem>>) src(%dma_wait3A_297 : memref<10000x128xf32, #tpu.memory_space<hbm>>) dst(%dma_wait3A_291 : memref<125x128xf32, #tpu.memory_space<vmem>>)
      %dma_start3A_298 = arith.constant 0 : i32
      %dma_start3A_299 = arith.constant 0 : i32
      %dma_start3A_300 = tpu.memref_slice %arg8[%dma_start3A_298, %dma_start3A_299] : memref<128x128xf32, #tpu.memory_space<vmem>> -> memref<125x128xf32, #tpu.memory_space<vmem>>
      %dma_start3A_301 = arith.constant 0 : i32
      %dma_start3A_302 = tpu.memref_slice %arg7[%add3A_288, %dma_start3A_301] : memref<40x125xi32, #tpu.memory_space<vmem>> -> memref<1x125xi32, #tpu.memory_space<vmem>>
      %dma_start3A_303 = tpu.memref_squeeze %dma_start3A_302 : memref<1x125xi32, #tpu.memory_space<vmem>> -> memref<125xi32, #tpu.memory_space<vmem>>
      %dma_start3A_304 = arith.constant 0 : i32
      %dma_start3A_305 = arith.constant 0 : i32
      %dma_start3A_306 = tpu.memref_slice %arg10[%dma_start3A_304, %dma_start3A_305] : memref<10240x128xf32, #tpu.memory_space<vmem_shared>> -> memref<10240x128xf32, #tpu.memory_space<vmem_shared>>
      tpu.enqueue_indirect_dma source(%dma_start3A_300 : memref<125x128xf32, #tpu.memory_space<vmem>>) target(%dma_start3A_306 : memref<10240x128xf32, #tpu.memory_space<vmem_shared>>) offsets(%dma_start3A_303 : memref<125xi32, #tpu.memory_space<vmem>>) semaphore(%arg13 : memref<!tpu.dma_semaphore, #tpu.memory_space<semaphore_mem>>) {add = true}
      %dma_wait3A_307 = arith.constant 0 : i32
      %dma_wait3A_308 = arith.constant 0 : i32
      %dma_wait3A_309 = tpu.memref_slice %arg8[%dma_wait3A_307, %dma_wait3A_308] : memref<128x128xf32, #tpu.memory_space<vmem>> -> memref<125x128xf32, #tpu.memory_space<vmem>>
      %dma_wait3A_310 = arith.constant 0 : i32
      %dma_wait3A_311 = tpu.memref_slice %arg7[%add3A_288, %dma_wait3A_310] : memref<40x125xi32, #tpu.memory_space<vmem>> -> memref<1x125xi32, #tpu.memory_space<vmem>>
      %dma_wait3A_312 = tpu.memref_squeeze %dma_wait3A_311 : memref<1x125xi32, #tpu.memory_space<vmem>> -> memref<125xi32, #tpu.memory_space<vmem>>
      %dma_wait3A_313 = arith.constant 0 : i32
      %dma_wait3A_314 = arith.constant 0 : i32
      %dma_wait3A_315 = tpu.memref_slice %arg10[%dma_wait3A_313, %dma_wait3A_314] : memref<10240x128xf32, #tpu.memory_space<vmem_shared>> -> memref<10240x128xf32, #tpu.memory_space<vmem_shared>>
      tpu.wait_indirect_dma semaphore(%arg13 : memref<!tpu.dma_semaphore, #tpu.memory_space<semaphore_mem>>) src(%dma_wait3A_309 : memref<125x128xf32, #tpu.memory_space<vmem>>) dst(%dma_wait3A_315 : memref<10240x128xf32, #tpu.memory_space<vmem_shared>>)
      %add3A_316 = arith.constant 2 : i32
      %add3A_317 = arith.addi %add3A_288, %add3A_316 : i32
      %dma_start3A_318 = arith.constant 0 : i32
      %dma_start3A_319 = arith.constant 0 : i32
      %dma_start3A_320 = tpu.memref_slice %arg8[%dma_start3A_318, %dma_start3A_319] : memref<128x128xf32, #tpu.memory_space<vmem>> -> memref<125x128xf32, #tpu.memory_space<vmem>>
      %dma_start3A_321 = arith.constant 0 : i32
      %dma_start3A_322 = tpu.memref_slice %arg6[%add3A_317, %dma_start3A_321] : memref<40x125xi32, #tpu.memory_space<vmem>> -> memref<1x125xi32, #tpu.memory_space<vmem>>
      %dma_start3A_323 = tpu.memref_squeeze %dma_start3A_322 : memref<1x125xi32, #tpu.memory_space<vmem>> -> memref<125xi32, #tpu.memory_space<vmem>>
      %dma_start3A_324 = arith.constant 0 : i32
      %dma_start3A_325 = arith.constant 0 : i32
      %dma_start3A_326 = tpu.memref_slice %arg2[%dma_start3A_324, %dma_start3A_325] : memref<10000x128xf32, #tpu.memory_space<hbm>> -> memref<10000x128xf32, #tpu.memory_space<hbm>>
      tpu.enqueue_indirect_dma source(%dma_start3A_326 : memref<10000x128xf32, #tpu.memory_space<hbm>>) target(%dma_start3A_320 : memref<125x128xf32, #tpu.memory_space<vmem>>) offsets(%dma_start3A_323 : memref<125xi32, #tpu.memory_space<vmem>>) semaphore(%arg11 : memref<!tpu.dma_semaphore, #tpu.memory_space<semaphore_mem>>)
      %mul3A_327 = arith.constant 2 : i32
      %mul3A_328 = arith.muli %mul3A_327, %scan3A_284 : i32
      %add3A_329 = arith.constant 1 : i32
      %add3A_330 = arith.addi %mul3A_328, %add3A_329 : i32
      %dma_wait3A_331 = arith.constant 0 : i32
      %dma_wait3A_332 = arith.constant 0 : i32
      %dma_wait3A_333 = tpu.memref_slice %arg9[%dma_wait3A_331, %dma_wait3A_332] : memref<128x128xf32, #tpu.memory_space<vmem>> -> memref<125x128xf32, #tpu.memory_space<vmem>>
      %dma_wait3A_334 = arith.constant 0 : i32
      %dma_wait3A_335 = tpu.memref_slice %arg6[%add3A_330, %dma_wait3A_334] : memref<40x125xi32, #tpu.memory_space<vmem>> -> memref<1x125xi32, #tpu.memory_space<vmem>>
      %dma_wait3A_336 = tpu.memref_squeeze %dma_wait3A_335 : memref<1x125xi32, #tpu.memory_space<vmem>> -> memref<125xi32, #tpu.memory_space<vmem>>
      %dma_wait3A_337 = arith.constant 0 : i32
      %dma_wait3A_338 = arith.constant 0 : i32
      %dma_wait3A_339 = tpu.memref_slice %arg2[%dma_wait3A_337, %dma_wait3A_338] : memref<10000x128xf32, #tpu.memory_space<hbm>> -> memref<10000x128xf32, #tpu.memory_space<hbm>>
      tpu.wait_indirect_dma semaphore(%arg12 : memref<!tpu.dma_semaphore, #tpu.memory_space<semaphore_mem>>) src(%dma_wait3A_339 : memref<10000x128xf32, #tpu.memory_space<hbm>>) dst(%dma_wait3A_333 : memref<125x128xf32, #tpu.memory_space<vmem>>)
      %dma_start3A_340 = arith.constant 0 : i32
      %dma_start3A_341 = arith.constant 0 : i32
      %dma_start3A_342 = tpu.memref_slice %arg9[%dma_start3A_340, %dma_start3A_341] : memref<128x128xf32, #tpu.memory_space<vmem>> -> memref<125x128xf32, #tpu.memory_space<vmem>>
      %dma_start3A_343 = arith.constant 0 : i32
      %dma_start3A_344 = tpu.memref_slice %arg7[%add3A_330, %dma_start3A_343] : memref<40x125xi32, #tpu.memory_space<vmem>> -> memref<1x125xi32, #tpu.memory_space<vmem>>
      %dma_start3A_345 = tpu.memref_squeeze %dma_start3A_344 : memref<1x125xi32, #tpu.memory_space<vmem>> -> memref<125xi32, #tpu.memory_space<vmem>>
      %dma_start3A_346 = arith.constant 0 : i32
      %dma_start3A_347 = arith.constant 0 : i32
      %dma_start3A_348 = tpu.memref_slice %arg10[%dma_start3A_346, %dma_start3A_347] : memref<10240x128xf32, #tpu.memory_space<vmem_shared>> -> memref<10240x128xf32, #tpu.memory_space<vmem_shared>>
      tpu.enqueue_indirect_dma source(%dma_start3A_342 : memref<125x128xf32, #tpu.memory_space<vmem>>) target(%dma_start3A_348 : memref<10240x128xf32, #tpu.memory_space<vmem_shared>>) offsets(%dma_start3A_345 : memref<125xi32, #tpu.memory_space<vmem>>) semaphore(%arg14 : memref<!tpu.dma_semaphore, #tpu.memory_space<semaphore_mem>>) {add = true}
      %dma_wait3A_349 = arith.constant 0 : i32
      %dma_wait3A_350 = arith.constant 0 : i32
      %dma_wait3A_351 = tpu.memref_slice %arg9[%dma_wait3A_349, %dma_wait3A_350] : memref<128x128xf32, #tpu.memory_space<vmem>> -> memref<125x128xf32, #tpu.memory_space<vmem>>
      %dma_wait3A_352 = arith.constant 0 : i32
      %dma_wait3A_353 = tpu.memref_slice %arg7[%add3A_330, %dma_wait3A_352] : memref<40x125xi32, #tpu.memory_space<vmem>> -> memref<1x125xi32, #tpu.memory_space<vmem>>
      %dma_wait3A_354 = tpu.memref_squeeze %dma_wait3A_353 : memref<1x125xi32, #tpu.memory_space<vmem>> -> memref<125xi32, #tpu.memory_space<vmem>>
      %dma_wait3A_355 = arith.constant 0 : i32
      %dma_wait3A_356 = arith.constant 0 : i32
      %dma_wait3A_357 = tpu.memref_slice %arg10[%dma_wait3A_355, %dma_wait3A_356] : memref<10240x128xf32, #tpu.memory_space<vmem_shared>> -> memref<10240x128xf32, #tpu.memory_space<vmem_shared>>
      tpu.wait_indirect_dma semaphore(%arg14 : memref<!tpu.dma_semaphore, #tpu.memory_space<semaphore_mem>>) src(%dma_wait3A_351 : memref<125x128xf32, #tpu.memory_space<vmem>>) dst(%dma_wait3A_357 : memref<10240x128xf32, #tpu.memory_space<vmem_shared>>)
      %add3A_358 = arith.constant 2 : i32
      %add3A_359 = arith.addi %add3A_330, %add3A_358 : i32
      %dma_start3A_360 = arith.constant 0 : i32
      %dma_start3A_361 = arith.constant 0 : i32
      %dma_start3A_362 = tpu.memref_slice %arg9[%dma_start3A_360, %dma_start3A_361] : memref<128x128xf32, #tpu.memory_space<vmem>> -> memref<125x128xf32, #tpu.memory_space<vmem>>
      %dma_start3A_363 = arith.constant 0 : i32
      %dma_start3A_364 = tpu.memref_slice %arg6[%add3A_359, %dma_start3A_363] : memref<40x125xi32, #tpu.memory_space<vmem>> -> memref<1x125xi32, #tpu.memory_space<vmem>>
      %dma_start3A_365 = tpu.memref_squeeze %dma_start3A_364 : memref<1x125xi32, #tpu.memory_space<vmem>> -> memref<125xi32, #tpu.memory_space<vmem>>
      %dma_start3A_366 = arith.constant 0 : i32
      %dma_start3A_367 = arith.constant 0 : i32
      %dma_start3A_368 = tpu.memref_slice %arg2[%dma_start3A_366, %dma_start3A_367] : memref<10000x128xf32, #tpu.memory_space<hbm>> -> memref<10000x128xf32, #tpu.memory_space<hbm>>
      tpu.enqueue_indirect_dma source(%dma_start3A_368 : memref<10000x128xf32, #tpu.memory_space<hbm>>) target(%dma_start3A_362 : memref<125x128xf32, #tpu.memory_space<vmem>>) offsets(%dma_start3A_365 : memref<125xi32, #tpu.memory_space<vmem>>) semaphore(%arg12 : memref<!tpu.dma_semaphore, #tpu.memory_space<semaphore_mem>>)
    }
    %scan3A_119 = arith.constant 19 : i32
    %dma_wait3A_120 = arith.constant 38 : i32
    %dma_wait3A_121 = arith.constant 0 : i32
    %dma_wait3A_122 = arith.constant 0 : i32
    %dma_wait3A_123 = tpu.memref_slice %arg8[%dma_wait3A_121, %dma_wait3A_122] : memref<128x128xf32, #tpu.memory_space<vmem>> -> memref<125x128xf32, #tpu.memory_space<vmem>>
    %dma_wait3A_124 = arith.constant 0 : i32
    %dma_wait3A_125 = tpu.memref_slice %arg6[%dma_wait3A_120, %dma_wait3A_124] : memref<40x125xi32, #tpu.memory_space<vmem>> -> memref<1x125xi32, #tpu.memory_space<vmem>>
    %dma_wait3A_126 = tpu.memref_squeeze %dma_wait3A_125 : memref<1x125xi32, #tpu.memory_space<vmem>> -> memref<125xi32, #tpu.memory_space<vmem>>
    %dma_wait3A_127 = arith.constant 0 : i32
    %dma_wait3A_128 = arith.constant 0 : i32
    %dma_wait3A_129 = tpu.memref_slice %arg2[%dma_wait3A_127, %dma_wait3A_128] : memref<10000x128xf32, #tpu.memory_space<hbm>> -> memref<10000x128xf32, #tpu.memory_space<hbm>>
    tpu.wait_indirect_dma semaphore(%arg11 : memref<!tpu.dma_semaphore, #tpu.memory_space<semaphore_mem>>) src(%dma_wait3A_129 : memref<10000x128xf32, #tpu.memory_space<hbm>>) dst(%dma_wait3A_123 : memref<125x128xf32, #tpu.memory_space<vmem>>)
    %dma_start3A_130 = arith.constant 38 : i32
    %dma_start3A_131 = arith.constant 0 : i32
    %dma_start3A_132 = arith.constant 0 : i32
    %dma_start3A_133 = tpu.memref_slice %arg8[%dma_start3A_131, %dma_start3A_132] : memref<128x128xf32, #tpu.memory_space<vmem>> -> memref<125x128xf32, #tpu.memory_space<vmem>>
    %dma_start3A_134 = arith.constant 0 : i32
    %dma_start3A_135 = tpu.memref_slice %arg7[%dma_start3A_130, %dma_start3A_134] : memref<40x125xi32, #tpu.memory_space<vmem>> -> memref<1x125xi32, #tpu.memory_space<vmem>>
    %dma_start3A_136 = tpu.memref_squeeze %dma_start3A_135 : memref<1x125xi32, #tpu.memory_space<vmem>> -> memref<125xi32, #tpu.memory_space<vmem>>
    %dma_start3A_137 = arith.constant 0 : i32
    %dma_start3A_138 = arith.constant 0 : i32
    %dma_start3A_139 = tpu.memref_slice %arg10[%dma_start3A_137, %dma_start3A_138] : memref<10240x128xf32, #tpu.memory_space<vmem_shared>> -> memref<10240x128xf32, #tpu.memory_space<vmem_shared>>
    tpu.enqueue_indirect_dma source(%dma_start3A_133 : memref<125x128xf32, #tpu.memory_space<vmem>>) target(%dma_start3A_139 : memref<10240x128xf32, #tpu.memory_space<vmem_shared>>) offsets(%dma_start3A_136 : memref<125xi32, #tpu.memory_space<vmem>>) semaphore(%arg13 : memref<!tpu.dma_semaphore, #tpu.memory_space<semaphore_mem>>) {add = true}
    %dma_wait3A_140 = arith.constant 38 : i32
    %dma_wait3A_141 = arith.constant 0 : i32
    %dma_wait3A_142 = arith.constant 0 : i32
    %dma_wait3A_143 = tpu.memref_slice %arg8[%dma_wait3A_141, %dma_wait3A_142] : memref<128x128xf32, #tpu.memory_space<vmem>> -> memref<125x128xf32, #tpu.memory_space<vmem>>
    %dma_wait3A_144 = arith.constant 0 : i32
    %dma_wait3A_145 = tpu.memref_slice %arg7[%dma_wait3A_140, %dma_wait3A_144] : memref<40x125xi32, #tpu.memory_space<vmem>> -> memref<1x125xi32, #tpu.memory_space<vmem>>
    %dma_wait3A_146 = tpu.memref_squeeze %dma_wait3A_145 : memref<1x125xi32, #tpu.memory_space<vmem>> -> memref<125xi32, #tpu.memory_space<vmem>>
    %dma_wait3A_147 = arith.constant 0 : i32
    %dma_wait3A_148 = arith.constant 0 : i32
    %dma_wait3A_149 = tpu.memref_slice %arg10[%dma_wait3A_147, %dma_wait3A_148] : memref<10240x128xf32, #tpu.memory_space<vmem_shared>> -> memref<10240x128xf32, #tpu.memory_space<vmem_shared>>
    tpu.wait_indirect_dma semaphore(%arg13 : memref<!tpu.dma_semaphore, #tpu.memory_space<semaphore_mem>>) src(%dma_wait3A_143 : memref<125x128xf32, #tpu.memory_space<vmem>>) dst(%dma_wait3A_149 : memref<10240x128xf32, #tpu.memory_space<vmem_shared>>)
    %dma_wait3A_150 = arith.constant 39 : i32
    %dma_wait3A_151 = arith.constant 0 : i32
    %dma_wait3A_152 = arith.constant 0 : i32
    %dma_wait3A_153 = tpu.memref_slice %arg9[%dma_wait3A_151, %dma_wait3A_152] : memref<128x128xf32, #tpu.memory_space<vmem>> -> memref<125x128xf32, #tpu.memory_space<vmem>>
    %dma_wait3A_154 = arith.constant 0 : i32
    %dma_wait3A_155 = tpu.memref_slice %arg6[%dma_wait3A_150, %dma_wait3A_154] : memref<40x125xi32, #tpu.memory_space<vmem>> -> memref<1x125xi32, #tpu.memory_space<vmem>>
    %dma_wait3A_156 = tpu.memref_squeeze %dma_wait3A_155 : memref<1x125xi32, #tpu.memory_space<vmem>> -> memref<125xi32, #tpu.memory_space<vmem>>
    %dma_wait3A_157 = arith.constant 0 : i32
    %dma_wait3A_158 = arith.constant 0 : i32
    %dma_wait3A_159 = tpu.memref_slice %arg2[%dma_wait3A_157, %dma_wait3A_158] : memref<10000x128xf32, #tpu.memory_space<hbm>> -> memref<10000x128xf32, #tpu.memory_space<hbm>>
    tpu.wait_indirect_dma semaphore(%arg12 : memref<!tpu.dma_semaphore, #tpu.memory_space<semaphore_mem>>) src(%dma_wait3A_159 : memref<10000x128xf32, #tpu.memory_space<hbm>>) dst(%dma_wait3A_153 : memref<125x128xf32, #tpu.memory_space<vmem>>)
    %dma_start3A_160 = arith.constant 39 : i32
    %dma_start3A_161 = arith.constant 0 : i32
    %dma_start3A_162 = arith.constant 0 : i32
    %dma_start3A_163 = tpu.memref_slice %arg9[%dma_start3A_161, %dma_start3A_162] : memref<128x128xf32, #tpu.memory_space<vmem>> -> memref<125x128xf32, #tpu.memory_space<vmem>>
    %dma_start3A_164 = arith.constant 0 : i32
    %dma_start3A_165 = tpu.memref_slice %arg7[%dma_start3A_160, %dma_start3A_164] : memref<40x125xi32, #tpu.memory_space<vmem>> -> memref<1x125xi32, #tpu.memory_space<vmem>>
    %dma_start3A_166 = tpu.memref_squeeze %dma_start3A_165 : memref<1x125xi32, #tpu.memory_space<vmem>> -> memref<125xi32, #tpu.memory_space<vmem>>
    %dma_start3A_167 = arith.constant 0 : i32
    %dma_start3A_168 = arith.constant 0 : i32
    %dma_start3A_169 = tpu.memref_slice %arg10[%dma_start3A_167, %dma_start3A_168] : memref<10240x128xf32, #tpu.memory_space<vmem_shared>> -> memref<10240x128xf32, #tpu.memory_space<vmem_shared>>
    tpu.enqueue_indirect_dma source(%dma_start3A_163 : memref<125x128xf32, #tpu.memory_space<vmem>>) target(%dma_start3A_169 : memref<10240x128xf32, #tpu.memory_space<vmem_shared>>) offsets(%dma_start3A_166 : memref<125xi32, #tpu.memory_space<vmem>>) semaphore(%arg14 : memref<!tpu.dma_semaphore, #tpu.memory_space<semaphore_mem>>) {add = true}
    %dma_wait3A_170 = arith.constant 39 : i32
    %dma_wait3A_171 = arith.constant 0 : i32
    %dma_wait3A_172 = arith.constant 0 : i32
    %dma_wait3A_173 = tpu.memref_slice %arg9[%dma_wait3A_171, %dma_wait3A_172] : memref<128x128xf32, #tpu.memory_space<vmem>> -> memref<125x128xf32, #tpu.memory_space<vmem>>
    %dma_wait3A_174 = arith.constant 0 : i32
    %dma_wait3A_175 = tpu.memref_slice %arg7[%dma_wait3A_170, %dma_wait3A_174] : memref<40x125xi32, #tpu.memory_space<vmem>> -> memref<1x125xi32, #tpu.memory_space<vmem>>
    %dma_wait3A_176 = tpu.memref_squeeze %dma_wait3A_175 : memref<1x125xi32, #tpu.memory_space<vmem>> -> memref<125xi32, #tpu.memory_space<vmem>>
    %dma_wait3A_177 = arith.constant 0 : i32
    %dma_wait3A_178 = arith.constant 0 : i32
    %dma_wait3A_179 = tpu.memref_slice %arg10[%dma_wait3A_177, %dma_wait3A_178] : memref<10240x128xf32, #tpu.memory_space<vmem_shared>> -> memref<10240x128xf32, #tpu.memory_space<vmem_shared>>
    tpu.wait_indirect_dma semaphore(%arg14 : memref<!tpu.dma_semaphore, #tpu.memory_space<semaphore_mem>>) src(%dma_wait3A_173 : memref<125x128xf32, #tpu.memory_space<vmem>>) dst(%dma_wait3A_179 : memref<10240x128xf32, #tpu.memory_space<vmem_shared>>)
    %mul3A_180 = arith.constant 80 : i32
    %mul3A_181 = arith.muli %add3A, %mul3A_180 : i32
    %add3A_182 = arith.constant 40 : i32
    %add3A_183 = arith.addi %mul3A_181, %add3A_182 : i32
    %run_scoped3A_184 = arith.constant 0 : i32
    "tpu.region"() ({
      %run_scoped3A_284 = tpu.sem_alloc : memref<!tpu.dma_semaphore, #tpu.memory_space<semaphore_mem>>
      %dma_start3A_285 = arith.constant 0 : i32
      %dma_start3A_286 = arith.constant 0 : i32
      %dma_start3A_287 = tpu.memref_slice %arg3[%run_scoped3A_184, %dma_start3A_285, %dma_start3A_286] : memref<2x2560x125xi32, #tpu.memory_space<hbm>> -> memref<1x2560x125xi32, #tpu.memory_space<hbm>>
      %dma_start3A_288 = tpu.memref_squeeze %dma_start3A_287 : memref<1x2560x125xi32, #tpu.memory_space<hbm>> -> memref<2560x125xi32, #tpu.memory_space<hbm>>
      %dma_start3A_289 = arith.constant 0 : i32
      %dma_start3A_290 = tpu.memref_slice %dma_start3A_288[%add3A_183, %dma_start3A_289] : memref<2560x125xi32, #tpu.memory_space<hbm>> -> memref<40x125xi32, #tpu.memory_space<hbm>>
      %dma_start3A_291 = arith.constant 0 : i32
      %dma_start3A_292 = arith.constant 0 : i32
      %dma_start3A_293 = tpu.memref_slice %arg3[%run_scoped3A_184, %dma_start3A_291, %dma_start3A_292] : memref<2x2560x125xi32, #tpu.memory_space<hbm>> -> memref<1x2560x125xi32, #tpu.memory_space<hbm>>
      %dma_start3A_294 = tpu.memref_squeeze %dma_start3A_293 : memref<1x2560x125xi32, #tpu.memory_space<hbm>> -> memref<2560x125xi32, #tpu.memory_space<hbm>>
      %dma_start3A_295 = arith.constant 0 : i32
      %dma_start3A_296 = tpu.memref_slice %dma_start3A_294[%add3A_183, %dma_start3A_295] : memref<2560x125xi32, #tpu.memory_space<hbm>> -> memref<40x125xi32, #tpu.memory_space<hbm>>
      tpu.enqueue_dma source(%dma_start3A_296 : memref<40x125xi32, #tpu.memory_space<hbm>>) target(%arg6 : memref<40x125xi32, #tpu.memory_space<vmem>>) target_semaphore(%run_scoped3A_284 : memref<!tpu.dma_semaphore, #tpu.memory_space<semaphore_mem>>)
      %dma_wait3A_297 = arith.constant 0 : i32
      %dma_wait3A_298 = arith.constant 0 : i32
      %dma_wait3A_299 = tpu.memref_slice %arg3[%run_scoped3A_184, %dma_wait3A_297, %dma_wait3A_298] : memref<2x2560x125xi32, #tpu.memory_space<hbm>> -> memref<1x2560x125xi32, #tpu.memory_space<hbm>>
      %dma_wait3A_300 = tpu.memref_squeeze %dma_wait3A_299 : memref<1x2560x125xi32, #tpu.memory_space<hbm>> -> memref<2560x125xi32, #tpu.memory_space<hbm>>
      %dma_wait3A_301 = arith.constant 0 : i32
      %dma_wait3A_302 = tpu.memref_slice %dma_wait3A_300[%add3A_183, %dma_wait3A_301] : memref<2560x125xi32, #tpu.memory_space<hbm>> -> memref<40x125xi32, #tpu.memory_space<hbm>>
      %dma_wait3A_303 = arith.constant 0 : i32
      %dma_wait3A_304 = arith.constant 0 : i32
      %dma_wait3A_305 = tpu.memref_slice %arg3[%run_scoped3A_184, %dma_wait3A_303, %dma_wait3A_304] : memref<2x2560x125xi32, #tpu.memory_space<hbm>> -> memref<1x2560x125xi32, #tpu.memory_space<hbm>>
      %dma_wait3A_306 = tpu.memref_squeeze %dma_wait3A_305 : memref<1x2560x125xi32, #tpu.memory_space<hbm>> -> memref<2560x125xi32, #tpu.memory_space<hbm>>
      %dma_wait3A_307 = arith.constant 0 : i32
      %dma_wait3A_308 = tpu.memref_slice %dma_wait3A_306[%add3A_183, %dma_wait3A_307] : memref<2560x125xi32, #tpu.memory_space<hbm>> -> memref<40x125xi32, #tpu.memory_space<hbm>>
      tpu.wait_dma2 semaphore(%run_scoped3A_284 : memref<!tpu.dma_semaphore, #tpu.memory_space<semaphore_mem>>) src(%dma_wait3A_308 : memref<40x125xi32, #tpu.memory_space<hbm>>) dst(%arg6 : memref<40x125xi32, #tpu.memory_space<vmem>>)
      tpu.yield
    }) : () -> ()
    %mul3A_185 = arith.constant 80 : i32
    %mul3A_186 = arith.muli %add3A, %mul3A_185 : i32
    %add3A_187 = arith.constant 40 : i32
    %add3A_188 = arith.addi %mul3A_186, %add3A_187 : i32
    %run_scoped3A_189 = arith.constant 1 : i32
    "tpu.region"() ({
      %run_scoped3A_284 = tpu.sem_alloc : memref<!tpu.dma_semaphore, #tpu.memory_space<semaphore_mem>>
      %dma_start3A_285 = arith.constant 0 : i32
      %dma_start3A_286 = arith.constant 0 : i32
      %dma_start3A_287 = tpu.memref_slice %arg3[%run_scoped3A_189, %dma_start3A_285, %dma_start3A_286] : memref<2x2560x125xi32, #tpu.memory_space<hbm>> -> memref<1x2560x125xi32, #tpu.memory_space<hbm>>
      %dma_start3A_288 = tpu.memref_squeeze %dma_start3A_287 : memref<1x2560x125xi32, #tpu.memory_space<hbm>> -> memref<2560x125xi32, #tpu.memory_space<hbm>>
      %dma_start3A_289 = arith.constant 0 : i32
      %dma_start3A_290 = tpu.memref_slice %dma_start3A_288[%add3A_188, %dma_start3A_289] : memref<2560x125xi32, #tpu.memory_space<hbm>> -> memref<40x125xi32, #tpu.memory_space<hbm>>
      %dma_start3A_291 = arith.constant 0 : i32
      %dma_start3A_292 = arith.constant 0 : i32
      %dma_start3A_293 = tpu.memref_slice %arg3[%run_scoped3A_189, %dma_start3A_291, %dma_start3A_292] : memref<2x2560x125xi32, #tpu.memory_space<hbm>> -> memref<1x2560x125xi32, #tpu.memory_space<hbm>>
      %dma_start3A_294 = tpu.memref_squeeze %dma_start3A_293 : memref<1x2560x125xi32, #tpu.memory_space<hbm>> -> memref<2560x125xi32, #tpu.memory_space<hbm>>
      %dma_start3A_295 = arith.constant 0 : i32
      %dma_start3A_296 = tpu.memref_slice %dma_start3A_294[%add3A_188, %dma_start3A_295] : memref<2560x125xi32, #tpu.memory_space<hbm>> -> memref<40x125xi32, #tpu.memory_space<hbm>>
      tpu.enqueue_dma source(%dma_start3A_296 : memref<40x125xi32, #tpu.memory_space<hbm>>) target(%arg7 : memref<40x125xi32, #tpu.memory_space<vmem>>) target_semaphore(%run_scoped3A_284 : memref<!tpu.dma_semaphore, #tpu.memory_space<semaphore_mem>>)
      %dma_wait3A_297 = arith.constant 0 : i32
      %dma_wait3A_298 = arith.constant 0 : i32
      %dma_wait3A_299 = tpu.memref_slice %arg3[%run_scoped3A_189, %dma_wait3A_297, %dma_wait3A_298] : memref<2x2560x125xi32, #tpu.memory_space<hbm>> -> memref<1x2560x125xi32, #tpu.memory_space<hbm>>
      %dma_wait3A_300 = tpu.memref_squeeze %dma_wait3A_299 : memref<1x2560x125xi32, #tpu.memory_space<hbm>> -> memref<2560x125xi32, #tpu.memory_space<hbm>>
      %dma_wait3A_301 = arith.constant 0 : i32
      %dma_wait3A_302 = tpu.memref_slice %dma_wait3A_300[%add3A_188, %dma_wait3A_301] : memref<2560x125xi32, #tpu.memory_space<hbm>> -> memref<40x125xi32, #tpu.memory_space<hbm>>
      %dma_wait3A_303 = arith.constant 0 : i32
      %dma_wait3A_304 = arith.constant 0 : i32
      %dma_wait3A_305 = tpu.memref_slice %arg3[%run_scoped3A_189, %dma_wait3A_303, %dma_wait3A_304] : memref<2x2560x125xi32, #tpu.memory_space<hbm>> -> memref<1x2560x125xi32, #tpu.memory_space<hbm>>
      %dma_wait3A_306 = tpu.memref_squeeze %dma_wait3A_305 : memref<1x2560x125xi32, #tpu.memory_space<hbm>> -> memref<2560x125xi32, #tpu.memory_space<hbm>>
      %dma_wait3A_307 = arith.constant 0 : i32
      %dma_wait3A_308 = tpu.memref_slice %dma_wait3A_306[%add3A_188, %dma_wait3A_307] : memref<2560x125xi32, #tpu.memory_space<hbm>> -> memref<40x125xi32, #tpu.memory_space<hbm>>
      tpu.wait_dma2 semaphore(%run_scoped3A_284 : memref<!tpu.dma_semaphore, #tpu.memory_space<semaphore_mem>>) src(%dma_wait3A_308 : memref<40x125xi32, #tpu.memory_space<hbm>>) dst(%arg7 : memref<40x125xi32, #tpu.memory_space<vmem>>)
      tpu.yield
    }) : () -> ()
    %dma_start3A_190 = arith.constant 0 : i32
    %dma_start3A_191 = arith.constant 0 : i32
    %dma_start3A_192 = arith.constant 0 : i32
    %dma_start3A_193 = tpu.memref_slice %arg8[%dma_start3A_191, %dma_start3A_192] : memref<128x128xf32, #tpu.memory_space<vmem>> -> memref<125x128xf32, #tpu.memory_space<vmem>>
    %dma_start3A_194 = arith.constant 0 : i32
    %dma_start3A_195 = tpu.memref_slice %arg6[%dma_start3A_190, %dma_start3A_194] : memref<40x125xi32, #tpu.memory_space<vmem>> -> memref<1x125xi32, #tpu.memory_space<vmem>>
    %dma_start3A_196 = tpu.memref_squeeze %dma_start3A_195 : memref<1x125xi32, #tpu.memory_space<vmem>> -> memref<125xi32, #tpu.memory_space<vmem>>
    %dma_start3A_197 = arith.constant 0 : i32
    %dma_start3A_198 = arith.constant 0 : i32
    %dma_start3A_199 = tpu.memref_slice %arg2[%dma_start3A_197, %dma_start3A_198] : memref<10000x128xf32, #tpu.memory_space<hbm>> -> memref<10000x128xf32, #tpu.memory_space<hbm>>
    tpu.enqueue_indirect_dma source(%dma_start3A_199 : memref<10000x128xf32, #tpu.memory_space<hbm>>) target(%dma_start3A_193 : memref<125x128xf32, #tpu.memory_space<vmem>>) offsets(%dma_start3A_196 : memref<125xi32, #tpu.memory_space<vmem>>) semaphore(%arg11 : memref<!tpu.dma_semaphore, #tpu.memory_space<semaphore_mem>>)
    %dma_start3A_200 = arith.constant 1 : i32
    %dma_start3A_201 = arith.constant 0 : i32
    %dma_start3A_202 = arith.constant 0 : i32
    %dma_start3A_203 = tpu.memref_slice %arg9[%dma_start3A_201, %dma_start3A_202] : memref<128x128xf32, #tpu.memory_space<vmem>> -> memref<125x128xf32, #tpu.memory_space<vmem>>
    %dma_start3A_204 = arith.constant 0 : i32
    %dma_start3A_205 = tpu.memref_slice %arg6[%dma_start3A_200, %dma_start3A_204] : memref<40x125xi32, #tpu.memory_space<vmem>> -> memref<1x125xi32, #tpu.memory_space<vmem>>
    %dma_start3A_206 = tpu.memref_squeeze %dma_start3A_205 : memref<1x125xi32, #tpu.memory_space<vmem>> -> memref<125xi32, #tpu.memory_space<vmem>>
    %dma_start3A_207 = arith.constant 0 : i32
    %dma_start3A_208 = arith.constant 0 : i32
    %dma_start3A_209 = tpu.memref_slice %arg2[%dma_start3A_207, %dma_start3A_208] : memref<10000x128xf32, #tpu.memory_space<hbm>> -> memref<10000x128xf32, #tpu.memory_space<hbm>>
    tpu.enqueue_indirect_dma source(%dma_start3A_209 : memref<10000x128xf32, #tpu.memory_space<hbm>>) target(%dma_start3A_203 : memref<125x128xf32, #tpu.memory_space<vmem>>) offsets(%dma_start3A_206 : memref<125xi32, #tpu.memory_space<vmem>>) semaphore(%arg12 : memref<!tpu.dma_semaphore, #tpu.memory_space<semaphore_mem>>)
    %scan3A_210 = arith.constant 0 : i32
    %scan3A_211 = arith.constant 0 : i32
    %scan3A_212 = arith.constant 19 : i32
    %scan3A_213 = arith.addi %scan3A_211, %scan3A_212 : i32
    %scan3A_214 = arith.constant 1 : i32
    scf.for %scan3A_284 = %scan3A_211 to %scan3A_213 step %scan3A_214  : i32 {
      %mul3A_285 = arith.constant 2 : i32
      %mul3A_286 = arith.muli %mul3A_285, %scan3A_284 : i32
      %add3A_287 = arith.constant 0 : i32
      %add3A_288 = arith.addi %mul3A_286, %add3A_287 : i32
      %dma_wait3A_289 = arith.constant 0 : i32
      %dma_wait3A_290 = arith.constant 0 : i32
      %dma_wait3A_291 = tpu.memref_slice %arg8[%dma_wait3A_289, %dma_wait3A_290] : memref<128x128xf32, #tpu.memory_space<vmem>> -> memref<125x128xf32, #tpu.memory_space<vmem>>
      %dma_wait3A_292 = arith.constant 0 : i32
      %dma_wait3A_293 = tpu.memref_slice %arg6[%add3A_288, %dma_wait3A_292] : memref<40x125xi32, #tpu.memory_space<vmem>> -> memref<1x125xi32, #tpu.memory_space<vmem>>
      %dma_wait3A_294 = tpu.memref_squeeze %dma_wait3A_293 : memref<1x125xi32, #tpu.memory_space<vmem>> -> memref<125xi32, #tpu.memory_space<vmem>>
      %dma_wait3A_295 = arith.constant 0 : i32
      %dma_wait3A_296 = arith.constant 0 : i32
      %dma_wait3A_297 = tpu.memref_slice %arg2[%dma_wait3A_295, %dma_wait3A_296] : memref<10000x128xf32, #tpu.memory_space<hbm>> -> memref<10000x128xf32, #tpu.memory_space<hbm>>
      tpu.wait_indirect_dma semaphore(%arg11 : memref<!tpu.dma_semaphore, #tpu.memory_space<semaphore_mem>>) src(%dma_wait3A_297 : memref<10000x128xf32, #tpu.memory_space<hbm>>) dst(%dma_wait3A_291 : memref<125x128xf32, #tpu.memory_space<vmem>>)
      %dma_start3A_298 = arith.constant 0 : i32
      %dma_start3A_299 = arith.constant 0 : i32
      %dma_start3A_300 = tpu.memref_slice %arg8[%dma_start3A_298, %dma_start3A_299] : memref<128x128xf32, #tpu.memory_space<vmem>> -> memref<125x128xf32, #tpu.memory_space<vmem>>
      %dma_start3A_301 = arith.constant 0 : i32
      %dma_start3A_302 = tpu.memref_slice %arg7[%add3A_288, %dma_start3A_301] : memref<40x125xi32, #tpu.memory_space<vmem>> -> memref<1x125xi32, #tpu.memory_space<vmem>>
      %dma_start3A_303 = tpu.memref_squeeze %dma_start3A_302 : memref<1x125xi32, #tpu.memory_space<vmem>> -> memref<125xi32, #tpu.memory_space<vmem>>
      %dma_start3A_304 = arith.constant 0 : i32
      %dma_start3A_305 = arith.constant 0 : i32
      %dma_start3A_306 = tpu.memref_slice %arg10[%dma_start3A_304, %dma_start3A_305] : memref<10240x128xf32, #tpu.memory_space<vmem_shared>> -> memref<10240x128xf32, #tpu.memory_space<vmem_shared>>
      tpu.enqueue_indirect_dma source(%dma_start3A_300 : memref<125x128xf32, #tpu.memory_space<vmem>>) target(%dma_start3A_306 : memref<10240x128xf32, #tpu.memory_space<vmem_shared>>) offsets(%dma_start3A_303 : memref<125xi32, #tpu.memory_space<vmem>>) semaphore(%arg13 : memref<!tpu.dma_semaphore, #tpu.memory_space<semaphore_mem>>) {add = true}
      %dma_wait3A_307 = arith.constant 0 : i32
      %dma_wait3A_308 = arith.constant 0 : i32
      %dma_wait3A_309 = tpu.memref_slice %arg8[%dma_wait3A_307, %dma_wait3A_308] : memref<128x128xf32, #tpu.memory_space<vmem>> -> memref<125x128xf32, #tpu.memory_space<vmem>>
      %dma_wait3A_310 = arith.constant 0 : i32
      %dma_wait3A_311 = tpu.memref_slice %arg7[%add3A_288, %dma_wait3A_310] : memref<40x125xi32, #tpu.memory_space<vmem>> -> memref<1x125xi32, #tpu.memory_space<vmem>>
      %dma_wait3A_312 = tpu.memref_squeeze %dma_wait3A_311 : memref<1x125xi32, #tpu.memory_space<vmem>> -> memref<125xi32, #tpu.memory_space<vmem>>
      %dma_wait3A_313 = arith.constant 0 : i32
      %dma_wait3A_314 = arith.constant 0 : i32
      %dma_wait3A_315 = tpu.memref_slice %arg10[%dma_wait3A_313, %dma_wait3A_314] : memref<10240x128xf32, #tpu.memory_space<vmem_shared>> -> memref<10240x128xf32, #tpu.memory_space<vmem_shared>>
      tpu.wait_indirect_dma semaphore(%arg13 : memref<!tpu.dma_semaphore, #tpu.memory_space<semaphore_mem>>) src(%dma_wait3A_309 : memref<125x128xf32, #tpu.memory_space<vmem>>) dst(%dma_wait3A_315 : memref<10240x128xf32, #tpu.memory_space<vmem_shared>>)
      %add3A_316 = arith.constant 2 : i32
      %add3A_317 = arith.addi %add3A_288, %add3A_316 : i32
      %dma_start3A_318 = arith.constant 0 : i32
      %dma_start3A_319 = arith.constant 0 : i32
      %dma_start3A_320 = tpu.memref_slice %arg8[%dma_start3A_318, %dma_start3A_319] : memref<128x128xf32, #tpu.memory_space<vmem>> -> memref<125x128xf32, #tpu.memory_space<vmem>>
      %dma_start3A_321 = arith.constant 0 : i32
      %dma_start3A_322 = tpu.memref_slice %arg6[%add3A_317, %dma_start3A_321] : memref<40x125xi32, #tpu.memory_space<vmem>> -> memref<1x125xi32, #tpu.memory_space<vmem>>
      %dma_start3A_323 = tpu.memref_squeeze %dma_start3A_322 : memref<1x125xi32, #tpu.memory_space<vmem>> -> memref<125xi32, #tpu.memory_space<vmem>>
      %dma_start3A_324 = arith.constant 0 : i32
      %dma_start3A_325 = arith.constant 0 : i32
      %dma_start3A_326 = tpu.memref_slice %arg2[%dma_start3A_324, %dma_start3A_325] : memref<10000x128xf32, #tpu.memory_space<hbm>> -> memref<10000x128xf32, #tpu.memory_space<hbm>>
      tpu.enqueue_indirect_dma source(%dma_start3A_326 : memref<10000x128xf32, #tpu.memory_space<hbm>>) target(%dma_start3A_320 : memref<125x128xf32, #tpu.memory_space<vmem>>) offsets(%dma_start3A_323 : memref<125xi32, #tpu.memory_space<vmem>>) semaphore(%arg11 : memref<!tpu.dma_semaphore, #tpu.memory_space<semaphore_mem>>)
      %mul3A_327 = arith.constant 2 : i32
      %mul3A_328 = arith.muli %mul3A_327, %scan3A_284 : i32
      %add3A_329 = arith.constant 1 : i32
      %add3A_330 = arith.addi %mul3A_328, %add3A_329 : i32
      %dma_wait3A_331 = arith.constant 0 : i32
      %dma_wait3A_332 = arith.constant 0 : i32
      %dma_wait3A_333 = tpu.memref_slice %arg9[%dma_wait3A_331, %dma_wait3A_332] : memref<128x128xf32, #tpu.memory_space<vmem>> -> memref<125x128xf32, #tpu.memory_space<vmem>>
      %dma_wait3A_334 = arith.constant 0 : i32
      %dma_wait3A_335 = tpu.memref_slice %arg6[%add3A_330, %dma_wait3A_334] : memref<40x125xi32, #tpu.memory_space<vmem>> -> memref<1x125xi32, #tpu.memory_space<vmem>>
      %dma_wait3A_336 = tpu.memref_squeeze %dma_wait3A_335 : memref<1x125xi32, #tpu.memory_space<vmem>> -> memref<125xi32, #tpu.memory_space<vmem>>
      %dma_wait3A_337 = arith.constant 0 : i32
      %dma_wait3A_338 = arith.constant 0 : i32
      %dma_wait3A_339 = tpu.memref_slice %arg2[%dma_wait3A_337, %dma_wait3A_338] : memref<10000x128xf32, #tpu.memory_space<hbm>> -> memref<10000x128xf32, #tpu.memory_space<hbm>>
      tpu.wait_indirect_dma semaphore(%arg12 : memref<!tpu.dma_semaphore, #tpu.memory_space<semaphore_mem>>) src(%dma_wait3A_339 : memref<10000x128xf32, #tpu.memory_space<hbm>>) dst(%dma_wait3A_333 : memref<125x128xf32, #tpu.memory_space<vmem>>)
      %dma_start3A_340 = arith.constant 0 : i32
      %dma_start3A_341 = arith.constant 0 : i32
      %dma_start3A_342 = tpu.memref_slice %arg9[%dma_start3A_340, %dma_start3A_341] : memref<128x128xf32, #tpu.memory_space<vmem>> -> memref<125x128xf32, #tpu.memory_space<vmem>>
      %dma_start3A_343 = arith.constant 0 : i32
      %dma_start3A_344 = tpu.memref_slice %arg7[%add3A_330, %dma_start3A_343] : memref<40x125xi32, #tpu.memory_space<vmem>> -> memref<1x125xi32, #tpu.memory_space<vmem>>
      %dma_start3A_345 = tpu.memref_squeeze %dma_start3A_344 : memref<1x125xi32, #tpu.memory_space<vmem>> -> memref<125xi32, #tpu.memory_space<vmem>>
      %dma_start3A_346 = arith.constant 0 : i32
      %dma_start3A_347 = arith.constant 0 : i32
      %dma_start3A_348 = tpu.memref_slice %arg10[%dma_start3A_346, %dma_start3A_347] : memref<10240x128xf32, #tpu.memory_space<vmem_shared>> -> memref<10240x128xf32, #tpu.memory_space<vmem_shared>>
      tpu.enqueue_indirect_dma source(%dma_start3A_342 : memref<125x128xf32, #tpu.memory_space<vmem>>) target(%dma_start3A_348 : memref<10240x128xf32, #tpu.memory_space<vmem_shared>>) offsets(%dma_start3A_345 : memref<125xi32, #tpu.memory_space<vmem>>) semaphore(%arg14 : memref<!tpu.dma_semaphore, #tpu.memory_space<semaphore_mem>>) {add = true}
      %dma_wait3A_349 = arith.constant 0 : i32
      %dma_wait3A_350 = arith.constant 0 : i32
      %dma_wait3A_351 = tpu.memref_slice %arg9[%dma_wait3A_349, %dma_wait3A_350] : memref<128x128xf32, #tpu.memory_space<vmem>> -> memref<125x128xf32, #tpu.memory_space<vmem>>
      %dma_wait3A_352 = arith.constant 0 : i32
      %dma_wait3A_353 = tpu.memref_slice %arg7[%add3A_330, %dma_wait3A_352] : memref<40x125xi32, #tpu.memory_space<vmem>> -> memref<1x125xi32, #tpu.memory_space<vmem>>
      %dma_wait3A_354 = tpu.memref_squeeze %dma_wait3A_353 : memref<1x125xi32, #tpu.memory_space<vmem>> -> memref<125xi32, #tpu.memory_space<vmem>>
      %dma_wait3A_355 = arith.constant 0 : i32
      %dma_wait3A_356 = arith.constant 0 : i32
      %dma_wait3A_357 = tpu.memref_slice %arg10[%dma_wait3A_355, %dma_wait3A_356] : memref<10240x128xf32, #tpu.memory_space<vmem_shared>> -> memref<10240x128xf32, #tpu.memory_space<vmem_shared>>
      tpu.wait_indirect_dma semaphore(%arg14 : memref<!tpu.dma_semaphore, #tpu.memory_space<semaphore_mem>>) src(%dma_wait3A_351 : memref<125x128xf32, #tpu.memory_space<vmem>>) dst(%dma_wait3A_357 : memref<10240x128xf32, #tpu.memory_space<vmem_shared>>)
      %add3A_358 = arith.constant 2 : i32
      %add3A_359 = arith.addi %add3A_330, %add3A_358 : i32
      %dma_start3A_360 = arith.constant 0 : i32
      %dma_start3A_361 = arith.constant 0 : i32
      %dma_start3A_362 = tpu.memref_slice %arg9[%dma_start3A_360, %dma_start3A_361] : memref<128x128xf32, #tpu.memory_space<vmem>> -> memref<125x128xf32, #tpu.memory_space<vmem>>
      %dma_start3A_363 = arith.constant 0 : i32
      %dma_start3A_364 = tpu.memref_slice %arg6[%add3A_359, %dma_start3A_363] : memref<40x125xi32, #tpu.memory_space<vmem>> -> memref<1x125xi32, #tpu.memory_space<vmem>>
      %dma_start3A_365 = tpu.memref_squeeze %dma_start3A_364 : memref<1x125xi32, #tpu.memory_space<vmem>> -> memref<125xi32, #tpu.memory_space<vmem>>
      %dma_start3A_366 = arith.constant 0 : i32
      %dma_start3A_367 = arith.constant 0 : i32
      %dma_start3A_368 = tpu.memref_slice %arg2[%dma_start3A_366, %dma_start3A_367] : memref<10000x128xf32, #tpu.memory_space<hbm>> -> memref<10000x128xf32, #tpu.memory_space<hbm>>
      tpu.enqueue_indirect_dma source(%dma_start3A_368 : memref<10000x128xf32, #tpu.memory_space<hbm>>) target(%dma_start3A_362 : memref<125x128xf32, #tpu.memory_space<vmem>>) offsets(%dma_start3A_365 : memref<125xi32, #tpu.memory_space<vmem>>) semaphore(%arg12 : memref<!tpu.dma_semaphore, #tpu.memory_space<semaphore_mem>>)
    }
    %scan3A_215 = arith.constant 19 : i32
    %dma_wait3A_216 = arith.constant 38 : i32
    %dma_wait3A_217 = arith.constant 0 : i32
    %dma_wait3A_218 = arith.constant 0 : i32
    %dma_wait3A_219 = tpu.memref_slice %arg8[%dma_wait3A_217, %dma_wait3A_218] : memref<128x128xf32, #tpu.memory_space<vmem>> -> memref<125x128xf32, #tpu.memory_space<vmem>>
    %dma_wait3A_220 = arith.constant 0 : i32
    %dma_wait3A_221 = tpu.memref_slice %arg6[%dma_wait3A_216, %dma_wait3A_220] : memref<40x125xi32, #tpu.memory_space<vmem>> -> memref<1x125xi32, #tpu.memory_space<vmem>>
    %dma_wait3A_222 = tpu.memref_squeeze %dma_wait3A_221 : memref<1x125xi32, #tpu.memory_space<vmem>> -> memref<125xi32, #tpu.memory_space<vmem>>
    %dma_wait3A_223 = arith.constant 0 : i32
    %dma_wait3A_224 = arith.constant 0 : i32
    %dma_wait3A_225 = tpu.memref_slice %arg2[%dma_wait3A_223, %dma_wait3A_224] : memref<10000x128xf32, #tpu.memory_space<hbm>> -> memref<10000x128xf32, #tpu.memory_space<hbm>>
    tpu.wait_indirect_dma semaphore(%arg11 : memref<!tpu.dma_semaphore, #tpu.memory_space<semaphore_mem>>) src(%dma_wait3A_225 : memref<10000x128xf32, #tpu.memory_space<hbm>>) dst(%dma_wait3A_219 : memref<125x128xf32, #tpu.memory_space<vmem>>)
    %dma_start3A_226 = arith.constant 38 : i32
    %dma_start3A_227 = arith.constant 0 : i32
    %dma_start3A_228 = arith.constant 0 : i32
    %dma_start3A_229 = tpu.memref_slice %arg8[%dma_start3A_227, %dma_start3A_228] : memref<128x128xf32, #tpu.memory_space<vmem>> -> memref<125x128xf32, #tpu.memory_space<vmem>>
    %dma_start3A_230 = arith.constant 0 : i32
    %dma_start3A_231 = tpu.memref_slice %arg7[%dma_start3A_226, %dma_start3A_230] : memref<40x125xi32, #tpu.memory_space<vmem>> -> memref<1x125xi32, #tpu.memory_space<vmem>>
    %dma_start3A_232 = tpu.memref_squeeze %dma_start3A_231 : memref<1x125xi32, #tpu.memory_space<vmem>> -> memref<125xi32, #tpu.memory_space<vmem>>
    %dma_start3A_233 = arith.constant 0 : i32
    %dma_start3A_234 = arith.constant 0 : i32
    %dma_start3A_235 = tpu.memref_slice %arg10[%dma_start3A_233, %dma_start3A_234] : memref<10240x128xf32, #tpu.memory_space<vmem_shared>> -> memref<10240x128xf32, #tpu.memory_space<vmem_shared>>
    tpu.enqueue_indirect_dma source(%dma_start3A_229 : memref<125x128xf32, #tpu.memory_space<vmem>>) target(%dma_start3A_235 : memref<10240x128xf32, #tpu.memory_space<vmem_shared>>) offsets(%dma_start3A_232 : memref<125xi32, #tpu.memory_space<vmem>>) semaphore(%arg13 : memref<!tpu.dma_semaphore, #tpu.memory_space<semaphore_mem>>) {add = true}
    %dma_wait3A_236 = arith.constant 38 : i32
    %dma_wait3A_237 = arith.constant 0 : i32
    %dma_wait3A_238 = arith.constant 0 : i32
    %dma_wait3A_239 = tpu.memref_slice %arg8[%dma_wait3A_237, %dma_wait3A_238] : memref<128x128xf32, #tpu.memory_space<vmem>> -> memref<125x128xf32, #tpu.memory_space<vmem>>
    %dma_wait3A_240 = arith.constant 0 : i32
    %dma_wait3A_241 = tpu.memref_slice %arg7[%dma_wait3A_236, %dma_wait3A_240] : memref<40x125xi32, #tpu.memory_space<vmem>> -> memref<1x125xi32, #tpu.memory_space<vmem>>
    %dma_wait3A_242 = tpu.memref_squeeze %dma_wait3A_241 : memref<1x125xi32, #tpu.memory_space<vmem>> -> memref<125xi32, #tpu.memory_space<vmem>>
    %dma_wait3A_243 = arith.constant 0 : i32
    %dma_wait3A_244 = arith.constant 0 : i32
    %dma_wait3A_245 = tpu.memref_slice %arg10[%dma_wait3A_243, %dma_wait3A_244] : memref<10240x128xf32, #tpu.memory_space<vmem_shared>> -> memref<10240x128xf32, #tpu.memory_space<vmem_shared>>
    tpu.wait_indirect_dma semaphore(%arg13 : memref<!tpu.dma_semaphore, #tpu.memory_space<semaphore_mem>>) src(%dma_wait3A_239 : memref<125x128xf32, #tpu.memory_space<vmem>>) dst(%dma_wait3A_245 : memref<10240x128xf32, #tpu.memory_space<vmem_shared>>)
    %dma_wait3A_246 = arith.constant 39 : i32
    %dma_wait3A_247 = arith.constant 0 : i32
    %dma_wait3A_248 = arith.constant 0 : i32
    %dma_wait3A_249 = tpu.memref_slice %arg9[%dma_wait3A_247, %dma_wait3A_248] : memref<128x128xf32, #tpu.memory_space<vmem>> -> memref<125x128xf32, #tpu.memory_space<vmem>>
    %dma_wait3A_250 = arith.constant 0 : i32
    %dma_wait3A_251 = tpu.memref_slice %arg6[%dma_wait3A_246, %dma_wait3A_250] : memref<40x125xi32, #tpu.memory_space<vmem>> -> memref<1x125xi32, #tpu.memory_space<vmem>>
    %dma_wait3A_252 = tpu.memref_squeeze %dma_wait3A_251 : memref<1x125xi32, #tpu.memory_space<vmem>> -> memref<125xi32, #tpu.memory_space<vmem>>
    %dma_wait3A_253 = arith.constant 0 : i32
    %dma_wait3A_254 = arith.constant 0 : i32
    %dma_wait3A_255 = tpu.memref_slice %arg2[%dma_wait3A_253, %dma_wait3A_254] : memref<10000x128xf32, #tpu.memory_space<hbm>> -> memref<10000x128xf32, #tpu.memory_space<hbm>>
    tpu.wait_indirect_dma semaphore(%arg12 : memref<!tpu.dma_semaphore, #tpu.memory_space<semaphore_mem>>) src(%dma_wait3A_255 : memref<10000x128xf32, #tpu.memory_space<hbm>>) dst(%dma_wait3A_249 : memref<125x128xf32, #tpu.memory_space<vmem>>)
    %dma_start3A_256 = arith.constant 39 : i32
    %dma_start3A_257 = arith.constant 0 : i32
    %dma_start3A_258 = arith.constant 0 : i32
    %dma_start3A_259 = tpu.memref_slice %arg9[%dma_start3A_257, %dma_start3A_258] : memref<128x128xf32, #tpu.memory_space<vmem>> -> memref<125x128xf32, #tpu.memory_space<vmem>>
    %dma_start3A_260 = arith.constant 0 : i32
    %dma_start3A_261 = tpu.memref_slice %arg7[%dma_start3A_256, %dma_start3A_260] : memref<40x125xi32, #tpu.memory_space<vmem>> -> memref<1x125xi32, #tpu.memory_space<vmem>>
    %dma_start3A_262 = tpu.memref_squeeze %dma_start3A_261 : memref<1x125xi32, #tpu.memory_space<vmem>> -> memref<125xi32, #tpu.memory_space<vmem>>
    %dma_start3A_263 = arith.constant 0 : i32
    %dma_start3A_264 = arith.constant 0 : i32
    %dma_start3A_265 = tpu.memref_slice %arg10[%dma_start3A_263, %dma_start3A_264] : memref<10240x128xf32, #tpu.memory_space<vmem_shared>> -> memref<10240x128xf32, #tpu.memory_space<vmem_shared>>
    tpu.enqueue_indirect_dma source(%dma_start3A_259 : memref<125x128xf32, #tpu.memory_space<vmem>>) target(%dma_start3A_265 : memref<10240x128xf32, #tpu.memory_space<vmem_shared>>) offsets(%dma_start3A_262 : memref<125xi32, #tpu.memory_space<vmem>>) semaphore(%arg14 : memref<!tpu.dma_semaphore, #tpu.memory_space<semaphore_mem>>) {add = true}
    %dma_wait3A_266 = arith.constant 39 : i32
    %dma_wait3A_267 = arith.constant 0 : i32
    %dma_wait3A_268 = arith.constant 0 : i32
    %dma_wait3A_269 = tpu.memref_slice %arg9[%dma_wait3A_267, %dma_wait3A_268] : memref<128x128xf32, #tpu.memory_space<vmem>> -> memref<125x128xf32, #tpu.memory_space<vmem>>
    %dma_wait3A_270 = arith.constant 0 : i32
    %dma_wait3A_271 = tpu.memref_slice %arg7[%dma_wait3A_266, %dma_wait3A_270] : memref<40x125xi32, #tpu.memory_space<vmem>> -> memref<1x125xi32, #tpu.memory_space<vmem>>
    %dma_wait3A_272 = tpu.memref_squeeze %dma_wait3A_271 : memref<1x125xi32, #tpu.memory_space<vmem>> -> memref<125xi32, #tpu.memory_space<vmem>>
    %dma_wait3A_273 = arith.constant 0 : i32
    %dma_wait3A_274 = arith.constant 0 : i32
    %dma_wait3A_275 = tpu.memref_slice %arg10[%dma_wait3A_273, %dma_wait3A_274] : memref<10240x128xf32, #tpu.memory_space<vmem_shared>> -> memref<10240x128xf32, #tpu.memory_space<vmem_shared>>
    tpu.wait_indirect_dma semaphore(%arg14 : memref<!tpu.dma_semaphore, #tpu.memory_space<semaphore_mem>>) src(%dma_wait3A_269 : memref<125x128xf32, #tpu.memory_space<vmem>>) dst(%dma_wait3A_275 : memref<10240x128xf32, #tpu.memory_space<vmem_shared>>)
    %barrier3A_276 = arith.constant 0 : index
    tpu.barrier barrier_id(%barrier3A_276)
    %eq3A = arith.constant 0 : i32
    %eq3A_277 = arith.cmpi eq, %arg0, %eq3A : i32
    %convert_element_type3A = arith.extui %eq3A_277 : i1 to i32
    %cond3A = arith.constant 0 : i32
    %cond3A_278 = arith.cmpi ne, %convert_element_type3A, %cond3A : i32
    scf.if %cond3A_278 {
      %mul3A_284 = arith.constant 640 : i32
      %mul3A_285 = arith.muli %arg1, %mul3A_284 : i32
      %mul3A_286 = arith.constant 640 : i32
      %mul3A_287 = arith.muli %arg1, %mul3A_286 : i32
      "tpu.region"() ({
        %run_scoped3A_288 = tpu.sem_alloc : memref<!tpu.dma_semaphore, #tpu.memory_space<semaphore_mem>>
        %dma_start3A_289 = arith.constant 0 : i32
        %dma_start3A_290 = tpu.memref_slice %arg4[%mul3A_287, %dma_start3A_289] : memref<10240x128xf32, #tpu.memory_space<hbm>> -> memref<640x128xf32, #tpu.memory_space<hbm>>
        %dma_start3A_291 = arith.constant 0 : i32
        %dma_start3A_292 = tpu.memref_slice %arg10[%mul3A_285, %dma_start3A_291] : memref<10240x128xf32, #tpu.memory_space<vmem_shared>> -> memref<640x128xf32, #tpu.memory_space<vmem_shared>>
        tpu.enqueue_dma source(%dma_start3A_292 : memref<640x128xf32, #tpu.memory_space<vmem_shared>>) target(%dma_start3A_290 : memref<640x128xf32, #tpu.memory_space<hbm>>) target_semaphore(%run_scoped3A_288 : memref<!tpu.dma_semaphore, #tpu.memory_space<semaphore_mem>>)
        %dma_wait3A_293 = arith.constant 0 : i32
        %dma_wait3A_294 = tpu.memref_slice %arg4[%mul3A_287, %dma_wait3A_293] : memref<10240x128xf32, #tpu.memory_space<hbm>> -> memref<640x128xf32, #tpu.memory_space<hbm>>
        %dma_wait3A_295 = arith.constant 0 : i32
        %dma_wait3A_296 = tpu.memref_slice %arg10[%mul3A_285, %dma_wait3A_295] : memref<10240x128xf32, #tpu.memory_space<vmem_shared>> -> memref<640x128xf32, #tpu.memory_space<vmem_shared>>
        tpu.wait_dma2 semaphore(%run_scoped3A_288 : memref<!tpu.dma_semaphore, #tpu.memory_space<semaphore_mem>>) src(%dma_wait3A_296 : memref<640x128xf32, #tpu.memory_space<vmem_shared>>) dst(%dma_wait3A_294 : memref<640x128xf32, #tpu.memory_space<hbm>>)
        tpu.yield
      }) : () -> ()
    } else {
    }
    %eq3A_279 = arith.constant 1 : i32
    %eq3A_280 = arith.cmpi eq, %arg0, %eq3A_279 : i32
    %convert_element_type3A_281 = arith.extui %eq3A_280 : i1 to i32
    %cond3A_282 = arith.constant 0 : i32
    %cond3A_283 = arith.cmpi ne, %convert_element_type3A_281, %cond3A_282 : i32
    scf.if %cond3A_283 {
      %mul3A_284 = arith.constant 640 : i32
      %mul3A_285 = arith.muli %arg1, %mul3A_284 : i32
      %mul3A_286 = arith.constant 640 : i32
      %mul3A_287 = arith.muli %arg1, %mul3A_286 : i32
      "tpu.region"() ({
        %run_scoped3A_288 = tpu.sem_alloc : memref<!tpu.dma_semaphore, #tpu.memory_space<semaphore_mem>>
        %dma_start3A_289 = arith.constant 0 : i32
        %dma_start3A_290 = tpu.memref_slice %arg5[%mul3A_287, %dma_start3A_289] : memref<10240x128xf32, #tpu.memory_space<hbm>> -> memref<640x128xf32, #tpu.memory_space<hbm>>
        %dma_start3A_291 = arith.constant 0 : i32
        %dma_start3A_292 = tpu.memref_slice %arg10[%mul3A_285, %dma_start3A_291] : memref<10240x128xf32, #tpu.memory_space<vmem_shared>> -> memref<640x128xf32, #tpu.memory_space<vmem_shared>>
        tpu.enqueue_dma source(%dma_start3A_292 : memref<640x128xf32, #tpu.memory_space<vmem_shared>>) target(%dma_start3A_290 : memref<640x128xf32, #tpu.memory_space<hbm>>) target_semaphore(%run_scoped3A_288 : memref<!tpu.dma_semaphore, #tpu.memory_space<semaphore_mem>>)
        %dma_wait3A_293 = arith.constant 0 : i32
        %dma_wait3A_294 = tpu.memref_slice %arg5[%mul3A_287, %dma_wait3A_293] : memref<10240x128xf32, #tpu.memory_space<hbm>> -> memref<640x128xf32, #tpu.memory_space<hbm>>
        %dma_wait3A_295 = arith.constant 0 : i32
        %dma_wait3A_296 = tpu.memref_slice %arg10[%mul3A_285, %dma_wait3A_295] : memref<10240x128xf32, #tpu.memory_space<vmem_shared>> -> memref<640x128xf32, #tpu.memory_space<vmem_shared>>
        tpu.wait_dma2 semaphore(%run_scoped3A_288 : memref<!tpu.dma_semaphore, #tpu.memory_space<semaphore_mem>>) src(%dma_wait3A_296 : memref<640x128xf32, #tpu.memory_space<vmem_shared>>) dst(%dma_wait3A_294 : memref<640x128xf32, #tpu.memory_space<hbm>>)
        tpu.yield
      }) : () -> ()
    } else {
    }
    return
  }
}

#map = affine_map<(d0, d1) -> (0, 0)>
#map1 = affine_map<(d0, d1) -> (0, 0, 0)>
module attributes {stable_mosaic.version = 14 : i64} {
  func.func @_sc_agg_body(%arg0: i32, %arg1: i32, %arg2: memref<10000x128xf32, #tpu.memory_space<hbm>>, %arg3: memref<2x2560x125xi32, #tpu.memory_space<hbm>>, %arg4: memref<10240x128xf32, #tpu.memory_space<hbm>>, %arg5: memref<10240x128xf32, #tpu.memory_space<hbm>>, %arg6: memref<40x125xi32, #tpu.memory_space<vmem>>, %arg7: memref<40x125xi32, #tpu.memory_space<vmem>>, %arg8: memref<128x128xf32, #tpu.memory_space<vmem>>, %arg9: memref<128x128xf32, #tpu.memory_space<vmem>>, %arg10: memref<10240x128xf32, #tpu.memory_space<vmem_shared>>, %arg11: memref<!tpu.dma_semaphore, #tpu.memory_space<semaphore_mem>>, %arg12: memref<!tpu.dma_semaphore, #tpu.memory_space<semaphore_mem>>, %arg13: memref<!tpu.dma_semaphore, #tpu.memory_space<semaphore_mem>>, %arg14: memref<!tpu.dma_semaphore, #tpu.memory_space<semaphore_mem>>) attributes {dimension_semantics = [#tpu.dimension_semantics<core_parallel>, #tpu.dimension_semantics<subcore_parallel>], iteration_bounds = array<i64: 2, 16>, scalar_prefetch = 0 : i64, scratch_operands = 9 : i64, tpu.core_type = #tpu.core_type<sc_vector_subcore>, window_params = [{transform_indices = #map}, {transform_indices = #map1}, {transform_indices = #map}, {transform_indices = #map}]} {
    %mul3A = arith.constant 2 : i32
    %mul3A_0 = arith.muli %arg1, %mul3A : i32
    %add3A = arith.addi %mul3A_0, %arg0 : i32
    %broadcast_in_dim3A = arith.constant 0.000000e+00 : f32
    %broadcast_in_dim3A_1 = vector.broadcast %broadcast_in_dim3A : f32 to vector<16xf32>
    %scan3A = arith.constant 0 : i32
    %scan3A_2 = arith.constant 0 : i32
    %scan3A_3 = arith.constant 128 : i32
    %scan3A_4 = arith.addi %scan3A_2, %scan3A_3 : i32
    %scan3A_5 = arith.constant 1 : i32
    scf.for %scan3A_284 = %scan3A_2 to %scan3A_4 step %scan3A_5  : i32 {
      %swap3A = arith.index_cast %scan3A_284 : i32 to index
      %swap3A_285 = arith.constant 0 : index
      %swap3A_286 = tpu.vector_load %arg8[%swap3A, %swap3A_285] {strides = array<i32>} : memref<128x128xf32, #tpu.memory_space<vmem>>, vector<1x16xf32>,
      %swap3A_287 = vector.shape_cast %swap3A_286 : vector<1x16xf32> to vector<16xf32>
      %swap3A_288 = vector.shape_cast %broadcast_in_dim3A_1 : vector<16xf32> to vector<1x16xf32>
      tpu.vector_store %arg8[%swap3A, %swap3A_285], %swap3A_288 {strides = array<i32>} : memref<128x128xf32, #tpu.memory_space<vmem>>, vector<1x16xf32>,
      %swap3A_289 = arith.index_cast %scan3A_284 : i32 to index
      %swap3A_290 = arith.constant 16 : index
      %swap3A_291 = tpu.vector_load %arg8[%swap3A_289, %swap3A_290] {strides = array<i32>} : memref<128x128xf32, #tpu.memory_space<vmem>>, vector<1x16xf32>,
      %swap3A_292 = vector.shape_cast %swap3A_291 : vector<1x16xf32> to vector<16xf32>
      %swap3A_293 = vector.shape_cast %broadcast_in_dim3A_1 : vector<16xf32> to vector<1x16xf32>
      tpu.vector_store %arg8[%swap3A_289, %swap3A_290], %swap3A_293 {strides = array<i32>} : memref<128x128xf32, #tpu.memory_space<vmem>>, vector<1x16xf32>,
      %swap3A_294 = arith.index_cast %scan3A_284 : i32 to index
      %swap3A_295 = arith.constant 32 : index
      %swap3A_296 = tpu.vector_load %arg8[%swap3A_294, %swap3A_295] {strides = array<i32>} : memref<128x128xf32, #tpu.memory_space<vmem>>, vector<1x16xf32>,
      %swap3A_297 = vector.shape_cast %swap3A_296 : vector<1x16xf32> to vector<16xf32>
      %swap3A_298 = vector.shape_cast %broadcast_in_dim3A_1 : vector<16xf32> to vector<1x16xf32>
      tpu.vector_store %arg8[%swap3A_294, %swap3A_295], %swap3A_298 {strides = array<i32>} : memref<128x128xf32, #tpu.memory_space<vmem>>, vector<1x16xf32>,
      %swap3A_299 = arith.index_cast %scan3A_284 : i32 to index
      %swap3A_300 = arith.constant 48 : index
      %swap3A_301 = tpu.vector_load %arg8[%swap3A_299, %swap3A_300] {strides = array<i32>} : memref<128x128xf32, #tpu.memory_space<vmem>>, vector<1x16xf32>,
      %swap3A_302 = vector.shape_cast %swap3A_301 : vector<1x16xf32> to vector<16xf32>
      %swap3A_303 = vector.shape_cast %broadcast_in_dim3A_1 : vector<16xf32> to vector<1x16xf32>
      tpu.vector_store %arg8[%swap3A_299, %swap3A_300], %swap3A_303 {strides = array<i32>} : memref<128x128xf32, #tpu.memory_space<vmem>>, vector<1x16xf32>,
      %swap3A_304 = arith.index_cast %scan3A_284 : i32 to index
      %swap3A_305 = arith.constant 64 : index
      %swap3A_306 = tpu.vector_load %arg8[%swap3A_304, %swap3A_305] {strides = array<i32>} : memref<128x128xf32, #tpu.memory_space<vmem>>, vector<1x16xf32>,
      %swap3A_307 = vector.shape_cast %swap3A_306 : vector<1x16xf32> to vector<16xf32>
      %swap3A_308 = vector.shape_cast %broadcast_in_dim3A_1 : vector<16xf32> to vector<1x16xf32>
      tpu.vector_store %arg8[%swap3A_304, %swap3A_305], %swap3A_308 {strides = array<i32>} : memref<128x128xf32, #tpu.memory_space<vmem>>, vector<1x16xf32>,
      %swap3A_309 = arith.index_cast %scan3A_284 : i32 to index
      %swap3A_310 = arith.constant 80 : index
      %swap3A_311 = tpu.vector_load %arg8[%swap3A_309, %swap3A_310] {strides = array<i32>} : memref<128x128xf32, #tpu.memory_space<vmem>>, vector<1x16xf32>,
      %swap3A_312 = vector.shape_cast %swap3A_311 : vector<1x16xf32> to vector<16xf32>
      %swap3A_313 = vector.shape_cast %broadcast_in_dim3A_1 : vector<16xf32> to vector<1x16xf32>
      tpu.vector_store %arg8[%swap3A_309, %swap3A_310], %swap3A_313 {strides = array<i32>} : memref<128x128xf32, #tpu.memory_space<vmem>>, vector<1x16xf32>,
      %swap3A_314 = arith.index_cast %scan3A_284 : i32 to index
      %swap3A_315 = arith.constant 96 : index
      %swap3A_316 = tpu.vector_load %arg8[%swap3A_314, %swap3A_315] {strides = array<i32>} : memref<128x128xf32, #tpu.memory_space<vmem>>, vector<1x16xf32>,
      %swap3A_317 = vector.shape_cast %swap3A_316 : vector<1x16xf32> to vector<16xf32>
      %swap3A_318 = vector.shape_cast %broadcast_in_dim3A_1 : vector<16xf32> to vector<1x16xf32>
      tpu.vector_store %arg8[%swap3A_314, %swap3A_315], %swap3A_318 {strides = array<i32>} : memref<128x128xf32, #tpu.memory_space<vmem>>, vector<1x16xf32>,
      %swap3A_319 = arith.index_cast %scan3A_284 : i32 to index
      %swap3A_320 = arith.constant 112 : index
      %swap3A_321 = tpu.vector_load %arg8[%swap3A_319, %swap3A_320] {strides = array<i32>} : memref<128x128xf32, #tpu.memory_space<vmem>>, vector<1x16xf32>,
      %swap3A_322 = vector.shape_cast %swap3A_321 : vector<1x16xf32> to vector<16xf32>
      %swap3A_323 = vector.shape_cast %broadcast_in_dim3A_1 : vector<16xf32> to vector<1x16xf32>
      tpu.vector_store %arg8[%swap3A_319, %swap3A_320], %swap3A_323 {strides = array<i32>} : memref<128x128xf32, #tpu.memory_space<vmem>>, vector<1x16xf32>,
    }
    %scan3A_6 = arith.constant 128 : i32
    %mul3A_7 = arith.constant 80 : i32
    %mul3A_8 = arith.muli %add3A, %mul3A_7 : i32
    %add3A_9 = arith.constant 0 : i32
    %add3A_10 = arith.addi %mul3A_8, %add3A_9 : i32
    %run_scoped3A = arith.constant 0 : i32
    "tpu.region"() ({
      %run_scoped3A_284 = tpu.sem_alloc : memref<!tpu.dma_semaphore, #tpu.memory_space<semaphore_mem>>
      %dma_start3A_285 = arith.constant 0 : i32
      %dma_start3A_286 = arith.constant 0 : i32
      %dma_start3A_287 = tpu.memref_slice %arg3[%run_scoped3A, %dma_start3A_285, %dma_start3A_286] : memref<2x2560x125xi32, #tpu.memory_space<hbm>> -> memref<1x2560x125xi32, #tpu.memory_space<hbm>>
      %dma_start3A_288 = tpu.memref_squeeze %dma_start3A_287 : memref<1x2560x125xi32, #tpu.memory_space<hbm>> -> memref<2560x125xi32, #tpu.memory_space<hbm>>
      %dma_start3A_289 = arith.constant 0 : i32
      %dma_start3A_290 = tpu.memref_slice %dma_start3A_288[%add3A_10, %dma_start3A_289] : memref<2560x125xi32, #tpu.memory_space<hbm>> -> memref<40x125xi32, #tpu.memory_space<hbm>>
      %dma_start3A_291 = arith.constant 0 : i32
      %dma_start3A_292 = arith.constant 0 : i32
      %dma_start3A_293 = tpu.memref_slice %arg3[%run_scoped3A, %dma_start3A_291, %dma_start3A_292] : memref<2x2560x125xi32, #tpu.memory_space<hbm>> -> memref<1x2560x125xi32, #tpu.memory_space<hbm>>
      %dma_start3A_294 = tpu.memref_squeeze %dma_start3A_293 : memref<1x2560x125xi32, #tpu.memory_space<hbm>> -> memref<2560x125xi32, #tpu.memory_space<hbm>>
      %dma_start3A_295 = arith.constant 0 : i32
      %dma_start3A_296 = tpu.memref_slice %dma_start3A_294[%add3A_10, %dma_start3A_295] : memref<2560x125xi32, #tpu.memory_space<hbm>> -> memref<40x125xi32, #tpu.memory_space<hbm>>
      tpu.enqueue_dma source(%dma_start3A_296 : memref<40x125xi32, #tpu.memory_space<hbm>>) target(%arg6 : memref<40x125xi32, #tpu.memory_space<vmem>>) target_semaphore(%run_scoped3A_284 : memref<!tpu.dma_semaphore, #tpu.memory_space<semaphore_mem>>)
      %dma_wait3A_297 = arith.constant 0 : i32
      %dma_wait3A_298 = arith.constant 0 : i32
      %dma_wait3A_299 = tpu.memref_slice %arg3[%run_scoped3A, %dma_wait3A_297, %dma_wait3A_298] : memref<2x2560x125xi32, #tpu.memory_space<hbm>> -> memref<1x2560x125xi32, #tpu.memory_space<hbm>>
      %dma_wait3A_300 = tpu.memref_squeeze %dma_wait3A_299 : memref<1x2560x125xi32, #tpu.memory_space<hbm>> -> memref<2560x125xi32, #tpu.memory_space<hbm>>
      %dma_wait3A_301 = arith.constant 0 : i32
      %dma_wait3A_302 = tpu.memref_slice %dma_wait3A_300[%add3A_10, %dma_wait3A_301] : memref<2560x125xi32, #tpu.memory_space<hbm>> -> memref<40x125xi32, #tpu.memory_space<hbm>>
      %dma_wait3A_303 = arith.constant 0 : i32
      %dma_wait3A_304 = arith.constant 0 : i32
      %dma_wait3A_305 = tpu.memref_slice %arg3[%run_scoped3A, %dma_wait3A_303, %dma_wait3A_304] : memref<2x2560x125xi32, #tpu.memory_space<hbm>> -> memref<1x2560x125xi32, #tpu.memory_space<hbm>>
      %dma_wait3A_306 = tpu.memref_squeeze %dma_wait3A_305 : memref<1x2560x125xi32, #tpu.memory_space<hbm>> -> memref<2560x125xi32, #tpu.memory_space<hbm>>
      %dma_wait3A_307 = arith.constant 0 : i32
      %dma_wait3A_308 = tpu.memref_slice %dma_wait3A_306[%add3A_10, %dma_wait3A_307] : memref<2560x125xi32, #tpu.memory_space<hbm>> -> memref<40x125xi32, #tpu.memory_space<hbm>>
      tpu.wait_dma2 semaphore(%run_scoped3A_284 : memref<!tpu.dma_semaphore, #tpu.memory_space<semaphore_mem>>) src(%dma_wait3A_308 : memref<40x125xi32, #tpu.memory_space<hbm>>) dst(%arg6 : memref<40x125xi32, #tpu.memory_space<vmem>>)
      tpu.yield
    }) : () -> ()
    %mul3A_11 = arith.constant 80 : i32
    %mul3A_12 = arith.muli %add3A, %mul3A_11 : i32
    %add3A_13 = arith.constant 0 : i32
    %add3A_14 = arith.addi %mul3A_12, %add3A_13 : i32
    %run_scoped3A_15 = arith.constant 1 : i32
    "tpu.region"() ({
      %run_scoped3A_284 = tpu.sem_alloc : memref<!tpu.dma_semaphore, #tpu.memory_space<semaphore_mem>>
      %dma_start3A_285 = arith.constant 0 : i32
      %dma_start3A_286 = arith.constant 0 : i32
      %dma_start3A_287 = tpu.memref_slice %arg3[%run_scoped3A_15, %dma_start3A_285, %dma_start3A_286] : memref<2x2560x125xi32, #tpu.memory_space<hbm>> -> memref<1x2560x125xi32, #tpu.memory_space<hbm>>
      %dma_start3A_288 = tpu.memref_squeeze %dma_start3A_287 : memref<1x2560x125xi32, #tpu.memory_space<hbm>> -> memref<2560x125xi32, #tpu.memory_space<hbm>>
      %dma_start3A_289 = arith.constant 0 : i32
      %dma_start3A_290 = tpu.memref_slice %dma_start3A_288[%add3A_14, %dma_start3A_289] : memref<2560x125xi32, #tpu.memory_space<hbm>> -> memref<40x125xi32, #tpu.memory_space<hbm>>
      %dma_start3A_291 = arith.constant 0 : i32
      %dma_start3A_292 = arith.constant 0 : i32
      %dma_start3A_293 = tpu.memref_slice %arg3[%run_scoped3A_15, %dma_start3A_291, %dma_start3A_292] : memref<2x2560x125xi32, #tpu.memory_space<hbm>> -> memref<1x2560x125xi32, #tpu.memory_space<hbm>>
      %dma_start3A_294 = tpu.memref_squeeze %dma_start3A_293 : memref<1x2560x125xi32, #tpu.memory_space<hbm>> -> memref<2560x125xi32, #tpu.memory_space<hbm>>
      %dma_start3A_295 = arith.constant 0 : i32
      %dma_start3A_296 = tpu.memref_slice %dma_start3A_294[%add3A_14, %dma_start3A_295] : memref<2560x125xi32, #tpu.memory_space<hbm>> -> memref<40x125xi32, #tpu.memory_space<hbm>>
      tpu.enqueue_dma source(%dma_start3A_296 : memref<40x125xi32, #tpu.memory_space<hbm>>) target(%arg7 : memref<40x125xi32, #tpu.memory_space<vmem>>) target_semaphore(%run_scoped3A_284 : memref<!tpu.dma_semaphore, #tpu.memory_space<semaphore_mem>>)
      %dma_wait3A_297 = arith.constant 0 : i32
      %dma_wait3A_298 = arith.constant 0 : i32
      %dma_wait3A_299 = tpu.memref_slice %arg3[%run_scoped3A_15, %dma_wait3A_297, %dma_wait3A_298] : memref<2x2560x125xi32, #tpu.memory_space<hbm>> -> memref<1x2560x125xi32, #tpu.memory_space<hbm>>
      %dma_wait3A_300 = tpu.memref_squeeze %dma_wait3A_299 : memref<1x2560x125xi32, #tpu.memory_space<hbm>> -> memref<2560x125xi32, #tpu.memory_space<hbm>>
      %dma_wait3A_301 = arith.constant 0 : i32
      %dma_wait3A_302 = tpu.memref_slice %dma_wait3A_300[%add3A_14, %dma_wait3A_301] : memref<2560x125xi32, #tpu.memory_space<hbm>> -> memref<40x125xi32, #tpu.memory_space<hbm>>
      %dma_wait3A_303 = arith.constant 0 : i32
      %dma_wait3A_304 = arith.constant 0 : i32
      %dma_wait3A_305 = tpu.memref_slice %arg3[%run_scoped3A_15, %dma_wait3A_303, %dma_wait3A_304] : memref<2x2560x125xi32, #tpu.memory_space<hbm>> -> memref<1x2560x125xi32, #tpu.memory_space<hbm>>
      %dma_wait3A_306 = tpu.memref_squeeze %dma_wait3A_305 : memref<1x2560x125xi32, #tpu.memory_space<hbm>> -> memref<2560x125xi32, #tpu.memory_space<hbm>>
      %dma_wait3A_307 = arith.constant 0 : i32
      %dma_wait3A_308 = tpu.memref_slice %dma_wait3A_306[%add3A_14, %dma_wait3A_307] : memref<2560x125xi32, #tpu.memory_space<hbm>> -> memref<40x125xi32, #tpu.memory_space<hbm>>
      tpu.wait_dma2 semaphore(%run_scoped3A_284 : memref<!tpu.dma_semaphore, #tpu.memory_space<semaphore_mem>>) src(%dma_wait3A_308 : memref<40x125xi32, #tpu.memory_space<hbm>>) dst(%arg7 : memref<40x125xi32, #tpu.memory_space<vmem>>)
      tpu.yield
    }) : () -> ()
    %dma_start3A = arith.constant 1 : i32
    %dma_start3A_16 = arith.constant 0 : i32
    %dma_start3A_17 = arith.constant 0 : i32
    %dma_start3A_18 = tpu.memref_slice %arg9[%dma_start3A_16, %dma_start3A_17] : memref<128x128xf32, #tpu.memory_space<vmem>> -> memref<125x128xf32, #tpu.memory_space<vmem>>
    %dma_start3A_19 = arith.constant 0 : i32
    %dma_start3A_20 = tpu.memref_slice %arg6[%dma_start3A, %dma_start3A_19] : memref<40x125xi32, #tpu.memory_space<vmem>> -> memref<1x125xi32, #tpu.memory_space<vmem>>
    %dma_start3A_21 = tpu.memref_squeeze %dma_start3A_20 : memref<1x125xi32, #tpu.memory_space<vmem>> -> memref<125xi32, #tpu.memory_space<vmem>>
    %dma_start3A_22 = arith.constant 0 : i32
    %dma_start3A_23 = arith.constant 0 : i32
    %dma_start3A_24 = tpu.memref_slice %arg2[%dma_start3A_22, %dma_start3A_23] : memref<10000x128xf32, #tpu.memory_space<hbm>> -> memref<10000x128xf32, #tpu.memory_space<hbm>>
    tpu.enqueue_indirect_dma source(%dma_start3A_24 : memref<10000x128xf32, #tpu.memory_space<hbm>>) target(%dma_start3A_18 : memref<125x128xf32, #tpu.memory_space<vmem>>) offsets(%dma_start3A_21 : memref<125xi32, #tpu.memory_space<vmem>>) semaphore(%arg12 : memref<!tpu.dma_semaphore, #tpu.memory_space<semaphore_mem>>)
    %mul3A_25 = arith.constant 640 : i32
    %mul3A_26 = arith.muli %arg1, %mul3A_25 : i32
    %add3A_27 = arith.constant 0 : i32
    %add3A_28 = arith.addi %mul3A_26, %add3A_27 : i32
    %dma_start3A_29 = arith.constant 0 : i32
    %dma_start3A_30 = tpu.memref_slice %arg10[%add3A_28, %dma_start3A_29] : memref<10240x128xf32, #tpu.memory_space<vmem_shared>> -> memref<128x128xf32, #tpu.memory_space<vmem_shared>>
    %dma_start3A_31 = arith.constant 0 : i32
    %dma_start3A_32 = tpu.memref_slice %arg10[%add3A_28, %dma_start3A_31] : memref<10240x128xf32, #tpu.memory_space<vmem_shared>> -> memref<128x128xf32, #tpu.memory_space<vmem_shared>>
    tpu.enqueue_dma source(%arg8 : memref<128x128xf32, #tpu.memory_space<vmem>>) target(%dma_start3A_32 : memref<128x128xf32, #tpu.memory_space<vmem_shared>>) target_semaphore(%arg13 : memref<!tpu.dma_semaphore, #tpu.memory_space<semaphore_mem>>)
    %mul3A_33 = arith.constant 640 : i32
    %mul3A_34 = arith.muli %arg1, %mul3A_33 : i32
    %add3A_35 = arith.constant 128 : i32
    %add3A_36 = arith.addi %mul3A_34, %add3A_35 : i32
    %dma_start3A_37 = arith.constant 0 : i32
    %dma_start3A_38 = tpu.memref_slice %arg10[%add3A_36, %dma_start3A_37] : memref<10240x128xf32, #tpu.memory_space<vmem_shared>> -> memref<128x128xf32, #tpu.memory_space<vmem_shared>>
    %dma_start3A_39 = arith.constant 0 : i32
    %dma_start3A_40 = tpu.memref_slice %arg10[%add3A_36, %dma_start3A_39] : memref<10240x128xf32, #tpu.memory_space<vmem_shared>> -> memref<128x128xf32, #tpu.memory_space<vmem_shared>>
    tpu.enqueue_dma source(%arg8 : memref<128x128xf32, #tpu.memory_space<vmem>>) target(%dma_start3A_40 : memref<128x128xf32, #tpu.memory_space<vmem_shared>>) target_semaphore(%arg13 : memref<!tpu.dma_semaphore, #tpu.memory_space<semaphore_mem>>)
    %mul3A_41 = arith.constant 640 : i32
    %mul3A_42 = arith.muli %arg1, %mul3A_41 : i32
    %add3A_43 = arith.constant 256 : i32
    %add3A_44 = arith.addi %mul3A_42, %add3A_43 : i32
    %dma_start3A_45 = arith.constant 0 : i32
    %dma_start3A_46 = tpu.memref_slice %arg10[%add3A_44, %dma_start3A_45] : memref<10240x128xf32, #tpu.memory_space<vmem_shared>> -> memref<128x128xf32, #tpu.memory_space<vmem_shared>>
    %dma_start3A_47 = arith.constant 0 : i32
    %dma_start3A_48 = tpu.memref_slice %arg10[%add3A_44, %dma_start3A_47] : memref<10240x128xf32, #tpu.memory_space<vmem_shared>> -> memref<128x128xf32, #tpu.memory_space<vmem_shared>>
    tpu.enqueue_dma source(%arg8 : memref<128x128xf32, #tpu.memory_space<vmem>>) target(%dma_start3A_48 : memref<128x128xf32, #tpu.memory_space<vmem_shared>>) target_semaphore(%arg13 : memref<!tpu.dma_semaphore, #tpu.memory_space<semaphore_mem>>)
    %mul3A_49 = arith.constant 640 : i32
    %mul3A_50 = arith.muli %arg1, %mul3A_49 : i32
    %add3A_51 = arith.constant 384 : i32
    %add3A_52 = arith.addi %mul3A_50, %add3A_51 : i32
    %dma_start3A_53 = arith.constant 0 : i32
    %dma_start3A_54 = tpu.memref_slice %arg10[%add3A_52, %dma_start3A_53] : memref<10240x128xf32, #tpu.memory_space<vmem_shared>> -> memref<128x128xf32, #tpu.memory_space<vmem_shared>>
    %dma_start3A_55 = arith.constant 0 : i32
    %dma_start3A_56 = tpu.memref_slice %arg10[%add3A_52, %dma_start3A_55] : memref<10240x128xf32, #tpu.memory_space<vmem_shared>> -> memref<128x128xf32, #tpu.memory_space<vmem_shared>>
    tpu.enqueue_dma source(%arg8 : memref<128x128xf32, #tpu.memory_space<vmem>>) target(%dma_start3A_56 : memref<128x128xf32, #tpu.memory_space<vmem_shared>>) target_semaphore(%arg13 : memref<!tpu.dma_semaphore, #tpu.memory_space<semaphore_mem>>)
    %mul3A_57 = arith.constant 640 : i32
    %mul3A_58 = arith.muli %arg1, %mul3A_57 : i32
    %add3A_59 = arith.constant 512 : i32
    %add3A_60 = arith.addi %mul3A_58, %add3A_59 : i32
    %dma_start3A_61 = arith.constant 0 : i32
    %dma_start3A_62 = tpu.memref_slice %arg10[%add3A_60, %dma_start3A_61] : memref<10240x128xf32, #tpu.memory_space<vmem_shared>> -> memref<128x128xf32, #tpu.memory_space<vmem_shared>>
    %dma_start3A_63 = arith.constant 0 : i32
    %dma_start3A_64 = tpu.memref_slice %arg10[%add3A_60, %dma_start3A_63] : memref<10240x128xf32, #tpu.memory_space<vmem_shared>> -> memref<128x128xf32, #tpu.memory_space<vmem_shared>>
    tpu.enqueue_dma source(%arg8 : memref<128x128xf32, #tpu.memory_space<vmem>>) target(%dma_start3A_64 : memref<128x128xf32, #tpu.memory_space<vmem_shared>>) target_semaphore(%arg13 : memref<!tpu.dma_semaphore, #tpu.memory_space<semaphore_mem>>)
    %mul3A_65 = arith.constant 640 : i32
    %mul3A_66 = arith.muli %arg1, %mul3A_65 : i32
    %add3A_67 = arith.constant 0 : i32
    %add3A_68 = arith.addi %mul3A_66, %add3A_67 : i32
    %dma_wait3A = arith.constant 0 : i32
    %dma_wait3A_69 = tpu.memref_slice %arg10[%add3A_68, %dma_wait3A] : memref<10240x128xf32, #tpu.memory_space<vmem_shared>> -> memref<128x128xf32, #tpu.memory_space<vmem_shared>>
    %dma_wait3A_70 = arith.constant 0 : i32
    %dma_wait3A_71 = tpu.memref_slice %arg10[%add3A_68, %dma_wait3A_70] : memref<10240x128xf32, #tpu.memory_space<vmem_shared>> -> memref<128x128xf32, #tpu.memory_space<vmem_shared>>
    tpu.wait_dma2 semaphore(%arg13 : memref<!tpu.dma_semaphore, #tpu.memory_space<semaphore_mem>>) src(%arg8 : memref<128x128xf32, #tpu.memory_space<vmem>>) dst(%dma_wait3A_71 : memref<128x128xf32, #tpu.memory_space<vmem_shared>>)
    %mul3A_72 = arith.constant 640 : i32
    %mul3A_73 = arith.muli %arg1, %mul3A_72 : i32
    %add3A_74 = arith.constant 128 : i32
    %add3A_75 = arith.addi %mul3A_73, %add3A_74 : i32
    %dma_wait3A_76 = arith.constant 0 : i32
    %dma_wait3A_77 = tpu.memref_slice %arg10[%add3A_75, %dma_wait3A_76] : memref<10240x128xf32, #tpu.memory_space<vmem_shared>> -> memref<128x128xf32, #tpu.memory_space<vmem_shared>>
    %dma_wait3A_78 = arith.constant 0 : i32
    %dma_wait3A_79 = tpu.memref_slice %arg10[%add3A_75, %dma_wait3A_78] : memref<10240x128xf32, #tpu.memory_space<vmem_shared>> -> memref<128x128xf32, #tpu.memory_space<vmem_shared>>
    tpu.wait_dma2 semaphore(%arg13 : memref<!tpu.dma_semaphore, #tpu.memory_space<semaphore_mem>>) src(%arg8 : memref<128x128xf32, #tpu.memory_space<vmem>>) dst(%dma_wait3A_79 : memref<128x128xf32, #tpu.memory_space<vmem_shared>>)
    %mul3A_80 = arith.constant 640 : i32
    %mul3A_81 = arith.muli %arg1, %mul3A_80 : i32
    %add3A_82 = arith.constant 256 : i32
    %add3A_83 = arith.addi %mul3A_81, %add3A_82 : i32
    %dma_wait3A_84 = arith.constant 0 : i32
    %dma_wait3A_85 = tpu.memref_slice %arg10[%add3A_83, %dma_wait3A_84] : memref<10240x128xf32, #tpu.memory_space<vmem_shared>> -> memref<128x128xf32, #tpu.memory_space<vmem_shared>>
    %dma_wait3A_86 = arith.constant 0 : i32
    %dma_wait3A_87 = tpu.memref_slice %arg10[%add3A_83, %dma_wait3A_86] : memref<10240x128xf32, #tpu.memory_space<vmem_shared>> -> memref<128x128xf32, #tpu.memory_space<vmem_shared>>
    tpu.wait_dma2 semaphore(%arg13 : memref<!tpu.dma_semaphore, #tpu.memory_space<semaphore_mem>>) src(%arg8 : memref<128x128xf32, #tpu.memory_space<vmem>>) dst(%dma_wait3A_87 : memref<128x128xf32, #tpu.memory_space<vmem_shared>>)
    %mul3A_88 = arith.constant 640 : i32
    %mul3A_89 = arith.muli %arg1, %mul3A_88 : i32
    %add3A_90 = arith.constant 384 : i32
    %add3A_91 = arith.addi %mul3A_89, %add3A_90 : i32
    %dma_wait3A_92 = arith.constant 0 : i32
    %dma_wait3A_93 = tpu.memref_slice %arg10[%add3A_91, %dma_wait3A_92] : memref<10240x128xf32, #tpu.memory_space<vmem_shared>> -> memref<128x128xf32, #tpu.memory_space<vmem_shared>>
    %dma_wait3A_94 = arith.constant 0 : i32
    %dma_wait3A_95 = tpu.memref_slice %arg10[%add3A_91, %dma_wait3A_94] : memref<10240x128xf32, #tpu.memory_space<vmem_shared>> -> memref<128x128xf32, #tpu.memory_space<vmem_shared>>
    tpu.wait_dma2 semaphore(%arg13 : memref<!tpu.dma_semaphore, #tpu.memory_space<semaphore_mem>>) src(%arg8 : memref<128x128xf32, #tpu.memory_space<vmem>>) dst(%dma_wait3A_95 : memref<128x128xf32, #tpu.memory_space<vmem_shared>>)
    %mul3A_96 = arith.constant 640 : i32
    %mul3A_97 = arith.muli %arg1, %mul3A_96 : i32
    %add3A_98 = arith.constant 512 : i32
    %add3A_99 = arith.addi %mul3A_97, %add3A_98 : i32
    %dma_wait3A_100 = arith.constant 0 : i32
    %dma_wait3A_101 = tpu.memref_slice %arg10[%add3A_99, %dma_wait3A_100] : memref<10240x128xf32, #tpu.memory_space<vmem_shared>> -> memref<128x128xf32, #tpu.memory_space<vmem_shared>>
    %dma_wait3A_102 = arith.constant 0 : i32
    %dma_wait3A_103 = tpu.memref_slice %arg10[%add3A_99, %dma_wait3A_102] : memref<10240x128xf32, #tpu.memory_space<vmem_shared>> -> memref<128x128xf32, #tpu.memory_space<vmem_shared>>
    tpu.wait_dma2 semaphore(%arg13 : memref<!tpu.dma_semaphore, #tpu.memory_space<semaphore_mem>>) src(%arg8 : memref<128x128xf32, #tpu.memory_space<vmem>>) dst(%dma_wait3A_103 : memref<128x128xf32, #tpu.memory_space<vmem_shared>>)
    %dma_start3A_104 = arith.constant 0 : i32
    %dma_start3A_105 = arith.constant 0 : i32
    %dma_start3A_106 = arith.constant 0 : i32
    %dma_start3A_107 = tpu.memref_slice %arg8[%dma_start3A_105, %dma_start3A_106] : memref<128x128xf32, #tpu.memory_space<vmem>> -> memref<125x128xf32, #tpu.memory_space<vmem>>
    %dma_start3A_108 = arith.constant 0 : i32
    %dma_start3A_109 = tpu.memref_slice %arg6[%dma_start3A_104, %dma_start3A_108] : memref<40x125xi32, #tpu.memory_space<vmem>> -> memref<1x125xi32, #tpu.memory_space<vmem>>
    %dma_start3A_110 = tpu.memref_squeeze %dma_start3A_109 : memref<1x125xi32, #tpu.memory_space<vmem>> -> memref<125xi32, #tpu.memory_space<vmem>>
    %dma_start3A_111 = arith.constant 0 : i32
    %dma_start3A_112 = arith.constant 0 : i32
    %dma_start3A_113 = tpu.memref_slice %arg2[%dma_start3A_111, %dma_start3A_112] : memref<10000x128xf32, #tpu.memory_space<hbm>> -> memref<10000x128xf32, #tpu.memory_space<hbm>>
    tpu.enqueue_indirect_dma source(%dma_start3A_113 : memref<10000x128xf32, #tpu.memory_space<hbm>>) target(%dma_start3A_107 : memref<125x128xf32, #tpu.memory_space<vmem>>) offsets(%dma_start3A_110 : memref<125xi32, #tpu.memory_space<vmem>>) semaphore(%arg11 : memref<!tpu.dma_semaphore, #tpu.memory_space<semaphore_mem>>)
    %barrier3A = arith.constant 0 : index
    tpu.barrier barrier_id(%barrier3A)
    %scan3A_114 = arith.constant 0 : i32
    %scan3A_115 = arith.constant 0 : i32
    %scan3A_116 = arith.constant 19 : i32
    %scan3A_117 = arith.addi %scan3A_115, %scan3A_116 : i32
    %scan3A_118 = arith.constant 1 : i32
    scf.for %scan3A_284 = %scan3A_115 to %scan3A_117 step %scan3A_118  : i32 {
      %mul3A_285 = arith.constant 2 : i32
      %mul3A_286 = arith.muli %mul3A_285, %scan3A_284 : i32
      %add3A_287 = arith.constant 0 : i32
      %add3A_288 = arith.addi %mul3A_286, %add3A_287 : i32
      %dma_wait3A_289 = arith.constant 0 : i32
      %dma_wait3A_290 = arith.constant 0 : i32
      %dma_wait3A_291 = tpu.memref_slice %arg8[%dma_wait3A_289, %dma_wait3A_290] : memref<128x128xf32, #tpu.memory_space<vmem>> -> memref<125x128xf32, #tpu.memory_space<vmem>>
      %dma_wait3A_292 = arith.constant 0 : i32
      %dma_wait3A_293 = tpu.memref_slice %arg6[%add3A_288, %dma_wait3A_292] : memref<40x125xi32, #tpu.memory_space<vmem>> -> memref<1x125xi32, #tpu.memory_space<vmem>>
      %dma_wait3A_294 = tpu.memref_squeeze %dma_wait3A_293 : memref<1x125xi32, #tpu.memory_space<vmem>> -> memref<125xi32, #tpu.memory_space<vmem>>
      %dma_wait3A_295 = arith.constant 0 : i32
      %dma_wait3A_296 = arith.constant 0 : i32
      %dma_wait3A_297 = tpu.memref_slice %arg2[%dma_wait3A_295, %dma_wait3A_296] : memref<10000x128xf32, #tpu.memory_space<hbm>> -> memref<10000x128xf32, #tpu.memory_space<hbm>>
      tpu.wait_indirect_dma semaphore(%arg11 : memref<!tpu.dma_semaphore, #tpu.memory_space<semaphore_mem>>) src(%dma_wait3A_297 : memref<10000x128xf32, #tpu.memory_space<hbm>>) dst(%dma_wait3A_291 : memref<125x128xf32, #tpu.memory_space<vmem>>)
      %dma_start3A_298 = arith.constant 0 : i32
      %dma_start3A_299 = arith.constant 0 : i32
      %dma_start3A_300 = tpu.memref_slice %arg8[%dma_start3A_298, %dma_start3A_299] : memref<128x128xf32, #tpu.memory_space<vmem>> -> memref<125x128xf32, #tpu.memory_space<vmem>>
      %dma_start3A_301 = arith.constant 0 : i32
      %dma_start3A_302 = tpu.memref_slice %arg7[%add3A_288, %dma_start3A_301] : memref<40x125xi32, #tpu.memory_space<vmem>> -> memref<1x125xi32, #tpu.memory_space<vmem>>
      %dma_start3A_303 = tpu.memref_squeeze %dma_start3A_302 : memref<1x125xi32, #tpu.memory_space<vmem>> -> memref<125xi32, #tpu.memory_space<vmem>>
      %dma_start3A_304 = arith.constant 0 : i32
      %dma_start3A_305 = arith.constant 0 : i32
      %dma_start3A_306 = tpu.memref_slice %arg10[%dma_start3A_304, %dma_start3A_305] : memref<10240x128xf32, #tpu.memory_space<vmem_shared>> -> memref<10240x128xf32, #tpu.memory_space<vmem_shared>>
      tpu.enqueue_indirect_dma source(%dma_start3A_300 : memref<125x128xf32, #tpu.memory_space<vmem>>) target(%dma_start3A_306 : memref<10240x128xf32, #tpu.memory_space<vmem_shared>>) offsets(%dma_start3A_303 : memref<125xi32, #tpu.memory_space<vmem>>) semaphore(%arg13 : memref<!tpu.dma_semaphore, #tpu.memory_space<semaphore_mem>>) {add = true}
      %dma_wait3A_307 = arith.constant 0 : i32
      %dma_wait3A_308 = arith.constant 0 : i32
      %dma_wait3A_309 = tpu.memref_slice %arg8[%dma_wait3A_307, %dma_wait3A_308] : memref<128x128xf32, #tpu.memory_space<vmem>> -> memref<125x128xf32, #tpu.memory_space<vmem>>
      %dma_wait3A_310 = arith.constant 0 : i32
      %dma_wait3A_311 = tpu.memref_slice %arg7[%add3A_288, %dma_wait3A_310] : memref<40x125xi32, #tpu.memory_space<vmem>> -> memref<1x125xi32, #tpu.memory_space<vmem>>
      %dma_wait3A_312 = tpu.memref_squeeze %dma_wait3A_311 : memref<1x125xi32, #tpu.memory_space<vmem>> -> memref<125xi32, #tpu.memory_space<vmem>>
      %dma_wait3A_313 = arith.constant 0 : i32
      %dma_wait3A_314 = arith.constant 0 : i32
      %dma_wait3A_315 = tpu.memref_slice %arg10[%dma_wait3A_313, %dma_wait3A_314] : memref<10240x128xf32, #tpu.memory_space<vmem_shared>> -> memref<10240x128xf32, #tpu.memory_space<vmem_shared>>
      tpu.wait_indirect_dma semaphore(%arg13 : memref<!tpu.dma_semaphore, #tpu.memory_space<semaphore_mem>>) src(%dma_wait3A_309 : memref<125x128xf32, #tpu.memory_space<vmem>>) dst(%dma_wait3A_315 : memref<10240x128xf32, #tpu.memory_space<vmem_shared>>)
      %add3A_316 = arith.constant 2 : i32
      %add3A_317 = arith.addi %add3A_288, %add3A_316 : i32
      %dma_start3A_318 = arith.constant 0 : i32
      %dma_start3A_319 = arith.constant 0 : i32
      %dma_start3A_320 = tpu.memref_slice %arg8[%dma_start3A_318, %dma_start3A_319] : memref<128x128xf32, #tpu.memory_space<vmem>> -> memref<125x128xf32, #tpu.memory_space<vmem>>
      %dma_start3A_321 = arith.constant 0 : i32
      %dma_start3A_322 = tpu.memref_slice %arg6[%add3A_317, %dma_start3A_321] : memref<40x125xi32, #tpu.memory_space<vmem>> -> memref<1x125xi32, #tpu.memory_space<vmem>>
      %dma_start3A_323 = tpu.memref_squeeze %dma_start3A_322 : memref<1x125xi32, #tpu.memory_space<vmem>> -> memref<125xi32, #tpu.memory_space<vmem>>
      %dma_start3A_324 = arith.constant 0 : i32
      %dma_start3A_325 = arith.constant 0 : i32
      %dma_start3A_326 = tpu.memref_slice %arg2[%dma_start3A_324, %dma_start3A_325] : memref<10000x128xf32, #tpu.memory_space<hbm>> -> memref<10000x128xf32, #tpu.memory_space<hbm>>
      tpu.enqueue_indirect_dma source(%dma_start3A_326 : memref<10000x128xf32, #tpu.memory_space<hbm>>) target(%dma_start3A_320 : memref<125x128xf32, #tpu.memory_space<vmem>>) offsets(%dma_start3A_323 : memref<125xi32, #tpu.memory_space<vmem>>) semaphore(%arg11 : memref<!tpu.dma_semaphore, #tpu.memory_space<semaphore_mem>>)
      %mul3A_327 = arith.constant 2 : i32
      %mul3A_328 = arith.muli %mul3A_327, %scan3A_284 : i32
      %add3A_329 = arith.constant 1 : i32
      %add3A_330 = arith.addi %mul3A_328, %add3A_329 : i32
      %dma_wait3A_331 = arith.constant 0 : i32
      %dma_wait3A_332 = arith.constant 0 : i32
      %dma_wait3A_333 = tpu.memref_slice %arg9[%dma_wait3A_331, %dma_wait3A_332] : memref<128x128xf32, #tpu.memory_space<vmem>> -> memref<125x128xf32, #tpu.memory_space<vmem>>
      %dma_wait3A_334 = arith.constant 0 : i32
      %dma_wait3A_335 = tpu.memref_slice %arg6[%add3A_330, %dma_wait3A_334] : memref<40x125xi32, #tpu.memory_space<vmem>> -> memref<1x125xi32, #tpu.memory_space<vmem>>
      %dma_wait3A_336 = tpu.memref_squeeze %dma_wait3A_335 : memref<1x125xi32, #tpu.memory_space<vmem>> -> memref<125xi32, #tpu.memory_space<vmem>>
      %dma_wait3A_337 = arith.constant 0 : i32
      %dma_wait3A_338 = arith.constant 0 : i32
      %dma_wait3A_339 = tpu.memref_slice %arg2[%dma_wait3A_337, %dma_wait3A_338] : memref<10000x128xf32, #tpu.memory_space<hbm>> -> memref<10000x128xf32, #tpu.memory_space<hbm>>
      tpu.wait_indirect_dma semaphore(%arg12 : memref<!tpu.dma_semaphore, #tpu.memory_space<semaphore_mem>>) src(%dma_wait3A_339 : memref<10000x128xf32, #tpu.memory_space<hbm>>) dst(%dma_wait3A_333 : memref<125x128xf32, #tpu.memory_space<vmem>>)
      %dma_start3A_340 = arith.constant 0 : i32
      %dma_start3A_341 = arith.constant 0 : i32
      %dma_start3A_342 = tpu.memref_slice %arg9[%dma_start3A_340, %dma_start3A_341] : memref<128x128xf32, #tpu.memory_space<vmem>> -> memref<125x128xf32, #tpu.memory_space<vmem>>
      %dma_start3A_343 = arith.constant 0 : i32
      %dma_start3A_344 = tpu.memref_slice %arg7[%add3A_330, %dma_start3A_343] : memref<40x125xi32, #tpu.memory_space<vmem>> -> memref<1x125xi32, #tpu.memory_space<vmem>>
      %dma_start3A_345 = tpu.memref_squeeze %dma_start3A_344 : memref<1x125xi32, #tpu.memory_space<vmem>> -> memref<125xi32, #tpu.memory_space<vmem>>
      %dma_start3A_346 = arith.constant 0 : i32
      %dma_start3A_347 = arith.constant 0 : i32
      %dma_start3A_348 = tpu.memref_slice %arg10[%dma_start3A_346, %dma_start3A_347] : memref<10240x128xf32, #tpu.memory_space<vmem_shared>> -> memref<10240x128xf32, #tpu.memory_space<vmem_shared>>
      tpu.enqueue_indirect_dma source(%dma_start3A_342 : memref<125x128xf32, #tpu.memory_space<vmem>>) target(%dma_start3A_348 : memref<10240x128xf32, #tpu.memory_space<vmem_shared>>) offsets(%dma_start3A_345 : memref<125xi32, #tpu.memory_space<vmem>>) semaphore(%arg14 : memref<!tpu.dma_semaphore, #tpu.memory_space<semaphore_mem>>) {add = true}
      %dma_wait3A_349 = arith.constant 0 : i32
      %dma_wait3A_350 = arith.constant 0 : i32
      %dma_wait3A_351 = tpu.memref_slice %arg9[%dma_wait3A_349, %dma_wait3A_350] : memref<128x128xf32, #tpu.memory_space<vmem>> -> memref<125x128xf32, #tpu.memory_space<vmem>>
      %dma_wait3A_352 = arith.constant 0 : i32
      %dma_wait3A_353 = tpu.memref_slice %arg7[%add3A_330, %dma_wait3A_352] : memref<40x125xi32, #tpu.memory_space<vmem>> -> memref<1x125xi32, #tpu.memory_space<vmem>>
      %dma_wait3A_354 = tpu.memref_squeeze %dma_wait3A_353 : memref<1x125xi32, #tpu.memory_space<vmem>> -> memref<125xi32, #tpu.memory_space<vmem>>
      %dma_wait3A_355 = arith.constant 0 : i32
      %dma_wait3A_356 = arith.constant 0 : i32
      %dma_wait3A_357 = tpu.memref_slice %arg10[%dma_wait3A_355, %dma_wait3A_356] : memref<10240x128xf32, #tpu.memory_space<vmem_shared>> -> memref<10240x128xf32, #tpu.memory_space<vmem_shared>>
      tpu.wait_indirect_dma semaphore(%arg14 : memref<!tpu.dma_semaphore, #tpu.memory_space<semaphore_mem>>) src(%dma_wait3A_351 : memref<125x128xf32, #tpu.memory_space<vmem>>) dst(%dma_wait3A_357 : memref<10240x128xf32, #tpu.memory_space<vmem_shared>>)
      %add3A_358 = arith.constant 2 : i32
      %add3A_359 = arith.addi %add3A_330, %add3A_358 : i32
      %dma_start3A_360 = arith.constant 0 : i32
      %dma_start3A_361 = arith.constant 0 : i32
      %dma_start3A_362 = tpu.memref_slice %arg9[%dma_start3A_360, %dma_start3A_361] : memref<128x128xf32, #tpu.memory_space<vmem>> -> memref<125x128xf32, #tpu.memory_space<vmem>>
      %dma_start3A_363 = arith.constant 0 : i32
      %dma_start3A_364 = tpu.memref_slice %arg6[%add3A_359, %dma_start3A_363] : memref<40x125xi32, #tpu.memory_space<vmem>> -> memref<1x125xi32, #tpu.memory_space<vmem>>
      %dma_start3A_365 = tpu.memref_squeeze %dma_start3A_364 : memref<1x125xi32, #tpu.memory_space<vmem>> -> memref<125xi32, #tpu.memory_space<vmem>>
      %dma_start3A_366 = arith.constant 0 : i32
      %dma_start3A_367 = arith.constant 0 : i32
      %dma_start3A_368 = tpu.memref_slice %arg2[%dma_start3A_366, %dma_start3A_367] : memref<10000x128xf32, #tpu.memory_space<hbm>> -> memref<10000x128xf32, #tpu.memory_space<hbm>>
      tpu.enqueue_indirect_dma source(%dma_start3A_368 : memref<10000x128xf32, #tpu.memory_space<hbm>>) target(%dma_start3A_362 : memref<125x128xf32, #tpu.memory_space<vmem>>) offsets(%dma_start3A_365 : memref<125xi32, #tpu.memory_space<vmem>>) semaphore(%arg12 : memref<!tpu.dma_semaphore, #tpu.memory_space<semaphore_mem>>)
    }
    %scan3A_119 = arith.constant 19 : i32
    %dma_wait3A_120 = arith.constant 38 : i32
    %dma_wait3A_121 = arith.constant 0 : i32
    %dma_wait3A_122 = arith.constant 0 : i32
    %dma_wait3A_123 = tpu.memref_slice %arg8[%dma_wait3A_121, %dma_wait3A_122] : memref<128x128xf32, #tpu.memory_space<vmem>> -> memref<125x128xf32, #tpu.memory_space<vmem>>
    %dma_wait3A_124 = arith.constant 0 : i32
    %dma_wait3A_125 = tpu.memref_slice %arg6[%dma_wait3A_120, %dma_wait3A_124] : memref<40x125xi32, #tpu.memory_space<vmem>> -> memref<1x125xi32, #tpu.memory_space<vmem>>
    %dma_wait3A_126 = tpu.memref_squeeze %dma_wait3A_125 : memref<1x125xi32, #tpu.memory_space<vmem>> -> memref<125xi32, #tpu.memory_space<vmem>>
    %dma_wait3A_127 = arith.constant 0 : i32
    %dma_wait3A_128 = arith.constant 0 : i32
    %dma_wait3A_129 = tpu.memref_slice %arg2[%dma_wait3A_127, %dma_wait3A_128] : memref<10000x128xf32, #tpu.memory_space<hbm>> -> memref<10000x128xf32, #tpu.memory_space<hbm>>
    tpu.wait_indirect_dma semaphore(%arg11 : memref<!tpu.dma_semaphore, #tpu.memory_space<semaphore_mem>>) src(%dma_wait3A_129 : memref<10000x128xf32, #tpu.memory_space<hbm>>) dst(%dma_wait3A_123 : memref<125x128xf32, #tpu.memory_space<vmem>>)
    %dma_start3A_130 = arith.constant 38 : i32
    %dma_start3A_131 = arith.constant 0 : i32
    %dma_start3A_132 = arith.constant 0 : i32
    %dma_start3A_133 = tpu.memref_slice %arg8[%dma_start3A_131, %dma_start3A_132] : memref<128x128xf32, #tpu.memory_space<vmem>> -> memref<125x128xf32, #tpu.memory_space<vmem>>
    %dma_start3A_134 = arith.constant 0 : i32
    %dma_start3A_135 = tpu.memref_slice %arg7[%dma_start3A_130, %dma_start3A_134] : memref<40x125xi32, #tpu.memory_space<vmem>> -> memref<1x125xi32, #tpu.memory_space<vmem>>
    %dma_start3A_136 = tpu.memref_squeeze %dma_start3A_135 : memref<1x125xi32, #tpu.memory_space<vmem>> -> memref<125xi32, #tpu.memory_space<vmem>>
    %dma_start3A_137 = arith.constant 0 : i32
    %dma_start3A_138 = arith.constant 0 : i32
    %dma_start3A_139 = tpu.memref_slice %arg10[%dma_start3A_137, %dma_start3A_138] : memref<10240x128xf32, #tpu.memory_space<vmem_shared>> -> memref<10240x128xf32, #tpu.memory_space<vmem_shared>>
    tpu.enqueue_indirect_dma source(%dma_start3A_133 : memref<125x128xf32, #tpu.memory_space<vmem>>) target(%dma_start3A_139 : memref<10240x128xf32, #tpu.memory_space<vmem_shared>>) offsets(%dma_start3A_136 : memref<125xi32, #tpu.memory_space<vmem>>) semaphore(%arg13 : memref<!tpu.dma_semaphore, #tpu.memory_space<semaphore_mem>>) {add = true}
    %dma_wait3A_140 = arith.constant 38 : i32
    %dma_wait3A_141 = arith.constant 0 : i32
    %dma_wait3A_142 = arith.constant 0 : i32
    %dma_wait3A_143 = tpu.memref_slice %arg8[%dma_wait3A_141, %dma_wait3A_142] : memref<128x128xf32, #tpu.memory_space<vmem>> -> memref<125x128xf32, #tpu.memory_space<vmem>>
    %dma_wait3A_144 = arith.constant 0 : i32
    %dma_wait3A_145 = tpu.memref_slice %arg7[%dma_wait3A_140, %dma_wait3A_144] : memref<40x125xi32, #tpu.memory_space<vmem>> -> memref<1x125xi32, #tpu.memory_space<vmem>>
    %dma_wait3A_146 = tpu.memref_squeeze %dma_wait3A_145 : memref<1x125xi32, #tpu.memory_space<vmem>> -> memref<125xi32, #tpu.memory_space<vmem>>
    %dma_wait3A_147 = arith.constant 0 : i32
    %dma_wait3A_148 = arith.constant 0 : i32
    %dma_wait3A_149 = tpu.memref_slice %arg10[%dma_wait3A_147, %dma_wait3A_148] : memref<10240x128xf32, #tpu.memory_space<vmem_shared>> -> memref<10240x128xf32, #tpu.memory_space<vmem_shared>>
    tpu.wait_indirect_dma semaphore(%arg13 : memref<!tpu.dma_semaphore, #tpu.memory_space<semaphore_mem>>) src(%dma_wait3A_143 : memref<125x128xf32, #tpu.memory_space<vmem>>) dst(%dma_wait3A_149 : memref<10240x128xf32, #tpu.memory_space<vmem_shared>>)
    %dma_wait3A_150 = arith.constant 39 : i32
    %dma_wait3A_151 = arith.constant 0 : i32
    %dma_wait3A_152 = arith.constant 0 : i32
    %dma_wait3A_153 = tpu.memref_slice %arg9[%dma_wait3A_151, %dma_wait3A_152] : memref<128x128xf32, #tpu.memory_space<vmem>> -> memref<125x128xf32, #tpu.memory_space<vmem>>
    %dma_wait3A_154 = arith.constant 0 : i32
    %dma_wait3A_155 = tpu.memref_slice %arg6[%dma_wait3A_150, %dma_wait3A_154] : memref<40x125xi32, #tpu.memory_space<vmem>> -> memref<1x125xi32, #tpu.memory_space<vmem>>
    %dma_wait3A_156 = tpu.memref_squeeze %dma_wait3A_155 : memref<1x125xi32, #tpu.memory_space<vmem>> -> memref<125xi32, #tpu.memory_space<vmem>>
    %dma_wait3A_157 = arith.constant 0 : i32
    %dma_wait3A_158 = arith.constant 0 : i32
    %dma_wait3A_159 = tpu.memref_slice %arg2[%dma_wait3A_157, %dma_wait3A_158] : memref<10000x128xf32, #tpu.memory_space<hbm>> -> memref<10000x128xf32, #tpu.memory_space<hbm>>
    tpu.wait_indirect_dma semaphore(%arg12 : memref<!tpu.dma_semaphore, #tpu.memory_space<semaphore_mem>>) src(%dma_wait3A_159 : memref<10000x128xf32, #tpu.memory_space<hbm>>) dst(%dma_wait3A_153 : memref<125x128xf32, #tpu.memory_space<vmem>>)
    %dma_start3A_160 = arith.constant 39 : i32
    %dma_start3A_161 = arith.constant 0 : i32
    %dma_start3A_162 = arith.constant 0 : i32
    %dma_start3A_163 = tpu.memref_slice %arg9[%dma_start3A_161, %dma_start3A_162] : memref<128x128xf32, #tpu.memory_space<vmem>> -> memref<125x128xf32, #tpu.memory_space<vmem>>
    %dma_start3A_164 = arith.constant 0 : i32
    %dma_start3A_165 = tpu.memref_slice %arg7[%dma_start3A_160, %dma_start3A_164] : memref<40x125xi32, #tpu.memory_space<vmem>> -> memref<1x125xi32, #tpu.memory_space<vmem>>
    %dma_start3A_166 = tpu.memref_squeeze %dma_start3A_165 : memref<1x125xi32, #tpu.memory_space<vmem>> -> memref<125xi32, #tpu.memory_space<vmem>>
    %dma_start3A_167 = arith.constant 0 : i32
    %dma_start3A_168 = arith.constant 0 : i32
    %dma_start3A_169 = tpu.memref_slice %arg10[%dma_start3A_167, %dma_start3A_168] : memref<10240x128xf32, #tpu.memory_space<vmem_shared>> -> memref<10240x128xf32, #tpu.memory_space<vmem_shared>>
    tpu.enqueue_indirect_dma source(%dma_start3A_163 : memref<125x128xf32, #tpu.memory_space<vmem>>) target(%dma_start3A_169 : memref<10240x128xf32, #tpu.memory_space<vmem_shared>>) offsets(%dma_start3A_166 : memref<125xi32, #tpu.memory_space<vmem>>) semaphore(%arg14 : memref<!tpu.dma_semaphore, #tpu.memory_space<semaphore_mem>>) {add = true}
    %dma_wait3A_170 = arith.constant 39 : i32
    %dma_wait3A_171 = arith.constant 0 : i32
    %dma_wait3A_172 = arith.constant 0 : i32
    %dma_wait3A_173 = tpu.memref_slice %arg9[%dma_wait3A_171, %dma_wait3A_172] : memref<128x128xf32, #tpu.memory_space<vmem>> -> memref<125x128xf32, #tpu.memory_space<vmem>>
    %dma_wait3A_174 = arith.constant 0 : i32
    %dma_wait3A_175 = tpu.memref_slice %arg7[%dma_wait3A_170, %dma_wait3A_174] : memref<40x125xi32, #tpu.memory_space<vmem>> -> memref<1x125xi32, #tpu.memory_space<vmem>>
    %dma_wait3A_176 = tpu.memref_squeeze %dma_wait3A_175 : memref<1x125xi32, #tpu.memory_space<vmem>> -> memref<125xi32, #tpu.memory_space<vmem>>
    %dma_wait3A_177 = arith.constant 0 : i32
    %dma_wait3A_178 = arith.constant 0 : i32
    %dma_wait3A_179 = tpu.memref_slice %arg10[%dma_wait3A_177, %dma_wait3A_178] : memref<10240x128xf32, #tpu.memory_space<vmem_shared>> -> memref<10240x128xf32, #tpu.memory_space<vmem_shared>>
    tpu.wait_indirect_dma semaphore(%arg14 : memref<!tpu.dma_semaphore, #tpu.memory_space<semaphore_mem>>) src(%dma_wait3A_173 : memref<125x128xf32, #tpu.memory_space<vmem>>) dst(%dma_wait3A_179 : memref<10240x128xf32, #tpu.memory_space<vmem_shared>>)
    %mul3A_180 = arith.constant 80 : i32
    %mul3A_181 = arith.muli %add3A, %mul3A_180 : i32
    %add3A_182 = arith.constant 40 : i32
    %add3A_183 = arith.addi %mul3A_181, %add3A_182 : i32
    %run_scoped3A_184 = arith.constant 0 : i32
    "tpu.region"() ({
      %run_scoped3A_284 = tpu.sem_alloc : memref<!tpu.dma_semaphore, #tpu.memory_space<semaphore_mem>>
      %dma_start3A_285 = arith.constant 0 : i32
      %dma_start3A_286 = arith.constant 0 : i32
      %dma_start3A_287 = tpu.memref_slice %arg3[%run_scoped3A_184, %dma_start3A_285, %dma_start3A_286] : memref<2x2560x125xi32, #tpu.memory_space<hbm>> -> memref<1x2560x125xi32, #tpu.memory_space<hbm>>
      %dma_start3A_288 = tpu.memref_squeeze %dma_start3A_287 : memref<1x2560x125xi32, #tpu.memory_space<hbm>> -> memref<2560x125xi32, #tpu.memory_space<hbm>>
      %dma_start3A_289 = arith.constant 0 : i32
      %dma_start3A_290 = tpu.memref_slice %dma_start3A_288[%add3A_183, %dma_start3A_289] : memref<2560x125xi32, #tpu.memory_space<hbm>> -> memref<40x125xi32, #tpu.memory_space<hbm>>
      %dma_start3A_291 = arith.constant 0 : i32
      %dma_start3A_292 = arith.constant 0 : i32
      %dma_start3A_293 = tpu.memref_slice %arg3[%run_scoped3A_184, %dma_start3A_291, %dma_start3A_292] : memref<2x2560x125xi32, #tpu.memory_space<hbm>> -> memref<1x2560x125xi32, #tpu.memory_space<hbm>>
      %dma_start3A_294 = tpu.memref_squeeze %dma_start3A_293 : memref<1x2560x125xi32, #tpu.memory_space<hbm>> -> memref<2560x125xi32, #tpu.memory_space<hbm>>
      %dma_start3A_295 = arith.constant 0 : i32
      %dma_start3A_296 = tpu.memref_slice %dma_start3A_294[%add3A_183, %dma_start3A_295] : memref<2560x125xi32, #tpu.memory_space<hbm>> -> memref<40x125xi32, #tpu.memory_space<hbm>>
      tpu.enqueue_dma source(%dma_start3A_296 : memref<40x125xi32, #tpu.memory_space<hbm>>) target(%arg6 : memref<40x125xi32, #tpu.memory_space<vmem>>) target_semaphore(%run_scoped3A_284 : memref<!tpu.dma_semaphore, #tpu.memory_space<semaphore_mem>>)
      %dma_wait3A_297 = arith.constant 0 : i32
      %dma_wait3A_298 = arith.constant 0 : i32
      %dma_wait3A_299 = tpu.memref_slice %arg3[%run_scoped3A_184, %dma_wait3A_297, %dma_wait3A_298] : memref<2x2560x125xi32, #tpu.memory_space<hbm>> -> memref<1x2560x125xi32, #tpu.memory_space<hbm>>
      %dma_wait3A_300 = tpu.memref_squeeze %dma_wait3A_299 : memref<1x2560x125xi32, #tpu.memory_space<hbm>> -> memref<2560x125xi32, #tpu.memory_space<hbm>>
      %dma_wait3A_301 = arith.constant 0 : i32
      %dma_wait3A_302 = tpu.memref_slice %dma_wait3A_300[%add3A_183, %dma_wait3A_301] : memref<2560x125xi32, #tpu.memory_space<hbm>> -> memref<40x125xi32, #tpu.memory_space<hbm>>
      %dma_wait3A_303 = arith.constant 0 : i32
      %dma_wait3A_304 = arith.constant 0 : i32
      %dma_wait3A_305 = tpu.memref_slice %arg3[%run_scoped3A_184, %dma_wait3A_303, %dma_wait3A_304] : memref<2x2560x125xi32, #tpu.memory_space<hbm>> -> memref<1x2560x125xi32, #tpu.memory_space<hbm>>
      %dma_wait3A_306 = tpu.memref_squeeze %dma_wait3A_305 : memref<1x2560x125xi32, #tpu.memory_space<hbm>> -> memref<2560x125xi32, #tpu.memory_space<hbm>>
      %dma_wait3A_307 = arith.constant 0 : i32
      %dma_wait3A_308 = tpu.memref_slice %dma_wait3A_306[%add3A_183, %dma_wait3A_307] : memref<2560x125xi32, #tpu.memory_space<hbm>> -> memref<40x125xi32, #tpu.memory_space<hbm>>
      tpu.wait_dma2 semaphore(%run_scoped3A_284 : memref<!tpu.dma_semaphore, #tpu.memory_space<semaphore_mem>>) src(%dma_wait3A_308 : memref<40x125xi32, #tpu.memory_space<hbm>>) dst(%arg6 : memref<40x125xi32, #tpu.memory_space<vmem>>)
      tpu.yield
    }) : () -> ()
    %mul3A_185 = arith.constant 80 : i32
    %mul3A_186 = arith.muli %add3A, %mul3A_185 : i32
    %add3A_187 = arith.constant 40 : i32
    %add3A_188 = arith.addi %mul3A_186, %add3A_187 : i32
    %run_scoped3A_189 = arith.constant 1 : i32
    "tpu.region"() ({
      %run_scoped3A_284 = tpu.sem_alloc : memref<!tpu.dma_semaphore, #tpu.memory_space<semaphore_mem>>
      %dma_start3A_285 = arith.constant 0 : i32
      %dma_start3A_286 = arith.constant 0 : i32
      %dma_start3A_287 = tpu.memref_slice %arg3[%run_scoped3A_189, %dma_start3A_285, %dma_start3A_286] : memref<2x2560x125xi32, #tpu.memory_space<hbm>> -> memref<1x2560x125xi32, #tpu.memory_space<hbm>>
      %dma_start3A_288 = tpu.memref_squeeze %dma_start3A_287 : memref<1x2560x125xi32, #tpu.memory_space<hbm>> -> memref<2560x125xi32, #tpu.memory_space<hbm>>
      %dma_start3A_289 = arith.constant 0 : i32
      %dma_start3A_290 = tpu.memref_slice %dma_start3A_288[%add3A_188, %dma_start3A_289] : memref<2560x125xi32, #tpu.memory_space<hbm>> -> memref<40x125xi32, #tpu.memory_space<hbm>>
      %dma_start3A_291 = arith.constant 0 : i32
      %dma_start3A_292 = arith.constant 0 : i32
      %dma_start3A_293 = tpu.memref_slice %arg3[%run_scoped3A_189, %dma_start3A_291, %dma_start3A_292] : memref<2x2560x125xi32, #tpu.memory_space<hbm>> -> memref<1x2560x125xi32, #tpu.memory_space<hbm>>
      %dma_start3A_294 = tpu.memref_squeeze %dma_start3A_293 : memref<1x2560x125xi32, #tpu.memory_space<hbm>> -> memref<2560x125xi32, #tpu.memory_space<hbm>>
      %dma_start3A_295 = arith.constant 0 : i32
      %dma_start3A_296 = tpu.memref_slice %dma_start3A_294[%add3A_188, %dma_start3A_295] : memref<2560x125xi32, #tpu.memory_space<hbm>> -> memref<40x125xi32, #tpu.memory_space<hbm>>
      tpu.enqueue_dma source(%dma_start3A_296 : memref<40x125xi32, #tpu.memory_space<hbm>>) target(%arg7 : memref<40x125xi32, #tpu.memory_space<vmem>>) target_semaphore(%run_scoped3A_284 : memref<!tpu.dma_semaphore, #tpu.memory_space<semaphore_mem>>)
      %dma_wait3A_297 = arith.constant 0 : i32
      %dma_wait3A_298 = arith.constant 0 : i32
      %dma_wait3A_299 = tpu.memref_slice %arg3[%run_scoped3A_189, %dma_wait3A_297, %dma_wait3A_298] : memref<2x2560x125xi32, #tpu.memory_space<hbm>> -> memref<1x2560x125xi32, #tpu.memory_space<hbm>>
      %dma_wait3A_300 = tpu.memref_squeeze %dma_wait3A_299 : memref<1x2560x125xi32, #tpu.memory_space<hbm>> -> memref<2560x125xi32, #tpu.memory_space<hbm>>
      %dma_wait3A_301 = arith.constant 0 : i32
      %dma_wait3A_302 = tpu.memref_slice %dma_wait3A_300[%add3A_188, %dma_wait3A_301] : memref<2560x125xi32, #tpu.memory_space<hbm>> -> memref<40x125xi32, #tpu.memory_space<hbm>>
      %dma_wait3A_303 = arith.constant 0 : i32
      %dma_wait3A_304 = arith.constant 0 : i32
      %dma_wait3A_305 = tpu.memref_slice %arg3[%run_scoped3A_189, %dma_wait3A_303, %dma_wait3A_304] : memref<2x2560x125xi32, #tpu.memory_space<hbm>> -> memref<1x2560x125xi32, #tpu.memory_space<hbm>>
      %dma_wait3A_306 = tpu.memref_squeeze %dma_wait3A_305 : memref<1x2560x125xi32, #tpu.memory_space<hbm>> -> memref<2560x125xi32, #tpu.memory_space<hbm>>
      %dma_wait3A_307 = arith.constant 0 : i32
      %dma_wait3A_308 = tpu.memref_slice %dma_wait3A_306[%add3A_188, %dma_wait3A_307] : memref<2560x125xi32, #tpu.memory_space<hbm>> -> memref<40x125xi32, #tpu.memory_space<hbm>>
      tpu.wait_dma2 semaphore(%run_scoped3A_284 : memref<!tpu.dma_semaphore, #tpu.memory_space<semaphore_mem>>) src(%dma_wait3A_308 : memref<40x125xi32, #tpu.memory_space<hbm>>) dst(%arg7 : memref<40x125xi32, #tpu.memory_space<vmem>>)
      tpu.yield
    }) : () -> ()
    %dma_start3A_190 = arith.constant 0 : i32
    %dma_start3A_191 = arith.constant 0 : i32
    %dma_start3A_192 = arith.constant 0 : i32
    %dma_start3A_193 = tpu.memref_slice %arg8[%dma_start3A_191, %dma_start3A_192] : memref<128x128xf32, #tpu.memory_space<vmem>> -> memref<125x128xf32, #tpu.memory_space<vmem>>
    %dma_start3A_194 = arith.constant 0 : i32
    %dma_start3A_195 = tpu.memref_slice %arg6[%dma_start3A_190, %dma_start3A_194] : memref<40x125xi32, #tpu.memory_space<vmem>> -> memref<1x125xi32, #tpu.memory_space<vmem>>
    %dma_start3A_196 = tpu.memref_squeeze %dma_start3A_195 : memref<1x125xi32, #tpu.memory_space<vmem>> -> memref<125xi32, #tpu.memory_space<vmem>>
    %dma_start3A_197 = arith.constant 0 : i32
    %dma_start3A_198 = arith.constant 0 : i32
    %dma_start3A_199 = tpu.memref_slice %arg2[%dma_start3A_197, %dma_start3A_198] : memref<10000x128xf32, #tpu.memory_space<hbm>> -> memref<10000x128xf32, #tpu.memory_space<hbm>>
    tpu.enqueue_indirect_dma source(%dma_start3A_199 : memref<10000x128xf32, #tpu.memory_space<hbm>>) target(%dma_start3A_193 : memref<125x128xf32, #tpu.memory_space<vmem>>) offsets(%dma_start3A_196 : memref<125xi32, #tpu.memory_space<vmem>>) semaphore(%arg11 : memref<!tpu.dma_semaphore, #tpu.memory_space<semaphore_mem>>)
    %dma_start3A_200 = arith.constant 1 : i32
    %dma_start3A_201 = arith.constant 0 : i32
    %dma_start3A_202 = arith.constant 0 : i32
    %dma_start3A_203 = tpu.memref_slice %arg9[%dma_start3A_201, %dma_start3A_202] : memref<128x128xf32, #tpu.memory_space<vmem>> -> memref<125x128xf32, #tpu.memory_space<vmem>>
    %dma_start3A_204 = arith.constant 0 : i32
    %dma_start3A_205 = tpu.memref_slice %arg6[%dma_start3A_200, %dma_start3A_204] : memref<40x125xi32, #tpu.memory_space<vmem>> -> memref<1x125xi32, #tpu.memory_space<vmem>>
    %dma_start3A_206 = tpu.memref_squeeze %dma_start3A_205 : memref<1x125xi32, #tpu.memory_space<vmem>> -> memref<125xi32, #tpu.memory_space<vmem>>
    %dma_start3A_207 = arith.constant 0 : i32
    %dma_start3A_208 = arith.constant 0 : i32
    %dma_start3A_209 = tpu.memref_slice %arg2[%dma_start3A_207, %dma_start3A_208] : memref<10000x128xf32, #tpu.memory_space<hbm>> -> memref<10000x128xf32, #tpu.memory_space<hbm>>
    tpu.enqueue_indirect_dma source(%dma_start3A_209 : memref<10000x128xf32, #tpu.memory_space<hbm>>) target(%dma_start3A_203 : memref<125x128xf32, #tpu.memory_space<vmem>>) offsets(%dma_start3A_206 : memref<125xi32, #tpu.memory_space<vmem>>) semaphore(%arg12 : memref<!tpu.dma_semaphore, #tpu.memory_space<semaphore_mem>>)
    %scan3A_210 = arith.constant 0 : i32
    %scan3A_211 = arith.constant 0 : i32
    %scan3A_212 = arith.constant 19 : i32
    %scan3A_213 = arith.addi %scan3A_211, %scan3A_212 : i32
    %scan3A_214 = arith.constant 1 : i32
    scf.for %scan3A_284 = %scan3A_211 to %scan3A_213 step %scan3A_214  : i32 {
      %mul3A_285 = arith.constant 2 : i32
      %mul3A_286 = arith.muli %mul3A_285, %scan3A_284 : i32
      %add3A_287 = arith.constant 0 : i32
      %add3A_288 = arith.addi %mul3A_286, %add3A_287 : i32
      %dma_wait3A_289 = arith.constant 0 : i32
      %dma_wait3A_290 = arith.constant 0 : i32
      %dma_wait3A_291 = tpu.memref_slice %arg8[%dma_wait3A_289, %dma_wait3A_290] : memref<128x128xf32, #tpu.memory_space<vmem>> -> memref<125x128xf32, #tpu.memory_space<vmem>>
      %dma_wait3A_292 = arith.constant 0 : i32
      %dma_wait3A_293 = tpu.memref_slice %arg6[%add3A_288, %dma_wait3A_292] : memref<40x125xi32, #tpu.memory_space<vmem>> -> memref<1x125xi32, #tpu.memory_space<vmem>>
      %dma_wait3A_294 = tpu.memref_squeeze %dma_wait3A_293 : memref<1x125xi32, #tpu.memory_space<vmem>> -> memref<125xi32, #tpu.memory_space<vmem>>
      %dma_wait3A_295 = arith.constant 0 : i32
      %dma_wait3A_296 = arith.constant 0 : i32
      %dma_wait3A_297 = tpu.memref_slice %arg2[%dma_wait3A_295, %dma_wait3A_296] : memref<10000x128xf32, #tpu.memory_space<hbm>> -> memref<10000x128xf32, #tpu.memory_space<hbm>>
      tpu.wait_indirect_dma semaphore(%arg11 : memref<!tpu.dma_semaphore, #tpu.memory_space<semaphore_mem>>) src(%dma_wait3A_297 : memref<10000x128xf32, #tpu.memory_space<hbm>>) dst(%dma_wait3A_291 : memref<125x128xf32, #tpu.memory_space<vmem>>)
      %dma_start3A_298 = arith.constant 0 : i32
      %dma_start3A_299 = arith.constant 0 : i32
      %dma_start3A_300 = tpu.memref_slice %arg8[%dma_start3A_298, %dma_start3A_299] : memref<128x128xf32, #tpu.memory_space<vmem>> -> memref<125x128xf32, #tpu.memory_space<vmem>>
      %dma_start3A_301 = arith.constant 0 : i32
      %dma_start3A_302 = tpu.memref_slice %arg7[%add3A_288, %dma_start3A_301] : memref<40x125xi32, #tpu.memory_space<vmem>> -> memref<1x125xi32, #tpu.memory_space<vmem>>
      %dma_start3A_303 = tpu.memref_squeeze %dma_start3A_302 : memref<1x125xi32, #tpu.memory_space<vmem>> -> memref<125xi32, #tpu.memory_space<vmem>>
      %dma_start3A_304 = arith.constant 0 : i32
      %dma_start3A_305 = arith.constant 0 : i32
      %dma_start3A_306 = tpu.memref_slice %arg10[%dma_start3A_304, %dma_start3A_305] : memref<10240x128xf32, #tpu.memory_space<vmem_shared>> -> memref<10240x128xf32, #tpu.memory_space<vmem_shared>>
      tpu.enqueue_indirect_dma source(%dma_start3A_300 : memref<125x128xf32, #tpu.memory_space<vmem>>) target(%dma_start3A_306 : memref<10240x128xf32, #tpu.memory_space<vmem_shared>>) offsets(%dma_start3A_303 : memref<125xi32, #tpu.memory_space<vmem>>) semaphore(%arg13 : memref<!tpu.dma_semaphore, #tpu.memory_space<semaphore_mem>>) {add = true}
      %dma_wait3A_307 = arith.constant 0 : i32
      %dma_wait3A_308 = arith.constant 0 : i32
      %dma_wait3A_309 = tpu.memref_slice %arg8[%dma_wait3A_307, %dma_wait3A_308] : memref<128x128xf32, #tpu.memory_space<vmem>> -> memref<125x128xf32, #tpu.memory_space<vmem>>
      %dma_wait3A_310 = arith.constant 0 : i32
      %dma_wait3A_311 = tpu.memref_slice %arg7[%add3A_288, %dma_wait3A_310] : memref<40x125xi32, #tpu.memory_space<vmem>> -> memref<1x125xi32, #tpu.memory_space<vmem>>
      %dma_wait3A_312 = tpu.memref_squeeze %dma_wait3A_311 : memref<1x125xi32, #tpu.memory_space<vmem>> -> memref<125xi32, #tpu.memory_space<vmem>>
      %dma_wait3A_313 = arith.constant 0 : i32
      %dma_wait3A_314 = arith.constant 0 : i32
      %dma_wait3A_315 = tpu.memref_slice %arg10[%dma_wait3A_313, %dma_wait3A_314] : memref<10240x128xf32, #tpu.memory_space<vmem_shared>> -> memref<10240x128xf32, #tpu.memory_space<vmem_shared>>
      tpu.wait_indirect_dma semaphore(%arg13 : memref<!tpu.dma_semaphore, #tpu.memory_space<semaphore_mem>>) src(%dma_wait3A_309 : memref<125x128xf32, #tpu.memory_space<vmem>>) dst(%dma_wait3A_315 : memref<10240x128xf32, #tpu.memory_space<vmem_shared>>)
      %add3A_316 = arith.constant 2 : i32
      %add3A_317 = arith.addi %add3A_288, %add3A_316 : i32
      %dma_start3A_318 = arith.constant 0 : i32
      %dma_start3A_319 = arith.constant 0 : i32
      %dma_start3A_320 = tpu.memref_slice %arg8[%dma_start3A_318, %dma_start3A_319] : memref<128x128xf32, #tpu.memory_space<vmem>> -> memref<125x128xf32, #tpu.memory_space<vmem>>
      %dma_start3A_321 = arith.constant 0 : i32
      %dma_start3A_322 = tpu.memref_slice %arg6[%add3A_317, %dma_start3A_321] : memref<40x125xi32, #tpu.memory_space<vmem>> -> memref<1x125xi32, #tpu.memory_space<vmem>>
      %dma_start3A_323 = tpu.memref_squeeze %dma_start3A_322 : memref<1x125xi32, #tpu.memory_space<vmem>> -> memref<125xi32, #tpu.memory_space<vmem>>
      %dma_start3A_324 = arith.constant 0 : i32
      %dma_start3A_325 = arith.constant 0 : i32
      %dma_start3A_326 = tpu.memref_slice %arg2[%dma_start3A_324, %dma_start3A_325] : memref<10000x128xf32, #tpu.memory_space<hbm>> -> memref<10000x128xf32, #tpu.memory_space<hbm>>
      tpu.enqueue_indirect_dma source(%dma_start3A_326 : memref<10000x128xf32, #tpu.memory_space<hbm>>) target(%dma_start3A_320 : memref<125x128xf32, #tpu.memory_space<vmem>>) offsets(%dma_start3A_323 : memref<125xi32, #tpu.memory_space<vmem>>) semaphore(%arg11 : memref<!tpu.dma_semaphore, #tpu.memory_space<semaphore_mem>>)
      %mul3A_327 = arith.constant 2 : i32
      %mul3A_328 = arith.muli %mul3A_327, %scan3A_284 : i32
      %add3A_329 = arith.constant 1 : i32
      %add3A_330 = arith.addi %mul3A_328, %add3A_329 : i32
      %dma_wait3A_331 = arith.constant 0 : i32
      %dma_wait3A_332 = arith.constant 0 : i32
      %dma_wait3A_333 = tpu.memref_slice %arg9[%dma_wait3A_331, %dma_wait3A_332] : memref<128x128xf32, #tpu.memory_space<vmem>> -> memref<125x128xf32, #tpu.memory_space<vmem>>
      %dma_wait3A_334 = arith.constant 0 : i32
      %dma_wait3A_335 = tpu.memref_slice %arg6[%add3A_330, %dma_wait3A_334] : memref<40x125xi32, #tpu.memory_space<vmem>> -> memref<1x125xi32, #tpu.memory_space<vmem>>
      %dma_wait3A_336 = tpu.memref_squeeze %dma_wait3A_335 : memref<1x125xi32, #tpu.memory_space<vmem>> -> memref<125xi32, #tpu.memory_space<vmem>>
      %dma_wait3A_337 = arith.constant 0 : i32
      %dma_wait3A_338 = arith.constant 0 : i32
      %dma_wait3A_339 = tpu.memref_slice %arg2[%dma_wait3A_337, %dma_wait3A_338] : memref<10000x128xf32, #tpu.memory_space<hbm>> -> memref<10000x128xf32, #tpu.memory_space<hbm>>
      tpu.wait_indirect_dma semaphore(%arg12 : memref<!tpu.dma_semaphore, #tpu.memory_space<semaphore_mem>>) src(%dma_wait3A_339 : memref<10000x128xf32, #tpu.memory_space<hbm>>) dst(%dma_wait3A_333 : memref<125x128xf32, #tpu.memory_space<vmem>>)
      %dma_start3A_340 = arith.constant 0 : i32
      %dma_start3A_341 = arith.constant 0 : i32
      %dma_start3A_342 = tpu.memref_slice %arg9[%dma_start3A_340, %dma_start3A_341] : memref<128x128xf32, #tpu.memory_space<vmem>> -> memref<125x128xf32, #tpu.memory_space<vmem>>
      %dma_start3A_343 = arith.constant 0 : i32
      %dma_start3A_344 = tpu.memref_slice %arg7[%add3A_330, %dma_start3A_343] : memref<40x125xi32, #tpu.memory_space<vmem>> -> memref<1x125xi32, #tpu.memory_space<vmem>>
      %dma_start3A_345 = tpu.memref_squeeze %dma_start3A_344 : memref<1x125xi32, #tpu.memory_space<vmem>> -> memref<125xi32, #tpu.memory_space<vmem>>
      %dma_start3A_346 = arith.constant 0 : i32
      %dma_start3A_347 = arith.constant 0 : i32
      %dma_start3A_348 = tpu.memref_slice %arg10[%dma_start3A_346, %dma_start3A_347] : memref<10240x128xf32, #tpu.memory_space<vmem_shared>> -> memref<10240x128xf32, #tpu.memory_space<vmem_shared>>
      tpu.enqueue_indirect_dma source(%dma_start3A_342 : memref<125x128xf32, #tpu.memory_space<vmem>>) target(%dma_start3A_348 : memref<10240x128xf32, #tpu.memory_space<vmem_shared>>) offsets(%dma_start3A_345 : memref<125xi32, #tpu.memory_space<vmem>>) semaphore(%arg14 : memref<!tpu.dma_semaphore, #tpu.memory_space<semaphore_mem>>) {add = true}
      %dma_wait3A_349 = arith.constant 0 : i32
      %dma_wait3A_350 = arith.constant 0 : i32
      %dma_wait3A_351 = tpu.memref_slice %arg9[%dma_wait3A_349, %dma_wait3A_350] : memref<128x128xf32, #tpu.memory_space<vmem>> -> memref<125x128xf32, #tpu.memory_space<vmem>>
      %dma_wait3A_352 = arith.constant 0 : i32
      %dma_wait3A_353 = tpu.memref_slice %arg7[%add3A_330, %dma_wait3A_352] : memref<40x125xi32, #tpu.memory_space<vmem>> -> memref<1x125xi32, #tpu.memory_space<vmem>>
      %dma_wait3A_354 = tpu.memref_squeeze %dma_wait3A_353 : memref<1x125xi32, #tpu.memory_space<vmem>> -> memref<125xi32, #tpu.memory_space<vmem>>
      %dma_wait3A_355 = arith.constant 0 : i32
      %dma_wait3A_356 = arith.constant 0 : i32
      %dma_wait3A_357 = tpu.memref_slice %arg10[%dma_wait3A_355, %dma_wait3A_356] : memref<10240x128xf32, #tpu.memory_space<vmem_shared>> -> memref<10240x128xf32, #tpu.memory_space<vmem_shared>>
      tpu.wait_indirect_dma semaphore(%arg14 : memref<!tpu.dma_semaphore, #tpu.memory_space<semaphore_mem>>) src(%dma_wait3A_351 : memref<125x128xf32, #tpu.memory_space<vmem>>) dst(%dma_wait3A_357 : memref<10240x128xf32, #tpu.memory_space<vmem_shared>>)
      %add3A_358 = arith.constant 2 : i32
      %add3A_359 = arith.addi %add3A_330, %add3A_358 : i32
      %dma_start3A_360 = arith.constant 0 : i32
      %dma_start3A_361 = arith.constant 0 : i32
      %dma_start3A_362 = tpu.memref_slice %arg9[%dma_start3A_360, %dma_start3A_361] : memref<128x128xf32, #tpu.memory_space<vmem>> -> memref<125x128xf32, #tpu.memory_space<vmem>>
      %dma_start3A_363 = arith.constant 0 : i32
      %dma_start3A_364 = tpu.memref_slice %arg6[%add3A_359, %dma_start3A_363] : memref<40x125xi32, #tpu.memory_space<vmem>> -> memref<1x125xi32, #tpu.memory_space<vmem>>
      %dma_start3A_365 = tpu.memref_squeeze %dma_start3A_364 : memref<1x125xi32, #tpu.memory_space<vmem>> -> memref<125xi32, #tpu.memory_space<vmem>>
      %dma_start3A_366 = arith.constant 0 : i32
      %dma_start3A_367 = arith.constant 0 : i32
      %dma_start3A_368 = tpu.memref_slice %arg2[%dma_start3A_366, %dma_start3A_367] : memref<10000x128xf32, #tpu.memory_space<hbm>> -> memref<10000x128xf32, #tpu.memory_space<hbm>>
      tpu.enqueue_indirect_dma source(%dma_start3A_368 : memref<10000x128xf32, #tpu.memory_space<hbm>>) target(%dma_start3A_362 : memref<125x128xf32, #tpu.memory_space<vmem>>) offsets(%dma_start3A_365 : memref<125xi32, #tpu.memory_space<vmem>>) semaphore(%arg12 : memref<!tpu.dma_semaphore, #tpu.memory_space<semaphore_mem>>)
    }
    %scan3A_215 = arith.constant 19 : i32
    %dma_wait3A_216 = arith.constant 38 : i32
    %dma_wait3A_217 = arith.constant 0 : i32
    %dma_wait3A_218 = arith.constant 0 : i32
    %dma_wait3A_219 = tpu.memref_slice %arg8[%dma_wait3A_217, %dma_wait3A_218] : memref<128x128xf32, #tpu.memory_space<vmem>> -> memref<125x128xf32, #tpu.memory_space<vmem>>
    %dma_wait3A_220 = arith.constant 0 : i32
    %dma_wait3A_221 = tpu.memref_slice %arg6[%dma_wait3A_216, %dma_wait3A_220] : memref<40x125xi32, #tpu.memory_space<vmem>> -> memref<1x125xi32, #tpu.memory_space<vmem>>
    %dma_wait3A_222 = tpu.memref_squeeze %dma_wait3A_221 : memref<1x125xi32, #tpu.memory_space<vmem>> -> memref<125xi32, #tpu.memory_space<vmem>>
    %dma_wait3A_223 = arith.constant 0 : i32
    %dma_wait3A_224 = arith.constant 0 : i32
    %dma_wait3A_225 = tpu.memref_slice %arg2[%dma_wait3A_223, %dma_wait3A_224] : memref<10000x128xf32, #tpu.memory_space<hbm>> -> memref<10000x128xf32, #tpu.memory_space<hbm>>
    tpu.wait_indirect_dma semaphore(%arg11 : memref<!tpu.dma_semaphore, #tpu.memory_space<semaphore_mem>>) src(%dma_wait3A_225 : memref<10000x128xf32, #tpu.memory_space<hbm>>) dst(%dma_wait3A_219 : memref<125x128xf32, #tpu.memory_space<vmem>>)
    %dma_start3A_226 = arith.constant 38 : i32
    %dma_start3A_227 = arith.constant 0 : i32
    %dma_start3A_228 = arith.constant 0 : i32
    %dma_start3A_229 = tpu.memref_slice %arg8[%dma_start3A_227, %dma_start3A_228] : memref<128x128xf32, #tpu.memory_space<vmem>> -> memref<125x128xf32, #tpu.memory_space<vmem>>
    %dma_start3A_230 = arith.constant 0 : i32
    %dma_start3A_231 = tpu.memref_slice %arg7[%dma_start3A_226, %dma_start3A_230] : memref<40x125xi32, #tpu.memory_space<vmem>> -> memref<1x125xi32, #tpu.memory_space<vmem>>
    %dma_start3A_232 = tpu.memref_squeeze %dma_start3A_231 : memref<1x125xi32, #tpu.memory_space<vmem>> -> memref<125xi32, #tpu.memory_space<vmem>>
    %dma_start3A_233 = arith.constant 0 : i32
    %dma_start3A_234 = arith.constant 0 : i32
    %dma_start3A_235 = tpu.memref_slice %arg10[%dma_start3A_233, %dma_start3A_234] : memref<10240x128xf32, #tpu.memory_space<vmem_shared>> -> memref<10240x128xf32, #tpu.memory_space<vmem_shared>>
    tpu.enqueue_indirect_dma source(%dma_start3A_229 : memref<125x128xf32, #tpu.memory_space<vmem>>) target(%dma_start3A_235 : memref<10240x128xf32, #tpu.memory_space<vmem_shared>>) offsets(%dma_start3A_232 : memref<125xi32, #tpu.memory_space<vmem>>) semaphore(%arg13 : memref<!tpu.dma_semaphore, #tpu.memory_space<semaphore_mem>>) {add = true}
    %dma_wait3A_236 = arith.constant 38 : i32
    %dma_wait3A_237 = arith.constant 0 : i32
    %dma_wait3A_238 = arith.constant 0 : i32
    %dma_wait3A_239 = tpu.memref_slice %arg8[%dma_wait3A_237, %dma_wait3A_238] : memref<128x128xf32, #tpu.memory_space<vmem>> -> memref<125x128xf32, #tpu.memory_space<vmem>>
    %dma_wait3A_240 = arith.constant 0 : i32
    %dma_wait3A_241 = tpu.memref_slice %arg7[%dma_wait3A_236, %dma_wait3A_240] : memref<40x125xi32, #tpu.memory_space<vmem>> -> memref<1x125xi32, #tpu.memory_space<vmem>>
    %dma_wait3A_242 = tpu.memref_squeeze %dma_wait3A_241 : memref<1x125xi32, #tpu.memory_space<vmem>> -> memref<125xi32, #tpu.memory_space<vmem>>
    %dma_wait3A_243 = arith.constant 0 : i32
    %dma_wait3A_244 = arith.constant 0 : i32
    %dma_wait3A_245 = tpu.memref_slice %arg10[%dma_wait3A_243, %dma_wait3A_244] : memref<10240x128xf32, #tpu.memory_space<vmem_shared>> -> memref<10240x128xf32, #tpu.memory_space<vmem_shared>>
    tpu.wait_indirect_dma semaphore(%arg13 : memref<!tpu.dma_semaphore, #tpu.memory_space<semaphore_mem>>) src(%dma_wait3A_239 : memref<125x128xf32, #tpu.memory_space<vmem>>) dst(%dma_wait3A_245 : memref<10240x128xf32, #tpu.memory_space<vmem_shared>>)
    %dma_wait3A_246 = arith.constant 39 : i32
    %dma_wait3A_247 = arith.constant 0 : i32
    %dma_wait3A_248 = arith.constant 0 : i32
    %dma_wait3A_249 = tpu.memref_slice %arg9[%dma_wait3A_247, %dma_wait3A_248] : memref<128x128xf32, #tpu.memory_space<vmem>> -> memref<125x128xf32, #tpu.memory_space<vmem>>
    %dma_wait3A_250 = arith.constant 0 : i32
    %dma_wait3A_251 = tpu.memref_slice %arg6[%dma_wait3A_246, %dma_wait3A_250] : memref<40x125xi32, #tpu.memory_space<vmem>> -> memref<1x125xi32, #tpu.memory_space<vmem>>
    %dma_wait3A_252 = tpu.memref_squeeze %dma_wait3A_251 : memref<1x125xi32, #tpu.memory_space<vmem>> -> memref<125xi32, #tpu.memory_space<vmem>>
    %dma_wait3A_253 = arith.constant 0 : i32
    %dma_wait3A_254 = arith.constant 0 : i32
    %dma_wait3A_255 = tpu.memref_slice %arg2[%dma_wait3A_253, %dma_wait3A_254] : memref<10000x128xf32, #tpu.memory_space<hbm>> -> memref<10000x128xf32, #tpu.memory_space<hbm>>
    tpu.wait_indirect_dma semaphore(%arg12 : memref<!tpu.dma_semaphore, #tpu.memory_space<semaphore_mem>>) src(%dma_wait3A_255 : memref<10000x128xf32, #tpu.memory_space<hbm>>) dst(%dma_wait3A_249 : memref<125x128xf32, #tpu.memory_space<vmem>>)
    %dma_start3A_256 = arith.constant 39 : i32
    %dma_start3A_257 = arith.constant 0 : i32
    %dma_start3A_258 = arith.constant 0 : i32
    %dma_start3A_259 = tpu.memref_slice %arg9[%dma_start3A_257, %dma_start3A_258] : memref<128x128xf32, #tpu.memory_space<vmem>> -> memref<125x128xf32, #tpu.memory_space<vmem>>
    %dma_start3A_260 = arith.constant 0 : i32
    %dma_start3A_261 = tpu.memref_slice %arg7[%dma_start3A_256, %dma_start3A_260] : memref<40x125xi32, #tpu.memory_space<vmem>> -> memref<1x125xi32, #tpu.memory_space<vmem>>
    %dma_start3A_262 = tpu.memref_squeeze %dma_start3A_261 : memref<1x125xi32, #tpu.memory_space<vmem>> -> memref<125xi32, #tpu.memory_space<vmem>>
    %dma_start3A_263 = arith.constant 0 : i32
    %dma_start3A_264 = arith.constant 0 : i32
    %dma_start3A_265 = tpu.memref_slice %arg10[%dma_start3A_263, %dma_start3A_264] : memref<10240x128xf32, #tpu.memory_space<vmem_shared>> -> memref<10240x128xf32, #tpu.memory_space<vmem_shared>>
    tpu.enqueue_indirect_dma source(%dma_start3A_259 : memref<125x128xf32, #tpu.memory_space<vmem>>) target(%dma_start3A_265 : memref<10240x128xf32, #tpu.memory_space<vmem_shared>>) offsets(%dma_start3A_262 : memref<125xi32, #tpu.memory_space<vmem>>) semaphore(%arg14 : memref<!tpu.dma_semaphore, #tpu.memory_space<semaphore_mem>>) {add = true}
    %dma_wait3A_266 = arith.constant 39 : i32
    %dma_wait3A_267 = arith.constant 0 : i32
    %dma_wait3A_268 = arith.constant 0 : i32
    %dma_wait3A_269 = tpu.memref_slice %arg9[%dma_wait3A_267, %dma_wait3A_268] : memref<128x128xf32, #tpu.memory_space<vmem>> -> memref<125x128xf32, #tpu.memory_space<vmem>>
    %dma_wait3A_270 = arith.constant 0 : i32
    %dma_wait3A_271 = tpu.memref_slice %arg7[%dma_wait3A_266, %dma_wait3A_270] : memref<40x125xi32, #tpu.memory_space<vmem>> -> memref<1x125xi32, #tpu.memory_space<vmem>>
    %dma_wait3A_272 = tpu.memref_squeeze %dma_wait3A_271 : memref<1x125xi32, #tpu.memory_space<vmem>> -> memref<125xi32, #tpu.memory_space<vmem>>
    %dma_wait3A_273 = arith.constant 0 : i32
    %dma_wait3A_274 = arith.constant 0 : i32
    %dma_wait3A_275 = tpu.memref_slice %arg10[%dma_wait3A_273, %dma_wait3A_274] : memref<10240x128xf32, #tpu.memory_space<vmem_shared>> -> memref<10240x128xf32, #tpu.memory_space<vmem_shared>>
    tpu.wait_indirect_dma semaphore(%arg14 : memref<!tpu.dma_semaphore, #tpu.memory_space<semaphore_mem>>) src(%dma_wait3A_269 : memref<125x128xf32, #tpu.memory_space<vmem>>) dst(%dma_wait3A_275 : memref<10240x128xf32, #tpu.memory_space<vmem_shared>>)
    %barrier3A_276 = arith.constant 0 : index
    tpu.barrier barrier_id(%barrier3A_276)
    %eq3A = arith.constant 0 : i32
    %eq3A_277 = arith.cmpi eq, %arg0, %eq3A : i32
    %convert_element_type3A = arith.extui %eq3A_277 : i1 to i32
    %cond3A = arith.constant 0 : i32
    %cond3A_278 = arith.cmpi ne, %convert_element_type3A, %cond3A : i32
    scf.if %cond3A_278 {
      %mul3A_284 = arith.constant 640 : i32
      %mul3A_285 = arith.muli %arg1, %mul3A_284 : i32
      %mul3A_286 = arith.constant 640 : i32
      %mul3A_287 = arith.muli %arg1, %mul3A_286 : i32
      "tpu.region"() ({
        %run_scoped3A_288 = tpu.sem_alloc : memref<!tpu.dma_semaphore, #tpu.memory_space<semaphore_mem>>
        %dma_start3A_289 = arith.constant 0 : i32
        %dma_start3A_290 = tpu.memref_slice %arg4[%mul3A_287, %dma_start3A_289] : memref<10240x128xf32, #tpu.memory_space<hbm>> -> memref<640x128xf32, #tpu.memory_space<hbm>>
        %dma_start3A_291 = arith.constant 0 : i32
        %dma_start3A_292 = tpu.memref_slice %arg10[%mul3A_285, %dma_start3A_291] : memref<10240x128xf32, #tpu.memory_space<vmem_shared>> -> memref<640x128xf32, #tpu.memory_space<vmem_shared>>
        tpu.enqueue_dma source(%dma_start3A_292 : memref<640x128xf32, #tpu.memory_space<vmem_shared>>) target(%dma_start3A_290 : memref<640x128xf32, #tpu.memory_space<hbm>>) target_semaphore(%run_scoped3A_288 : memref<!tpu.dma_semaphore, #tpu.memory_space<semaphore_mem>>)
        %dma_wait3A_293 = arith.constant 0 : i32
        %dma_wait3A_294 = tpu.memref_slice %arg4[%mul3A_287, %dma_wait3A_293] : memref<10240x128xf32, #tpu.memory_space<hbm>> -> memref<640x128xf32, #tpu.memory_space<hbm>>
        %dma_wait3A_295 = arith.constant 0 : i32
        %dma_wait3A_296 = tpu.memref_slice %arg10[%mul3A_285, %dma_wait3A_295] : memref<10240x128xf32, #tpu.memory_space<vmem_shared>> -> memref<640x128xf32, #tpu.memory_space<vmem_shared>>
        tpu.wait_dma2 semaphore(%run_scoped3A_288 : memref<!tpu.dma_semaphore, #tpu.memory_space<semaphore_mem>>) src(%dma_wait3A_296 : memref<640x128xf32, #tpu.memory_space<vmem_shared>>) dst(%dma_wait3A_294 : memref<640x128xf32, #tpu.memory_space<hbm>>)
        tpu.yield
      }) : () -> ()
    } else {
    }
    %eq3A_279 = arith.constant 1 : i32
    %eq3A_280 = arith.cmpi eq, %arg0, %eq3A_279 : i32
    %convert_element_type3A_281 = arith.extui %eq3A_280 : i1 to i32
    %cond3A_282 = arith.constant 0 : i32
    %cond3A_283 = arith.cmpi ne, %convert_element_type3A_281, %cond3A_282 : i32
    scf.if %cond3A_283 {
      %mul3A_284 = arith.constant 640 : i32
      %mul3A_285 = arith.muli %arg1, %mul3A_284 : i32
      %mul3A_286 = arith.constant 640 : i32
      %mul3A_287 = arith.muli %arg1, %mul3A_286 : i32
      "tpu.region"() ({
        %run_scoped3A_288 = tpu.sem_alloc : memref<!tpu.dma_semaphore, #tpu.memory_space<semaphore_mem>>
        %dma_start3A_289 = arith.constant 0 : i32
        %dma_start3A_290 = tpu.memref_slice %arg5[%mul3A_287, %dma_start3A_289] : memref<10240x128xf32, #tpu.memory_space<hbm>> -> memref<640x128xf32, #tpu.memory_space<hbm>>
        %dma_start3A_291 = arith.constant 0 : i32
        %dma_start3A_292 = tpu.memref_slice %arg10[%mul3A_285, %dma_start3A_291] : memref<10240x128xf32, #tpu.memory_space<vmem_shared>> -> memref<640x128xf32, #tpu.memory_space<vmem_shared>>
        tpu.enqueue_dma source(%dma_start3A_292 : memref<640x128xf32, #tpu.memory_space<vmem_shared>>) target(%dma_start3A_290 : memref<640x128xf32, #tpu.memory_space<hbm>>) target_semaphore(%run_scoped3A_288 : memref<!tpu.dma_semaphore, #tpu.memory_space<semaphore_mem>>)
        %dma_wait3A_293 = arith.constant 0 : i32
        %dma_wait3A_294 = tpu.memref_slice %arg5[%mul3A_287, %dma_wait3A_293] : memref<10240x128xf32, #tpu.memory_space<hbm>> -> memref<640x128xf32, #tpu.memory_space<hbm>>
        %dma_wait3A_295 = arith.constant 0 : i32
        %dma_wait3A_296 = tpu.memref_slice %arg10[%mul3A_285, %dma_wait3A_295] : memref<10240x128xf32, #tpu.memory_space<vmem_shared>> -> memref<640x128xf32, #tpu.memory_space<vmem_shared>>
        tpu.wait_dma2 semaphore(%run_scoped3A_288 : memref<!tpu.dma_semaphore, #tpu.memory_space<semaphore_mem>>) src(%dma_wait3A_296 : memref<640x128xf32, #tpu.memory_space<vmem_shared>>) dst(%dma_wait3A_294 : memref<640x128xf32, #tpu.memory_space<hbm>>)
        tpu.yield
      }) : () -> ()
    } else {
    }
    return
  }
}

module attributes {stable_mosaic.version = 14 : i64} {
  func.func @_tc_body(%arg0: i32, %arg1: memref<5000x128xf32, #tpu.memory_space<vmem>>, %arg2: memref<5000x128xf32, #tpu.memory_space<vmem>>, %arg3: memref<5000x128xf32, #tpu.memory_space<vmem>>, %arg4: memref<128x128xf32, #tpu.memory_space<vmem>>, %arg5: memref<1x128xf32, #tpu.memory_space<vmem>>, %arg6: memref<128x128xf32, #tpu.memory_space<vmem>>, %arg7: memref<5000x128xf32, #tpu.memory_space<vmem>>) attributes {dimension_semantics = [#tpu.dimension_semantics<arbitrary>], iteration_bounds = array<i64: 2>, scalar_prefetch = 0 : i64, scratch_operands = 0 : i64, tpu.core_type = #tpu.core_type<tc>, window_params = [{transform_indices = @transform_0, window_bounds = array<i64: 5000, 128>}, {transform_indices = @transform_1, window_bounds = array<i64: 5000, 128>}, {transform_indices = @transform_2, window_bounds = array<i64: 5000, 128>}, {pipeline_mode = #tpu.pipeline_mode<synchronous>, transform_indices = @transform_3, window_bounds = array<i64: 128, 128>}, {pipeline_mode = #tpu.pipeline_mode<synchronous>, transform_indices = @transform_4, window_bounds = array<i64: 1, 128>}, {pipeline_mode = #tpu.pipeline_mode<synchronous>, transform_indices = @transform_5, window_bounds = array<i64: 128, 128>}, {transform_indices = @transform_6, window_bounds = array<i64: 5000, 128>}]} {
    %get3A = arith.constant 0 : index
    %get3A_0 = arith.constant 0 : index
    %get3A_1 = vector.load %arg1[%get3A, %get3A_0] : memref<5000x128xf32, #tpu.memory_space<vmem>>, vector<5000x128xf32>
    %get3A_2 = arith.constant 0 : index
    %get3A_3 = arith.constant 0 : index
    %get3A_4 = vector.load %arg2[%get3A_2, %get3A_3] : memref<5000x128xf32, #tpu.memory_space<vmem>>, vector<5000x128xf32>
    %add3A = arith.addf %get3A_1, %get3A_4 : vector<5000x128xf32>
    %get3A_5 = arith.constant 0 : index
    %get3A_6 = arith.constant 0 : index
    %get3A_7 = vector.load %arg4[%get3A_5, %get3A_6] : memref<128x128xf32, #tpu.memory_space<vmem>>, vector<128x128xf32>
    %dot_general3A = arith.constant dense<0.000000e+00> : vector<5000x128xf32>
    %dot_general3A_8 = tpu.matmul %add3A, %get3A_7, %dot_general3A {dimension_numbers = #tpu.dot_dimension_numbers<[1], [1], [0], [0], [0, 0, 1, 0], [], []>, transpose_lhs_hint = false} : vector<5000x128xf32>, vector<128x128xf32>, vector<5000x128xf32> -> vector<5000x128xf32>
    %get3A_9 = arith.constant 0 : index
    %get3A_10 = arith.constant 0 : index
    %get3A_11 = vector.load %arg5[%get3A_9, %get3A_10] : memref<1x128xf32, #tpu.memory_space<vmem>>, vector<1x128xf32>
    %add3A_12 = vector.broadcast %get3A_11 : vector<1x128xf32> to vector<5000x128xf32>
    %add3A_13 = arith.addf %dot_general3A_8, %add3A_12 : vector<5000x128xf32>
    %get3A_14 = arith.constant 0 : index
    %get3A_15 = arith.constant 0 : index
    %get3A_16 = vector.load %arg3[%get3A_14, %get3A_15] : memref<5000x128xf32, #tpu.memory_space<vmem>>, vector<5000x128xf32>
    %get3A_17 = arith.constant 0 : index
    %get3A_18 = arith.constant 0 : index
    %get3A_19 = vector.load %arg6[%get3A_17, %get3A_18] : memref<128x128xf32, #tpu.memory_space<vmem>>, vector<128x128xf32>
    %dot_general3A_20 = arith.constant dense<0.000000e+00> : vector<5000x128xf32>
    %dot_general3A_21 = tpu.matmul %get3A_16, %get3A_19, %dot_general3A_20 {dimension_numbers = #tpu.dot_dimension_numbers<[1], [1], [0], [0], [0, 0, 1, 0], [], []>, transpose_lhs_hint = false} : vector<5000x128xf32>, vector<128x128xf32>, vector<5000x128xf32> -> vector<5000x128xf32>
    %add3A_22 = arith.addf %add3A_13, %dot_general3A_21 : vector<5000x128xf32>
    %max3A = arith.constant 0.000000e+00 : f32
    %max3A_23 = vector.broadcast %max3A : f32 to vector<5000x128xf32>
    %max3A_24 = arith.maximumf %add3A_22, %max3A_23 : vector<5000x128xf32>
    %swap3A = arith.constant 0 : index
    %swap3A_25 = arith.constant 0 : index
    %swap3A_26 = vector.load %arg7[%swap3A, %swap3A_25] : memref<5000x128xf32, #tpu.memory_space<vmem>>, vector<5000x128xf32>
    tpu.vector_store %arg7[%swap3A, %swap3A_25], %max3A_24 {strides = array<i32>} : memref<5000x128xf32, #tpu.memory_space<vmem>>, vector<5000x128xf32>,
    return
  }
  func.func @transform_0(%arg0: i32) -> (i32, i32) {
    %c0_i32 = arith.constant 0 : i32
    %c0_i32_0 = arith.constant 0 : i32
    return %arg0, %c0_i32 : i32, i32
  }
  func.func @transform_1(%arg0: i32) -> (i32, i32) {
    %c0_i32 = arith.constant 0 : i32
    %c0_i32_0 = arith.constant 0 : i32
    return %arg0, %c0_i32 : i32, i32
  }
  func.func @transform_2(%arg0: i32) -> (i32, i32) {
    %c0_i32 = arith.constant 0 : i32
    %c0_i32_0 = arith.constant 0 : i32
    return %arg0, %c0_i32 : i32, i32
  }
  func.func @transform_3(%arg0: i32) -> (i32, i32) {
    %c0_i32 = arith.constant 0 : i32
    %c0_i32_0 = arith.constant 0 : i32
    %c0_i32_1 = arith.constant 0 : i32
    return %c0_i32, %c0_i32_0 : i32, i32
  }
  func.func @transform_4(%arg0: i32) -> (i32, i32) {
    %c0_i32 = arith.constant 0 : i32
    %c0_i32_0 = arith.constant 0 : i32
    %c0_i32_1 = arith.constant 0 : i32
    return %c0_i32, %c0_i32_0 : i32, i32
  }
  func.func @transform_5(%arg0: i32) -> (i32, i32) {
    %c0_i32 = arith.constant 0 : i32
    %c0_i32_0 = arith.constant 0 : i32
    %c0_i32_1 = arith.constant 0 : i32
    return %c0_i32, %c0_i32_0 : i32, i32
  }
  func.func @transform_6(%arg0: i32) -> (i32, i32) {
    %c0_i32 = arith.constant 0 : i32
    %c0_i32_0 = arith.constant 0 : i32
    return %arg0, %c0_i32 : i32, i32
  }
}

module attributes {stable_mosaic.version = 14 : i64} {
  func.func @_tc_body(%arg0: i32, %arg1: memref<5000x128xf32, #tpu.memory_space<vmem>>, %arg2: memref<5000x128xf32, #tpu.memory_space<vmem>>, %arg3: memref<5000x128xf32, #tpu.memory_space<vmem>>, %arg4: memref<128x128xf32, #tpu.memory_space<vmem>>, %arg5: memref<1x128xf32, #tpu.memory_space<vmem>>, %arg6: memref<128x128xf32, #tpu.memory_space<vmem>>, %arg7: memref<5000x128xf32, #tpu.memory_space<vmem>>) attributes {dimension_semantics = [#tpu.dimension_semantics<arbitrary>], iteration_bounds = array<i64: 2>, scalar_prefetch = 0 : i64, scratch_operands = 0 : i64, tpu.core_type = #tpu.core_type<tc>, window_params = [{transform_indices = @transform_0, window_bounds = array<i64: 5000, 128>}, {transform_indices = @transform_1, window_bounds = array<i64: 5000, 128>}, {transform_indices = @transform_2, window_bounds = array<i64: 5000, 128>}, {pipeline_mode = #tpu.pipeline_mode<synchronous>, transform_indices = @transform_3, window_bounds = array<i64: 128, 128>}, {pipeline_mode = #tpu.pipeline_mode<synchronous>, transform_indices = @transform_4, window_bounds = array<i64: 1, 128>}, {pipeline_mode = #tpu.pipeline_mode<synchronous>, transform_indices = @transform_5, window_bounds = array<i64: 128, 128>}, {transform_indices = @transform_6, window_bounds = array<i64: 5000, 128>}]} {
    %get3A = arith.constant 0 : index
    %get3A_0 = arith.constant 0 : index
    %get3A_1 = vector.load %arg1[%get3A, %get3A_0] : memref<5000x128xf32, #tpu.memory_space<vmem>>, vector<5000x128xf32>
    %get3A_2 = arith.constant 0 : index
    %get3A_3 = arith.constant 0 : index
    %get3A_4 = vector.load %arg2[%get3A_2, %get3A_3] : memref<5000x128xf32, #tpu.memory_space<vmem>>, vector<5000x128xf32>
    %add3A = arith.addf %get3A_1, %get3A_4 : vector<5000x128xf32>
    %get3A_5 = arith.constant 0 : index
    %get3A_6 = arith.constant 0 : index
    %get3A_7 = vector.load %arg4[%get3A_5, %get3A_6] : memref<128x128xf32, #tpu.memory_space<vmem>>, vector<128x128xf32>
    %dot_general3A = arith.constant dense<0.000000e+00> : vector<5000x128xf32>
    %dot_general3A_8 = tpu.matmul %add3A, %get3A_7, %dot_general3A {dimension_numbers = #tpu.dot_dimension_numbers<[1], [1], [0], [0], [0, 0, 1, 0], [], []>, transpose_lhs_hint = false} : vector<5000x128xf32>, vector<128x128xf32>, vector<5000x128xf32> -> vector<5000x128xf32>
    %get3A_9 = arith.constant 0 : index
    %get3A_10 = arith.constant 0 : index
    %get3A_11 = vector.load %arg5[%get3A_9, %get3A_10] : memref<1x128xf32, #tpu.memory_space<vmem>>, vector<1x128xf32>
    %add3A_12 = vector.broadcast %get3A_11 : vector<1x128xf32> to vector<5000x128xf32>
    %add3A_13 = arith.addf %dot_general3A_8, %add3A_12 : vector<5000x128xf32>
    %get3A_14 = arith.constant 0 : index
    %get3A_15 = arith.constant 0 : index
    %get3A_16 = vector.load %arg3[%get3A_14, %get3A_15] : memref<5000x128xf32, #tpu.memory_space<vmem>>, vector<5000x128xf32>
    %get3A_17 = arith.constant 0 : index
    %get3A_18 = arith.constant 0 : index
    %get3A_19 = vector.load %arg6[%get3A_17, %get3A_18] : memref<128x128xf32, #tpu.memory_space<vmem>>, vector<128x128xf32>
    %dot_general3A_20 = arith.constant dense<0.000000e+00> : vector<5000x128xf32>
    %dot_general3A_21 = tpu.matmul %get3A_16, %get3A_19, %dot_general3A_20 {dimension_numbers = #tpu.dot_dimension_numbers<[1], [1], [0], [0], [0, 0, 1, 0], [], []>, transpose_lhs_hint = false} : vector<5000x128xf32>, vector<128x128xf32>, vector<5000x128xf32> -> vector<5000x128xf32>
    %add3A_22 = arith.addf %add3A_13, %dot_general3A_21 : vector<5000x128xf32>
    %swap3A = arith.constant 0 : index
    %swap3A_23 = arith.constant 0 : index
    %swap3A_24 = vector.load %arg7[%swap3A, %swap3A_23] : memref<5000x128xf32, #tpu.memory_space<vmem>>, vector<5000x128xf32>
    tpu.vector_store %arg7[%swap3A, %swap3A_23], %add3A_22 {strides = array<i32>} : memref<5000x128xf32, #tpu.memory_space<vmem>>, vector<5000x128xf32>,
    return
  }
  func.func @transform_0(%arg0: i32) -> (i32, i32) {
    %c0_i32 = arith.constant 0 : i32
    %c0_i32_0 = arith.constant 0 : i32
    return %arg0, %c0_i32 : i32, i32
  }
  func.func @transform_1(%arg0: i32) -> (i32, i32) {
    %c0_i32 = arith.constant 0 : i32
    %c0_i32_0 = arith.constant 0 : i32
    return %arg0, %c0_i32 : i32, i32
  }
  func.func @transform_2(%arg0: i32) -> (i32, i32) {
    %c0_i32 = arith.constant 0 : i32
    %c0_i32_0 = arith.constant 0 : i32
    return %arg0, %c0_i32 : i32, i32
  }
  func.func @transform_3(%arg0: i32) -> (i32, i32) {
    %c0_i32 = arith.constant 0 : i32
    %c0_i32_0 = arith.constant 0 : i32
    %c0_i32_1 = arith.constant 0 : i32
    return %c0_i32, %c0_i32_0 : i32, i32
  }
  func.func @transform_4(%arg0: i32) -> (i32, i32) {
    %c0_i32 = arith.constant 0 : i32
    %c0_i32_0 = arith.constant 0 : i32
    %c0_i32_1 = arith.constant 0 : i32
    return %c0_i32, %c0_i32_0 : i32, i32
  }
  func.func @transform_5(%arg0: i32) -> (i32, i32) {
    %c0_i32 = arith.constant 0 : i32
    %c0_i32_0 = arith.constant 0 : i32
    %c0_i32_1 = arith.constant 0 : i32
    return %c0_i32, %c0_i32_0 : i32, i32
  }
  func.func @transform_6(%arg0: i32) -> (i32, i32) {
    %c0_i32 = arith.constant 0 : i32
    %c0_i32_0 = arith.constant 0 : i32
    return %arg0, %c0_i32 : i32, i32
  }
}

</mosaic_0001>

<sc_bundles>
// kernel: kernel.6.cloned.1.call-start
scs
__scs_entry_jumppad:
0x0: {  	(pc) =	sbr.rel $0x88, $3  }
0x1: {  	(tag) =	ssettag $0x0;
	lr =	simm.s32 $0x1  }
0x2: {  	[smem:$0x3F99] =	sst lr;
	_ =	strace $0xD0000000  }
0x3: {  	_ = 	snop  }
0x4: {  	_ = 	snop  }
0x5: {  	_ = 	snop  }
0x6: {  	_ = 	snop  }
0x7: {  	_ = 	snop  }
__scs_overlays_trampoline_lowered:
0x8: {  	[smem:$0x3FA8] =	sst s0  }
0x9: {  	[smem:$0x3FA9] =	sst s1  }
0xa: {  	[smem:$0x3FAA] =	sst s2  }
0xb: {  	[smem:$0x3FAB] =	sst s3  }
0xc: {  	[smem:$0x3FAC] =	sst s4  }
0xd: {  	[smem:$0x3FAD] =	sst s5  }
0xe: {  	[smem:$0x3FAE] =	sst s6  }
0xf: {  	[smem:$0x3FAF] =	sst s7  }
0x10: {  	[smem:$0x3FB0] =	sst s8  }
0x11: {  	[smem:$0x3FB1] =	sst s9;
	s0 =	simm.s32 @!p0 $0x0  }
0x12: {  	s1 =	sld [smem:$0x3F97];
	s0 =	simm.s32 @p0 $0x1  }
0x13: {  	[smem:$0x3FB2] =	sst s0;
	s0 =	simm.s32 @!p1 $0x0  }
0x14: {  	s2 =	sld [smem:$0x3F96];
	s0 =	simm.s32 @p1 $0x1  }
0x15: {  	[smem:$0x3FB3] =	sst s0;
	s0 =	simm.s32 @!p2 $0x0  }
0x16: {  	s3 =	sld [smem:$0x3FDB];
	s0 =	simm.s32 @p2 $0x1  }
0x17: {  	s4 =	simm.s32 $0x1BF5;
	[smem:$0x3FB5] =	sst s0  }
0x18: {  	s0 =	sld [smem:$0x3F98];
	_ =	swait.ge [sflag:s4], $0x0  }
0x19: {  	s7 =	sld [smem:$0x3F99]  }
0x1a: {  	s8 =	sadd.s32 $0xFFFFE003, lr  }
0x1b: {  	s9 =	sadd.s32 $0xFFFFFEF7, lr;
	s5 =	simm.s32 $0xFFFFFFFF;
	p2 =	slt.u32 s8, $0xFFFFF086  }
0x1c: {  	p1 =	slt.u32 s9, $0xF7A;
	s5 =	simm.s32 @!p2 $0x0  }
0x1d: {  	s5 =	simm.s32 @p1 $0x1;
	p0 =	seq.s32 s7, s2  }
0x1e: {  	s7 =	smul.u32 @!p0 $0xF7A, s2;
	p2 =	seq.s32 @!p0 s5, $0x0  }
0x1f: {  	s9 =	smul.u32 $0xF7A, s1;
	s8 =	simm.s32 @!p0 $0x1BF5;
	p2 =	por !p2, p0  }
0x20: {  	[sflag:s8] =	ssyncset.s32 @!p0 $0xFFFFF086;
	s6 =	sadd.s32 @!p0 s3, s7;
	s7 =	simm.s32 @!p0 $0x108  }
0x21: {  	s3 =	sadd.s32 s3, s9;
	s6 =	sadd.s32 @!p0 $0x88, s6;
	s7 =	simm.s32 @p2 $0x1082  }
0x22: {  	[simem:s7], [sflag:s8] =	dma.local @!p0 [hbm:s6], $0xF7A  }
0x23: {  	s9 =	sor.u32 $0xD0000000, s2;
	s6 =	simm.s32 $0x108;
	_ =	swait.ge @!p0 [sflag:s8], $0x0  }
0x24: {  	s3 =	sadd.s32 $0x88, s3;
	s6 =	simm.s32 @!p1 $0x1082;
	[sflag:s4] =	ssyncset.s32 $0xFFFFF086  }
0x25: {  	[simem:s6], [sflag:s4] =	dma.local [hbm:s3], $0xF7A  }
0x26: {  	[smem:$0x3F99] =	sst s1;
	(tag) =	ssettag s2;
	_ =	strace s9  }
0x27: {  	s1 =	sld [smem:$0x3FA9]  }
0x28: {  	s2 =	sld [smem:$0x3FAA]  }
0x29: {  	s4 =	sld [smem:$0x3FAC]  }
0x2a: {  	p0 =	seq.s32 s5, $0x0;
	s5 =	sld [smem:$0x3FAD]  }
0x2b: {  	s6 =	sld [smem:$0x3FAE]  }
0x2c: {  	s7 =	sld [smem:$0x3FAF]  }
0x2d: {  	s3 =	simm.s32 $0x108;
	s8 =	sld [smem:$0x3FB0]  }
0x2e: {  	s3 =	simm.s32 @!p0 $0x1082;
	s9 =	sld [smem:$0x3FB1]  }
0x2f: {  	lr =	sadd.s32 s0, s3;
	s0 =	sld [smem:$0x3FA8]  }
0x30: {  	s3 =	sld [smem:$0x3FAB]  }
0x31: {  	[smem:$0x3FB4] =	sst s10  }
0x32: {  	s10 =	sld [smem:$0x3FB2];
	_ =	sdelay $0x3  }
0x33: {  	p0 =	seq.s32 s10, $0x1;
	s10 =	sld [smem:$0x3FB4];
	_ =	sdelay $0x3  }
0x34: {  	[smem:$0x3FB4] =	sst s10  }
0x35: {  	s10 =	sld [smem:$0x3FB3];
	_ =	sdelay $0x3  }
0x36: {  	p1 =	seq.s32 s10, $0x1;
	s10 =	sld [smem:$0x3FB4];
	_ =	sdelay $0x3  }
0x37: {  	[smem:$0x3FB4] =	sst s10  }
0x38: {  	s10 =	sld [smem:$0x3FB5]  }
0x39: {  	_ = 	snop;
	(pc) =	sbr.ind lr, $3  }
0x3a: {  	_ = 	snop  }
0x3b: {  	_ = 	snop  }
0x3c: {  	p2 =	seq.s32 s10, $0x1;
	s10 =	sld [smem:$0x3FB4]  }
0x3d: {  	_ =	shalt  }
0x3e: {  	_ =	shalt  }
0x3f: {  	_ =	shalt  }
0x40: {  	_ =	shalt  }
0x41: {  	_ =	shalt  }
0x42: {  	_ =	shalt  }
0x43: {  	_ =	shalt  }
0x44: {  	_ =	shalt  }
0x45: {  	_ =	shalt  }
0x46: {  	_ =	shalt  }
0x47: {  	_ =	shalt  }
0x48: {  	_ =	shalt  }
0x49: {  	_ =	shalt  }
0x4a: {  	_ =	shalt  }
0x4b: {  	_ =	shalt  }
0x4c: {  	_ =	shalt  }
0x4d: {  	_ =	shalt  }
0x4e: {  	_ =	shalt  }
0x4f: {  	_ =	shalt  }
0x50: {  	_ =	shalt  }
0x51: {  	_ =	shalt  }
0x52: {  	_ =	shalt  }
0x53: {  	_ =	shalt  }
0x54: {  	_ =	shalt  }
0x55: {  	_ =	shalt  }
0x56: {  	_ =	shalt  }
0x57: {  	_ =	shalt  }
0x58: {  	_ =	shalt  }
0x59: {  	_ =	shalt  }
0x5a: {  	_ =	shalt  }
0x5b: {  	_ =	shalt  }
0x5c: {  	_ =	shalt  }
0x5d: {  	_ =	shalt  }
0x5e: {  	_ =	shalt  }
0x5f: {  	_ =	shalt  }
0x60: {  	_ =	shalt  }
0x61: {  	_ =	shalt  }
0x62: {  	_ =	shalt  }
0x63: {  	_ =	shalt  }
0x64: {  	_ =	shalt  }
0x65: {  	_ =	shalt  }
0x66: {  	_ =	shalt  }
0x67: {  	_ =	shalt  }
0x68: {  	_ =	shalt  }
0x69: {  	_ =	shalt  }
0x6a: {  	_ =	shalt  }
0x6b: {  	_ =	shalt  }
0x6c: {  	_ =	shalt  }
0x6d: {  	_ =	shalt  }
0x6e: {  	_ =	shalt  }
0x6f: {  	_ =	shalt  }
0x70: {  	_ =	shalt  }
0x71: {  	_ =	shalt  }
0x72: {  	_ =	shalt  }
0x73: {  	_ =	shalt  }
0x74: {  	_ =	shalt  }
0x75: {  	_ =	shalt  }
0x76: {  	_ =	shalt  }
0x77: {  	_ =	shalt  }
0x78: {  	_ =	shalt  }
0x79: {  	_ =	shalt  }
0x7a: {  	_ =	shalt  }
0x7b: {  	_ =	shalt  }
0x7c: {  	_ =	shalt  }
0x7d: {  	_ =	shalt  }
0x7e: {  	_ =	shalt  }
0x7f: {  	_ =	shalt  }
0x80: {  	_ =	shalt  }
0x81: {  	_ =	shalt  }
0x82: {  	_ =	shalt  }
0x83: {  	_ =	shalt  }
0x84: {  	_ =	shalt  }
0x85: {  	_ =	shalt  }
0x86: {  	_ =	shalt  }
0x87: {  	_ =	shalt  }
.Lfunc_end0:
.L_simem_size_0:
called_computation_lowered:
.L_overlay_start_0:
0x88: {  	s2 =	sld [smem:$0x3FD9]  }
0x89: {  	s3 =	sld [smem:$0x3FFE];
	_ =	sdelay $0x1  }
0x8a: {  	s1 =	srdreg.scid  }
0x8b: {  	s0 =	sand.u32 $0x1, s1  }
0x8c: {  	s17 =	sshll.u32 s0, $0xA;
	s2 =	sadd.s32 s3, s2  }
0x8d: {  	s2 =	sadd.s32 s2, s17  }
0x8e: {  	[smem:$0x3FC0] =	sst s2  }
0x8f: {  	_ = 	snop  }
0x90: {  	s2 =	sld [smem:$0x3FC9];
	(tm) =	ssettm $0x1  }
0x91: {  	s18 =	sld [smem:$0x3FFB];
	_ =	sdelay $0x3  }
0x92: {  	_ =	strace s18  }
0x93: {  	s3 =	sld [smem:$0x3FFC];
	_ =	sdelay $0x3  }
0x94: {  	_ =	strace s3  }
0x95: {  	s3 =	sld [smem:$0x3FFD];
	_ =	sdelay $0x3  }
0x96: {  	_ =	strace s3  }
0x97: {  	_ =	strace $0x8FFFFFFF  }
0x98: {  	s19 =	sld [smem:$0x3FDB];
	_ =	sdelay $0x1  }
0x99: {  	s4 =	simm.s32 $_scs_section_size  }
0x9a: {  	s5 =	simm.s32 $_size__tile_overlayer_lowered;
	s6 =	simm.s32 $_tile_overlayer_lowered  }
0x9b: {  	s22 =	simm.s32 $0x1BFF;
	s21 =	sshll.u32 s6, $0x1;
	s3 =	sadd.s32 s4, s19  }
0x9c: {  	s7 =	simm.s32 $0x0;
	s20 =	sshll.u32 s5, $0x1;
	s5 =	sadd.s32 s21, s3  }
0x9d: {  	[timem:s7], [sflag:s22] =	dma.local [hbm:s5], s20  }
0x9e: {  	_ =	swait.ge [sflag:s22], s20  }
0x9f: {  	s4 =	ssub.s32 $0x0, s20;
	[sflag:s22] =	ssyncset.done $0x0  }
0xa0: {  	[sflag:s22] =	ssyncadd.s32 s4;
	_ =	sdelay $0x1  }
0xa1: {  	s23 =	simm.s32 $0x1B8B  }
0xa2: {  	_ =	swait.ge [sflag:s23], $0x1  }
0xa3: {  	[sflag:s23] =	ssyncset.done $0x0  }
0xa4: {  	s25 =	simm.s32 $0x1B8E;
	s24 =	sld [smem:$0x3FFE];
	[sflag:s23] =	ssyncadd.s32 $0xFFFFFFFF  }
0xa5: {  	s26 =	simm.s32 $execute0_lowered;
	[smem:$0x3FD2] =	sst s25  }
0xa6: {  	s5 =	sshll.u32 s26, $0x1;
	_ =	strace $0x80000046;
	[dreg:$0x1] =	wrdreg $0xFFFFFFFF  }
0xa7: {  	s28 =	simm.s32 $_size_execute0_lowered;
	s3 =	sadd.s32 s3, s5;
	[dreg:$0x0] =	wrdreg $0x0  }
0xa8: {  	s5 =	sshll.u32 s28, $0x1;
	[dreg:$0x2] =	wrdreg s3  }
0xa9: {  	[dreg:$0x3] =	wrdreg s5  }
0xaa: {  	[dreg:$0x4] =	wrdreg $0xC0  }
0xab: {  	_ =	task [dreg:s7], $0x5FFFF  }
0xac: {  	[dreg:$0x1] =	wrdreg $0xFFFFFFFF  }
0xad: {  	[dreg:$0x0] =	wrdreg $0x60  }
0xae: {  	[dreg:$0x2] =	wrdreg s2  }
0xaf: {  	[dreg:$0x3] =	wrdreg s24  }
0xb0: {  	[dreg:$0x4] =	wrdreg $0xA8000  }
0xb1: {  	[dreg:$0x5] =	wrdreg $0x9  }
0xb2: {  	_ =	task.clear_ibuf [dreg:s7], $0x6FFFF;
	_ =	strace $0x90000046  }
0xb3: {  	s29 =	simm.s32 $0x9;
	_ =	strace $0x80000048  }
0xb4: {  	_ =	swait.ge [sflag:s29], $0x1  }
0xb5: {  	[sflag:s29] =	ssyncadd.s32 $0xFFFFFFFF  }
0xb6: {  	_ =	strace $0x90000048  }
0xb7: {  	_ =	sfence  }
0xb8: {  	s30 =	sld [smem:$0x0];
	_ =	sdelay $0x2  }
0xb9: {  	s31 =	sshll.u32 s1, $0xD;
	s1 =	sshrl.u32 s1, $0x2  }
0xba: {  	s3 =	sand.u32 $0x4000, s31;
	s1 =	sadd.s32 s1, s30  }
0xbb: {  	s0 =	sor.u32 s3, s0;
	s1 =	sshll.u32 s1, $0x11  }
0xbc: {  	s0 =	sor.u32 s1, s0  }
0xbd: {  	s0 =	sadd.s32 $0x8F2B, s0  }
0xbe: {  	[sflag:s0] =	ssyncadd.remote.s32 $0x1  }
0xbf: {  	_ =	sfence.sel $0xFFFF  }
0xc0: {  	[dreg:$0x0] =	wrdreg $0xFFFFFFFF;
	(pc) =	sbr.abs _section_cstart, $3  }
0xc1: {  	[dreg:$0x1] =	wrdreg $0xFFFFFFFF  }
0xc2: {  	_ =	task.clear_ibuf [dreg:s7], $0x2FFFF;
	_ =	strace $0x9FFFFFFF  }
0xc3: {  	(tm) =	ssettm $0x7FFFFFFF  }
tec
execute0_lowered:
.L_overlay_start_1:
0x0: {  	(tag) =	ssettag $0x1  }
0x1: {  	s1 =	rddreg [dreg:$0x0];
	s2 =	srdreg.scid  }
0x2: {  	s0 =	stileid.u32;
	s14 =	rddreg [dreg:$0x1]  }
0x3: {  	s3 =	rddreg [dreg:$0x2];
	s4 =	simm.s32 $0x0;
	s16 =	simm.s32 $0x3F000  }
0x4: {  	s19 =	simm.s32 $0x7D;
	s20 =	simm.s32 $0x80;
	s21 =	simm.s32 $0x6800  }
0x5: {  	s22 =	simm.s32 $0x2800;
	s23 =	simm.s32 $0x3;
	s24 =	simm.s32 $0x1  }
0x6: {  	s25 =	simm.s32 $0x2;
	s26 =	simm.s32 $0x4;
	s28 =	simm.s32 $0x2700  }
0x7: {  	s29 =	simm.s32 $0x2780;
	s11 =	sand.u32 $0x1, s2;
	s30 =	sshll.u32 s0, $0x1  }
0x8: {  	[smem:$0x7FF] =	sst s4;
	s6 =	smul.u32 $0x50000, s0;
	s13 =	sadd.s32 $0x3000, s14  }
0x9: {  	s18 =	smul.u32 $0x2800, s0;
	s8 =	sor.u32 s11, s30;
	s5 =	ssub.s32 $0x2, s11  }
0xa: {  	_ =	strace $0x80000047;
	p0 =	seq.s32 s11, $0x1;
	s17 =	smul.u32 $0x500, s8  }
0xb: {  	s7 =	sshrl.u32 s5, $0x1;
	s31 =	sshrl.u32 s6, $0x2;
	s6 =	sadd.s32 $0xD000, s14  }
0xc: {  	s12 =	smul.u32 $0x2800, s8;
	s16 =	simm.s32 @!p0 $0x17000;
	s15 =	ssub.s32 s5, s7  }
0xd: {  	s7 =	sadd.s32 s31, s3;
	s16 =	sadd.s32 s16, s14;
	s5 =	sadd.s32 s13, s17  }
0xe: {  	s8 =	sadd.s32 $0x4000, s7;
	s9 =	sadd.s32 $0x8000, s7;
	s10 =	sadd.s32 $0xC000, s7  }
0xf: {  	s12 =	sshrl.u32 s12, $0x3;
	s14 =	smax.u32 s15, $0x1;
	s15 =	sadd.s32 s16, s18  }
0x10: {  	s16 =	simm.s32 $0x5;
	s17 =	sadd.s32 s17, s6;
	s11 =	sadd.s32 $0x280, s12  }
0x11: {  	v0 =	vimm.f32 $0.0e+00;
	s18 =	simm.s32 $0x1400;
	s12 =	sadd.s32 $0x10000, s7;
	s13 =	sadd.s32 s13, s11  }
.LBB2_1:
0x12: {  	s30 =	simm.s32 $0x0;
	s31 =	simm.s32 $0x200  }
.LBB2_2:
0x13: {  	p0 =	sne.s32 s31, $0xFE00;
	[tilespmem:s30+$0x2870] =	vst v0  }
0x14: {  	[tilespmem:s30+$0x2800] =	vst v0  }
0x15: {  	[tilespmem:s30+$0x2810] =	vst v0  }
.Ltmp0:
0x16: {  	[tilespmem:s30+$0x2820] =	vst v0;
	(pc) =	sbr.rel @p0 .LBB2_2-.Ltmp0, $4  }
0x17: {  	[tilespmem:s30+$0x2830] =	vst v0  }
0x18: {  	[tilespmem:s30+$0x2840] =	vst v0  }
0x19: {  	[tilespmem:s30+$0x2850] =	vst v0  }
0x1a: {  	[tilespmem:s30+$0x2860] =	vst v0;
	s30 =	sshra.s32 s31, $0x2;
	s31 =	sadd.s32 $0x200, s31  }
0x1b: {  	[tilespmem:s30+$0x2870] =	vst v0  }
0x1c: {  	[tilespmem:s30+$0x2800] =	vst v0  }
0x1d: {  	[tilespmem:s30+$0x2810] =	vst v0  }
0x1e: {  	[tilespmem:s30+$0x2820] =	vst v0  }
0x1f: {  	[tilespmem:s30+$0x2830] =	vst v0  }
0x20: {  	[tilespmem:s30+$0x2840] =	vst v0  }
0x21: {  	[tilespmem:s30+$0x2850] =	vst v0  }
0x22: {  	[tilespmem:s30+$0x2860] =	vst v0;
	s30 =	simm.s32 $0x0  }
0x23: {  	[tilespmem:s30], [sflag:$0x5] =	stream.linear.gather [hbm4b:s5+s30], $0x1400, $0x38;
	[tilespmem:$0x1E800] =	vst v63  }
0x24: {  	_ =	swait.ge [sflag:s16], $0x1400  }
0x25: {  	[sflag:s16] =	ssyncset.done $0x0  }
0x26: {  	[sflag:s16] =	ssyncadd.s32 $0xFFFFEC00  }
0x27: {  	[tilespmem:s18], [sflag:$0x5] =	stream.linear.gather [hbm4b:s17+s30], $0x1400, $0x38;
	[tilespmem:$0x1E800] =	vst v63  }
0x28: {  	_ =	swait.ge [sflag:s16], $0x1400  }
0x29: {  	[sflag:s16] =	ssyncset.done $0x0  }
0x2a: {  	[sflag:s16] =	ssyncadd.s32 $0xFFFFEC00  }
0x2b: {  	[tilespmem:s21], [sflag:$0x2] =	stream.indirect.gather [hbm4b:s1+s19], $0x80, s20, s19, $0xb8;
	[tilespmem:$0x1E800] =	vst v63  }
0x2c: {  	_ = 	snop  }
0x2d: {  	[spmem:s7] =	stream.linear.scatter [tilespmem:s22], [sflag:$0x3], $0x4000, $0x38;
	[tilespmem:$0x1E800] =	vst v63  }
0x2e: {  	_ = 	snop  }
0x2f: {  	[spmem:s8] =	stream.linear.scatter [tilespmem:s22], [sflag:$0x3], $0x4000, $0x38;
	[tilespmem:$0x1E800] =	vst v63  }
0x30: {  	_ = 	snop  }
0x31: {  	[spmem:s9] =	stream.linear.scatter [tilespmem:s22], [sflag:$0x3], $0x4000, $0x38;
	[tilespmem:$0x1E800] =	vst v63  }
0x32: {  	_ = 	snop  }
0x33: {  	[spmem:s10] =	stream.linear.scatter [tilespmem:s22], [sflag:$0x3], $0x4000, $0x38;
	[tilespmem:$0x1E800] =	vst v63  }
0x34: {  	_ = 	snop  }
0x35: {  	[spmem:s12] =	stream.linear.scatter [tilespmem:s22], [sflag:$0x3], $0x4000, $0x38;
	[tilespmem:$0x1E800] =	vst v63  }
0x36: {  	_ =	swait.ge [sflag:s23], $0x4000  }
0x37: {  	[sflag:s23] =	ssyncset.done $0x0  }
0x38: {  	[sflag:s23] =	ssyncadd.s32 $0xFFFFC000  }
0x39: {  	_ =	swait.ge [sflag:s23], $0x4000  }
0x3a: {  	[sflag:s23] =	ssyncset.done $0x0  }
0x3b: {  	[sflag:s23] =	ssyncadd.s32 $0xFFFFC000  }
0x3c: {  	_ =	swait.ge [sflag:s23], $0x4000  }
0x3d: {  	[sflag:s23] =	ssyncset.done $0x0  }
0x3e: {  	[sflag:s23] =	ssyncadd.s32 $0xFFFFC000  }
0x3f: {  	_ =	swait.ge [sflag:s23], $0x4000  }
0x40: {  	[sflag:s23] =	ssyncset.done $0x0  }
0x41: {  	[sflag:s23] =	ssyncadd.s32 $0xFFFFC000  }
0x42: {  	_ =	swait.ge [sflag:s23], $0x4000  }
0x43: {  	[sflag:s23] =	ssyncset.done $0x0  }
0x44: {  	[sflag:s23] =	ssyncadd.s32 $0xFFFFC000  }
0x45: {  	[tilespmem:s22], [sflag:$0x1] =	stream.indirect.gather [hbm4b:s1+s19], $0x80, s30, s19, $0xb8;
	[tilespmem:$0x1E800] =	vst v63  }
0x46: {  	[bflag:$0x0] =	sbarrier.arrive $0xFFFF  }
0x47: {  	_ =	swait.ge [sflag:s24], $0x3E80  }
0x48: {  	[sflag:s24] =	ssyncset.done $0x0  }
0x49: {  	s30 =	simm.s32 $0x1400;
	[sflag:s24] =	ssyncadd.s32 $0xFFFFC180  }
0x4a: {  	[spmem:s3] =	stream.indirect.scatter.add.f32 [tilespmem:s22], [sflag:$0x3], $0x80, s30, s19, $0xb8;
	[tilespmem:$0x1E800] =	vst v63  }
0x4b: {  	_ =	swait.ge [sflag:s23], $0x3E80  }
0x4c: {  	[sflag:s23] =	ssyncset.done $0x0  }
0x4d: {  	s30 =	simm.s32 $0x100;
	[sflag:s23] =	ssyncadd.s32 $0xFFFFC180  }
0x4e: {  	[tilespmem:s22], [sflag:$0x1] =	stream.indirect.gather [hbm4b:s1+s19], $0x80, s30, s19, $0xb8;
	[tilespmem:$0x1E800] =	vst v63  }
0x4f: {  	_ =	swait.ge [sflag:s25], $0x3E80  }
0x50: {  	[sflag:s25] =	ssyncset.done $0x0  }
0x51: {  	s30 =	simm.s32 $0x1480;
	[sflag:s25] =	ssyncadd.s32 $0xFFFFC180  }
0x52: {  	[spmem:s3] =	stream.indirect.scatter.add.f32 [tilespmem:s21], [sflag:$0x4], $0x80, s30, s19, $0xb8;
	[tilespmem:$0x1E800] =	vst v63  }
0x53: {  	_ =	swait.ge [sflag:s26], $0x3E80  }
0x54: {  	[sflag:s26] =	ssyncset.done $0x0  }
0x55: {  	s31 =	simm.s32 $0x180;
	s30 =	simm.s32 $0x400;
	[sflag:s26] =	ssyncadd.s32 $0xFFFFC180  }
.LBB2_4:
0x56: {  	[tilespmem:s21], [sflag:$0x2] =	stream.indirect.gather [hbm4b:s1+s19], $0x80, s31, s19, $0xb8;
	[tilespmem:$0x1E800] =	vst v63  }
0x57: {  	s31 =	smov.u32 s30  }
0x58: {  	p0 =	sne.s32 s30, $0x4800;
	s30 =	sadd.s32 $0x400, s30;
	_ =	swait.ge [sflag:s24], $0x3E80  }
0x59: {  	s31 =	sshra.s32 s31, $0x2;
	[sflag:s24] =	ssyncset.done $0x0  }
0x5a: {  	s2 =	sadd.s32 $0x1400, s31;
	[sflag:s24] =	ssyncadd.s32 $0xFFFFC180  }
0x5b: {  	[spmem:s3] =	stream.indirect.scatter.add.f32 [tilespmem:s22], [sflag:$0x3], $0x80, s2, s19, $0xb8;
	[tilespmem:$0x1E800] =	vst v63  }
0x5c: {  	_ =	swait.ge [sflag:s23], $0x3E80  }
0x5d: {  	[sflag:s23] =	ssyncset.done $0x0  }
0x5e: {  	s2 =	sadd.s32 $0x100, s31;
	[sflag:s23] =	ssyncadd.s32 $0xFFFFC180  }
0x5f: {  	[tilespmem:s22], [sflag:$0x1] =	stream.indirect.gather [hbm4b:s1+s19], $0x80, s2, s19, $0xb8;
	[tilespmem:$0x1E800] =	vst v63  }
0x60: {  	_ =	swait.ge [sflag:s25], $0x3E80  }
0x61: {  	[sflag:s25] =	ssyncset.done $0x0  }
.Ltmp1:
0x62: {  	s2 =	sadd.s32 $0x1480, s31;
	[sflag:s25] =	ssyncadd.s32 $0xFFFFC180;
	(pc) =	sbr.rel @p0 .LBB2_4-.Ltmp1, $4  }
0x63: {  	[spmem:s3] =	stream.indirect.scatter.add.f32 [tilespmem:s21], [sflag:$0x4], $0x80, s2, s19, $0xb8;
	[tilespmem:$0x1E800] =	vst v63  }
0x64: {  	_ =	swait.ge [sflag:s26], $0x3E80  }
0x65: {  	[sflag:s26] =	ssyncset.done $0x0  }
0x66: {  	s31 =	sadd.s32 $0x180, s31;
	[sflag:s26] =	ssyncadd.s32 $0xFFFFC180  }
0x67: {  	[tilespmem:s21], [sflag:$0x2] =	stream.indirect.gather [hbm4b:s1+s19], $0x80, s31, s19, $0xb8;
	[tilespmem:$0x1E800] =	vst v63  }
0x68: {  	_ =	swait.ge [sflag:s24], $0x3E80  }
0x69: {  	[sflag:s24] =	ssyncset.done $0x0  }
0x6a: {  	[sflag:s24] =	ssyncadd.s32 $0xFFFFC180  }
0x6b: {  	[spmem:s3] =	stream.indirect.scatter.add.f32 [tilespmem:s22], [sflag:$0x3], $0x80, s28, s19, $0xb8;
	[tilespmem:$0x1E800] =	vst v63  }
0x6c: {  	_ =	swait.ge [sflag:s23], $0x3E80  }
0x6d: {  	[sflag:s23] =	ssyncset.done $0x0  }
0x6e: {  	[sflag:s23] =	ssyncadd.s32 $0xFFFFC180  }
0x6f: {  	_ =	swait.ge [sflag:s25], $0x3E80  }
0x70: {  	[sflag:s25] =	ssyncset.done $0x0  }
0x71: {  	[sflag:s25] =	ssyncadd.s32 $0xFFFFC180  }
0x72: {  	[spmem:s3] =	stream.indirect.scatter.add.f32 [tilespmem:s21], [sflag:$0x4], $0x80, s29, s19, $0xb8;
	[tilespmem:$0x1E800] =	vst v63  }
0x73: {  	_ =	swait.ge [sflag:s26], $0x3E80  }
0x74: {  	[sflag:s26] =	ssyncset.done $0x0  }
0x75: {  	s2 =	simm.s32 $0x0;
	[sflag:s26] =	ssyncadd.s32 $0xFFFFC180  }
0x76: {  	[tilespmem:s2], [sflag:$0x5] =	stream.linear.gather [hbm4b:s13+s2], $0x1400, $0x38;
	[tilespmem:$0x1E800] =	vst v63  }
0x77: {  	_ =	swait.ge [sflag:s16], $0x1400  }
0x78: {  	[sflag:s16] =	ssyncset.done $0x0  }
0x79: {  	s30 =	sadd.s32 s11, s6;
	[sflag:s16] =	ssyncadd.s32 $0xFFFFEC00  }
0x7a: {  	[tilespmem:s18], [sflag:$0x5] =	stream.linear.gather [hbm4b:s30+s2], $0x1400, $0x38;
	[tilespmem:$0x1E800] =	vst v63  }
0x7b: {  	_ =	swait.ge [sflag:s16], $0x1400  }
0x7c: {  	[sflag:s16] =	ssyncset.done $0x0  }
0x7d: {  	[sflag:s16] =	ssyncadd.s32 $0xFFFFEC00  }
0x7e: {  	[tilespmem:s22], [sflag:$0x1] =	stream.indirect.gather [hbm4b:s1+s19], $0x80, s2, s19, $0xb8;
	[tilespmem:$0x1E800] =	vst v63  }
0x7f: {  	_ = 	snop  }
0x80: {  	[tilespmem:s21], [sflag:$0x2] =	stream.indirect.gather [hbm4b:s1+s19], $0x80, s20, s19, $0xb8;
	[tilespmem:$0x1E800] =	vst v63  }
0x81: {  	_ =	swait.ge [sflag:s24], $0x3E80  }
0x82: {  	[sflag:s24] =	ssyncset.done $0x0  }
0x83: {  	s2 =	simm.s32 $0x1400;
	[sflag:s24] =	ssyncadd.s32 $0xFFFFC180  }
0x84: {  	[spmem:s3] =	stream.indirect.scatter.add.f32 [tilespmem:s22], [sflag:$0x3], $0x80, s2, s19, $0xb8;
	[tilespmem:$0x1E800] =	vst v63  }
0x85: {  	_ =	swait.ge [sflag:s23], $0x3E80  }
0x86: {  	[sflag:s23] =	ssyncset.done $0x0  }
0x87: {  	s2 =	simm.s32 $0x100;
	[sflag:s23] =	ssyncadd.s32 $0xFFFFC180  }
0x88: {  	[tilespmem:s22], [sflag:$0x1] =	stream.indirect.gather [hbm4b:s1+s19], $0x80, s2, s19, $0xb8;
	[tilespmem:$0x1E800] =	vst v63  }
0x89: {  	_ =	swait.ge [sflag:s25], $0x3E80  }
0x8a: {  	[sflag:s25] =	ssyncset.done $0x0  }
0x8b: {  	s2 =	simm.s32 $0x1480;
	[sflag:s25] =	ssyncadd.s32 $0xFFFFC180  }
0x8c: {  	[spmem:s3] =	stream.indirect.scatter.add.f32 [tilespmem:s21], [sflag:$0x4], $0x80, s2, s19, $0xb8;
	[tilespmem:$0x1E800] =	vst v63  }
0x8d: {  	_ =	swait.ge [sflag:s26], $0x3E80  }
0x8e: {  	[sflag:s26] =	ssyncset.done $0x0  }
0x8f: {  	s31 =	simm.s32 $0x180;
	s30 =	simm.s32 $0x400;
	[sflag:s26] =	ssyncadd.s32 $0xFFFFC180  }
.LBB2_6:
0x90: {  	[tilespmem:s21], [sflag:$0x2] =	stream.indirect.gather [hbm4b:s1+s19], $0x80, s31, s19, $0xb8;
	[tilespmem:$0x1E800] =	vst v63  }
0x91: {  	s2 =	smov.u32 s30  }
0x92: {  	p0 =	sne.s32 s30, $0x4800;
	s30 =	sadd.s32 $0x400, s30;
	_ =	swait.ge [sflag:s24], $0x3E80  }
0x93: {  	s2 =	sshra.s32 s2, $0x2;
	[sflag:s24] =	ssyncset.done $0x0  }
0x94: {  	s31 =	sadd.s32 $0x1400, s2;
	[sflag:s24] =	ssyncadd.s32 $0xFFFFC180  }
0x95: {  	[spmem:s3] =	stream.indirect.scatter.add.f32 [tilespmem:s22], [sflag:$0x3], $0x80, s31, s19, $0xb8;
	[tilespmem:$0x1E800] =	vst v63  }
0x96: {  	_ =	swait.ge [sflag:s23], $0x3E80  }
0x97: {  	[sflag:s23] =	ssyncset.done $0x0  }
0x98: {  	s31 =	sadd.s32 $0x100, s2;
	[sflag:s23] =	ssyncadd.s32 $0xFFFFC180  }
0x99: {  	[tilespmem:s22], [sflag:$0x1] =	stream.indirect.gather [hbm4b:s1+s19], $0x80, s31, s19, $0xb8;
	[tilespmem:$0x1E800] =	vst v63  }
0x9a: {  	_ =	swait.ge [sflag:s25], $0x3E80  }
0x9b: {  	[sflag:s25] =	ssyncset.done $0x0  }
.Ltmp2:
0x9c: {  	s31 =	sadd.s32 $0x1480, s2;
	[sflag:s25] =	ssyncadd.s32 $0xFFFFC180;
	(pc) =	sbr.rel @p0 .LBB2_6-.Ltmp2, $4  }
0x9d: {  	[spmem:s3] =	stream.indirect.scatter.add.f32 [tilespmem:s21], [sflag:$0x4], $0x80, s31, s19, $0xb8;
	[tilespmem:$0x1E800] =	vst v63  }
0x9e: {  	_ =	swait.ge [sflag:s26], $0x3E80  }
0x9f: {  	[sflag:s26] =	ssyncset.done $0x0  }
0xa0: {  	s31 =	sadd.s32 $0x180, s2;
	[sflag:s26] =	ssyncadd.s32 $0xFFFFC180  }
0xa1: {  	[tilespmem:s21], [sflag:$0x2] =	stream.indirect.gather [hbm4b:s1+s19], $0x80, s31, s19, $0xb8;
	[tilespmem:$0x1E800] =	vst v63  }
0xa2: {  	_ =	swait.ge [sflag:s24], $0x3E80  }
0xa3: {  	[sflag:s24] =	ssyncset.done $0x0  }
0xa4: {  	[sflag:s24] =	ssyncadd.s32 $0xFFFFC180  }
0xa5: {  	[spmem:s3] =	stream.indirect.scatter.add.f32 [tilespmem:s22], [sflag:$0x3], $0x80, s28, s19, $0xb8;
	[tilespmem:$0x1E800] =	vst v63  }
0xa6: {  	_ =	swait.ge [sflag:s23], $0x3E80  }
0xa7: {  	[sflag:s23] =	ssyncset.done $0x0  }
0xa8: {  	[sflag:s23] =	ssyncadd.s32 $0xFFFFC180  }
0xa9: {  	_ =	swait.ge [sflag:s25], $0x3E80  }
0xaa: {  	[sflag:s25] =	ssyncset.done $0x0  }
0xab: {  	[sflag:s25] =	ssyncadd.s32 $0xFFFFC180  }
0xac: {  	[spmem:s3] =	stream.indirect.scatter.add.f32 [tilespmem:s21], [sflag:$0x4], $0x80, s29, s19, $0xb8;
	[tilespmem:$0x1E800] =	vst v63  }
0xad: {  	_ =	swait.ge [sflag:s26], $0x3E80  }
0xae: {  	s2 =	sshll.u32 s0, $0x6;
	s4 =	sadd.s32 $0x1, s4;
	[sflag:s26] =	ssyncset.done $0x0  }
0xaf: {  	s30 =	sshrl.u32 s7, $0x3;
	p0 =	sne.s32 s4, s14;
	[sflag:s26] =	ssyncadd.s32 $0xFFFFC180  }
.Ltmp3:
0xb0: {  	s2 =	sor.u32 $0x1C05, s2;
	[bflag:$0x0] =	sbarrier.arrive $0xFFFF;
	(pc) =	sbr.rel @p0 .LBB2_1-.Ltmp3, $4  }
0xb1: {  	[hbm:s15], [sflag:s2] =	dma.local [spmem:s30], $0x2800  }
0xb2: {  	_ =	swait.ge [sflag:s16], $0x2800  }
0xb3: {  	[sflag:s16] =	ssyncset.done $0x0  }
0xb4: {  	[sflag:s16] =	ssyncadd.s32 $0xFFFFD800  }
0xb5: {  	_ =	sfence.sel $0x180000  }
0xb6: {  	[bflag:$0x0] =	sbarrier.arrive $0xFFFF  }
0xb7: {  	_ =	strace $0x90000047  }
0xb8: {  	[bflag:$0x2] =	sbarrier.arrive $0xFFFF  }
0xb9: {  	p0 =	sne.s32 s0, $0x0;
	s0 =	rddreg [dreg:$0x3]  }
0xba: {  	s0 =	sadd.s32 @!p0 $0x100000, s0  }
0xbb: {  	[sflag:s0] =	ssyncadd.tile.s32 @!p0 $0x1;
	_ =	shalt  }
.Lfunc_end2:
_tile_overlayer_lowered:
.L_overlay_start_2:
0xbc: {  	(tag) =	ssettag $0x2  }
0xbd: {  	s0 =	rddreg [dreg:$0x0];
	s2 =	stileid.u32  }
0xbe: {  	s1 =	rddreg [dreg:$0x1];
	p0 =	sne.s32 s2, $0x0  }
0xbf: {  	s3 =	rddreg [dreg:$0x2];
	[bflag:$0x3] =	sbarrier.arrive $0xFFFF;
	s2 =	simm.s32 @!p0 $0x1C05  }
0xc0: {  	[timem:s3], [sflag:s2] =	dma.local @!p0 [hbm:s0], s1  }
0xc1: {  	s0 =	simm.s32 @!p0 $0x5  }
0xc2: {  	_ =	swait.ge @!p0 [sflag:s0], s1  }
0xc3: {  	s1 =	ssub.s32 @!p0 $0x0, s1;
	[sflag:s0] =	ssyncset.done @!p0 $0x0  }
0xc4: {  	[sflag:s0] =	ssyncadd.s32 @!p0 s1  }
0xc5: {  	[bflag:$0x3] =	sbarrier.arrive $0xFFFF  }
0xc6: {  	_ =	shalt  }

// kernel: kernel.9.cloned.1.call-start
scs
__scs_entry_jumppad:
0x0: {  	(pc) =	sbr.rel $0x88, $3  }
0x1: {  	(tag) =	ssettag $0x0;
	lr =	simm.s32 $0x1  }
0x2: {  	[smem:$0x3F99] =	sst lr;
	_ =	strace $0xD0000000  }
0x3: {  	_ = 	snop  }
0x4: {  	_ = 	snop  }
0x5: {  	_ = 	snop  }
0x6: {  	_ = 	snop  }
0x7: {  	_ = 	snop  }
__scs_overlays_trampoline_lowered:
0x8: {  	[smem:$0x3FA8] =	sst s0  }
0x9: {  	[smem:$0x3FA9] =	sst s1  }
0xa: {  	[smem:$0x3FAA] =	sst s2  }
0xb: {  	[smem:$0x3FAB] =	sst s3  }
0xc: {  	[smem:$0x3FAC] =	sst s4  }
0xd: {  	[smem:$0x3FAD] =	sst s5  }
0xe: {  	[smem:$0x3FAE] =	sst s6  }
0xf: {  	[smem:$0x3FAF] =	sst s7  }
0x10: {  	[smem:$0x3FB0] =	sst s8  }
0x11: {  	[smem:$0x3FB1] =	sst s9;
	s0 =	simm.s32 @!p0 $0x0  }
0x12: {  	s1 =	sld [smem:$0x3F97];
	s0 =	simm.s32 @p0 $0x1  }
0x13: {  	[smem:$0x3FB2] =	sst s0;
	s0 =	simm.s32 @!p1 $0x0  }
0x14: {  	s2 =	sld [smem:$0x3F96];
	s0 =	simm.s32 @p1 $0x1  }
0x15: {  	[smem:$0x3FB3] =	sst s0;
	s0 =	simm.s32 @!p2 $0x0  }
0x16: {  	s3 =	sld [smem:$0x3FDB];
	s0 =	simm.s32 @p2 $0x1  }
0x17: {  	s4 =	simm.s32 $0x1BF5;
	[smem:$0x3FB5] =	sst s0  }
0x18: {  	s0 =	sld [smem:$0x3F98];
	_ =	swait.ge [sflag:s4], $0x0  }
0x19: {  	s7 =	sld [smem:$0x3F99]  }
0x1a: {  	s8 =	sadd.s32 $0xFFFFE003, lr  }
0x1b: {  	s9 =	sadd.s32 $0xFFFFFEF7, lr;
	s5 =	simm.s32 $0xFFFFFFFF;
	p2 =	slt.u32 s8, $0xFFFFF086  }
0x1c: {  	p1 =	slt.u32 s9, $0xF7A;
	s5 =	simm.s32 @!p2 $0x0  }
0x1d: {  	s5 =	simm.s32 @p1 $0x1;
	p0 =	seq.s32 s7, s2  }
0x1e: {  	s7 =	smul.u32 @!p0 $0xF7A, s2;
	p2 =	seq.s32 @!p0 s5, $0x0  }
0x1f: {  	s9 =	smul.u32 $0xF7A, s1;
	s8 =	simm.s32 @!p0 $0x1BF5;
	p2 =	por !p2, p0  }
0x20: {  	[sflag:s8] =	ssyncset.s32 @!p0 $0xFFFFF086;
	s6 =	sadd.s32 @!p0 s3, s7;
	s7 =	simm.s32 @!p0 $0x108  }
0x21: {  	s3 =	sadd.s32 s3, s9;
	s6 =	sadd.s32 @!p0 $0x88, s6;
	s7 =	simm.s32 @p2 $0x1082  }
0x22: {  	[simem:s7], [sflag:s8] =	dma.local @!p0 [hbm:s6], $0xF7A  }
0x23: {  	s9 =	sor.u32 $0xD0000000, s2;
	s6 =	simm.s32 $0x108;
	_ =	swait.ge @!p0 [sflag:s8], $0x0  }
0x24: {  	s3 =	sadd.s32 $0x88, s3;
	s6 =	simm.s32 @!p1 $0x1082;
	[sflag:s4] =	ssyncset.s32 $0xFFFFF086  }
0x25: {  	[simem:s6], [sflag:s4] =	dma.local [hbm:s3], $0xF7A  }
0x26: {  	[smem:$0x3F99] =	sst s1;
	(tag) =	ssettag s2;
	_ =	strace s9  }
0x27: {  	s1 =	sld [smem:$0x3FA9]  }
0x28: {  	s2 =	sld [smem:$0x3FAA]  }
0x29: {  	s4 =	sld [smem:$0x3FAC]  }
0x2a: {  	p0 =	seq.s32 s5, $0x0;
	s5 =	sld [smem:$0x3FAD]  }
0x2b: {  	s6 =	sld [smem:$0x3FAE]  }
0x2c: {  	s7 =	sld [smem:$0x3FAF]  }
0x2d: {  	s3 =	simm.s32 $0x108;
	s8 =	sld [smem:$0x3FB0]  }
0x2e: {  	s3 =	simm.s32 @!p0 $0x1082;
	s9 =	sld [smem:$0x3FB1]  }
0x2f: {  	lr =	sadd.s32 s0, s3;
	s0 =	sld [smem:$0x3FA8]  }
0x30: {  	s3 =	sld [smem:$0x3FAB]  }
0x31: {  	[smem:$0x3FB4] =	sst s10  }
0x32: {  	s10 =	sld [smem:$0x3FB2];
	_ =	sdelay $0x3  }
0x33: {  	p0 =	seq.s32 s10, $0x1;
	s10 =	sld [smem:$0x3FB4];
	_ =	sdelay $0x3  }
0x34: {  	[smem:$0x3FB4] =	sst s10  }
0x35: {  	s10 =	sld [smem:$0x3FB3];
	_ =	sdelay $0x3  }
0x36: {  	p1 =	seq.s32 s10, $0x1;
	s10 =	sld [smem:$0x3FB4];
	_ =	sdelay $0x3  }
0x37: {  	[smem:$0x3FB4] =	sst s10  }
0x38: {  	s10 =	sld [smem:$0x3FB5]  }
0x39: {  	_ = 	snop;
	(pc) =	sbr.ind lr, $3  }
0x3a: {  	_ = 	snop  }
0x3b: {  	_ = 	snop  }
0x3c: {  	p2 =	seq.s32 s10, $0x1;
	s10 =	sld [smem:$0x3FB4]  }
0x3d: {  	_ =	shalt  }
0x3e: {  	_ =	shalt  }
0x3f: {  	_ =	shalt  }
0x40: {  	_ =	shalt  }
0x41: {  	_ =	shalt  }
0x42: {  	_ =	shalt  }
0x43: {  	_ =	shalt  }
0x44: {  	_ =	shalt  }
0x45: {  	_ =	shalt  }
0x46: {  	_ =	shalt  }
0x47: {  	_ =	shalt  }
0x48: {  	_ =	shalt  }
0x49: {  	_ =	shalt  }
0x4a: {  	_ =	shalt  }
0x4b: {  	_ =	shalt  }
0x4c: {  	_ =	shalt  }
0x4d: {  	_ =	shalt  }
0x4e: {  	_ =	shalt  }
0x4f: {  	_ =	shalt  }
0x50: {  	_ =	shalt  }
0x51: {  	_ =	shalt  }
0x52: {  	_ =	shalt  }
0x53: {  	_ =	shalt  }
0x54: {  	_ =	shalt  }
0x55: {  	_ =	shalt  }
0x56: {  	_ =	shalt  }
0x57: {  	_ =	shalt  }
0x58: {  	_ =	shalt  }
0x59: {  	_ =	shalt  }
0x5a: {  	_ =	shalt  }
0x5b: {  	_ =	shalt  }
0x5c: {  	_ =	shalt  }
0x5d: {  	_ =	shalt  }
0x5e: {  	_ =	shalt  }
0x5f: {  	_ =	shalt  }
0x60: {  	_ =	shalt  }
0x61: {  	_ =	shalt  }
0x62: {  	_ =	shalt  }
0x63: {  	_ =	shalt  }
0x64: {  	_ =	shalt  }
0x65: {  	_ =	shalt  }
0x66: {  	_ =	shalt  }
0x67: {  	_ =	shalt  }
0x68: {  	_ =	shalt  }
0x69: {  	_ =	shalt  }
0x6a: {  	_ =	shalt  }
0x6b: {  	_ =	shalt  }
0x6c: {  	_ =	shalt  }
0x6d: {  	_ =	shalt  }
0x6e: {  	_ =	shalt  }
0x6f: {  	_ =	shalt  }
0x70: {  	_ =	shalt  }
0x71: {  	_ =	shalt  }
0x72: {  	_ =	shalt  }
0x73: {  	_ =	shalt  }
0x74: {  	_ =	shalt  }
0x75: {  	_ =	shalt  }
0x76: {  	_ =	shalt  }
0x77: {  	_ =	shalt  }
0x78: {  	_ =	shalt  }
0x79: {  	_ =	shalt  }
0x7a: {  	_ =	shalt  }
0x7b: {  	_ =	shalt  }
0x7c: {  	_ =	shalt  }
0x7d: {  	_ =	shalt  }
0x7e: {  	_ =	shalt  }
0x7f: {  	_ =	shalt  }
0x80: {  	_ =	shalt  }
0x81: {  	_ =	shalt  }
0x82: {  	_ =	shalt  }
0x83: {  	_ =	shalt  }
0x84: {  	_ =	shalt  }
0x85: {  	_ =	shalt  }
0x86: {  	_ =	shalt  }
0x87: {  	_ =	shalt  }
.Lfunc_end0:
.L_simem_size_0:
called_computation.1_lowered:
.L_overlay_start_0:
0x88: {  	s2 =	sld [smem:$0x3FD9]  }
0x89: {  	s3 =	sld [smem:$0x3FFE];
	_ =	sdelay $0x1  }
0x8a: {  	s1 =	srdreg.scid  }
0x8b: {  	s0 =	sand.u32 $0x1, s1  }
0x8c: {  	s17 =	sshll.u32 s0, $0xA;
	s2 =	sadd.s32 s3, s2  }
0x8d: {  	s2 =	sadd.s32 s2, s17  }
0x8e: {  	[smem:$0x3FC0] =	sst s2  }
0x8f: {  	_ = 	snop  }
0x90: {  	s2 =	sld [smem:$0x3FD0];
	(tm) =	ssettm $0x1  }
0x91: {  	s18 =	sld [smem:$0x3FFB];
	_ =	sdelay $0x3  }
0x92: {  	_ =	strace s18  }
0x93: {  	s3 =	sld [smem:$0x3FFC];
	_ =	sdelay $0x3  }
0x94: {  	_ =	strace s3  }
0x95: {  	s3 =	sld [smem:$0x3FFD];
	_ =	sdelay $0x3  }
0x96: {  	_ =	strace s3  }
0x97: {  	_ =	strace $0x8FFFFFFF  }
0x98: {  	s19 =	sld [smem:$0x3FDB];
	_ =	sdelay $0x1  }
0x99: {  	s4 =	simm.s32 $_scs_section_size  }
0x9a: {  	s5 =	simm.s32 $_size__tile_overlayer_lowered;
	s6 =	simm.s32 $_tile_overlayer_lowered  }
0x9b: {  	s22 =	simm.s32 $0x1BFF;
	s21 =	sshll.u32 s6, $0x1;
	s3 =	sadd.s32 s4, s19  }
0x9c: {  	s7 =	simm.s32 $0x0;
	s20 =	sshll.u32 s5, $0x1;
	s5 =	sadd.s32 s21, s3  }
0x9d: {  	[timem:s7], [sflag:s22] =	dma.local [hbm:s5], s20  }
0x9e: {  	_ =	swait.ge [sflag:s22], s20  }
0x9f: {  	s4 =	ssub.s32 $0x0, s20;
	[sflag:s22] =	ssyncset.done $0x0  }
0xa0: {  	[sflag:s22] =	ssyncadd.s32 s4;
	_ =	sdelay $0x1  }
0xa1: {  	s23 =	simm.s32 $0x1B8B  }
0xa2: {  	_ =	swait.ge [sflag:s23], $0x1  }
0xa3: {  	[sflag:s23] =	ssyncset.done $0x0  }
0xa4: {  	s25 =	simm.s32 $0x1B8E;
	s24 =	sld [smem:$0x3FFE];
	[sflag:s23] =	ssyncadd.s32 $0xFFFFFFFF  }
0xa5: {  	s26 =	simm.s32 $execute0_lowered;
	[smem:$0x3FD2] =	sst s25  }
0xa6: {  	s5 =	sshll.u32 s26, $0x1;
	_ =	strace $0x80000049;
	[dreg:$0x1] =	wrdreg $0xFFFFFFFF  }
0xa7: {  	s28 =	simm.s32 $_size_execute0_lowered;
	s3 =	sadd.s32 s3, s5;
	[dreg:$0x0] =	wrdreg $0x0  }
0xa8: {  	s5 =	sshll.u32 s28, $0x1;
	[dreg:$0x2] =	wrdreg s3  }
0xa9: {  	[dreg:$0x3] =	wrdreg s5  }
0xaa: {  	[dreg:$0x4] =	wrdreg $0xC0  }
0xab: {  	_ =	task [dreg:s7], $0x5FFFF  }
0xac: {  	[dreg:$0x1] =	wrdreg $0xFFFFFFFF  }
0xad: {  	[dreg:$0x0] =	wrdreg $0x60  }
0xae: {  	[dreg:$0x2] =	wrdreg s2  }
0xaf: {  	[dreg:$0x3] =	wrdreg s24  }
0xb0: {  	[dreg:$0x4] =	wrdreg $0xA8000  }
0xb1: {  	[dreg:$0x5] =	wrdreg $0x9  }
0xb2: {  	_ =	task.clear_ibuf [dreg:s7], $0x6FFFF;
	_ =	strace $0x90000049  }
0xb3: {  	s29 =	simm.s32 $0x9;
	_ =	strace $0x8000004B  }
0xb4: {  	_ =	swait.ge [sflag:s29], $0x1  }
0xb5: {  	[sflag:s29] =	ssyncadd.s32 $0xFFFFFFFF  }
0xb6: {  	_ =	strace $0x9000004B  }
0xb7: {  	_ =	sfence  }
0xb8: {  	s30 =	sld [smem:$0x0];
	_ =	sdelay $0x2  }
0xb9: {  	s31 =	sshll.u32 s1, $0xD;
	s1 =	sshrl.u32 s1, $0x2  }
0xba: {  	s3 =	sand.u32 $0x4000, s31;
	s1 =	sadd.s32 s1, s30  }
0xbb: {  	s0 =	sor.u32 s3, s0;
	s1 =	sshll.u32 s1, $0x11  }
0xbc: {  	s0 =	sor.u32 s1, s0  }
0xbd: {  	s0 =	sadd.s32 $0x8F2B, s0  }
0xbe: {  	[sflag:s0] =	ssyncadd.remote.s32 $0x1  }
0xbf: {  	_ =	sfence.sel $0xFFFF  }
0xc0: {  	[dreg:$0x0] =	wrdreg $0xFFFFFFFF;
	(pc) =	sbr.abs _section_cstart, $3  }
0xc1: {  	[dreg:$0x1] =	wrdreg $0xFFFFFFFF  }
0xc2: {  	_ =	task.clear_ibuf [dreg:s7], $0x2FFFF;
	_ =	strace $0x9FFFFFFF  }
0xc3: {  	(tm) =	ssettm $0x7FFFFFFF  }
tec
execute0_lowered:
.L_overlay_start_1:
0x0: {  	(tag) =	ssettag $0x1  }
0x1: {  	s1 =	rddreg [dreg:$0x0];
	s2 =	srdreg.scid  }
0x2: {  	s0 =	stileid.u32;
	s14 =	rddreg [dreg:$0x1]  }
0x3: {  	s3 =	rddreg [dreg:$0x2];
	s4 =	simm.s32 $0x0;
	s16 =	simm.s32 $0x3F000  }
0x4: {  	s19 =	simm.s32 $0x7D;
	s20 =	simm.s32 $0x80;
	s21 =	simm.s32 $0x6800  }
0x5: {  	s22 =	simm.s32 $0x2800;
	s23 =	simm.s32 $0x3;
	s24 =	simm.s32 $0x1  }
0x6: {  	s25 =	simm.s32 $0x2;
	s26 =	simm.s32 $0x4;
	s28 =	simm.s32 $0x2700  }
0x7: {  	s29 =	simm.s32 $0x2780;
	s11 =	sand.u32 $0x1, s2;
	s30 =	sshll.u32 s0, $0x1  }
0x8: {  	[smem:$0x7FF] =	sst s4;
	s6 =	smul.u32 $0x50000, s0;
	s13 =	sadd.s32 $0x3000, s14  }
0x9: {  	s18 =	smul.u32 $0x2800, s0;
	s8 =	sor.u32 s11, s30;
	s5 =	ssub.s32 $0x2, s11  }
0xa: {  	_ =	strace $0x8000004A;
	p0 =	seq.s32 s11, $0x1;
	s17 =	smul.u32 $0x500, s8  }
0xb: {  	s7 =	sshrl.u32 s5, $0x1;
	s31 =	sshrl.u32 s6, $0x2;
	s6 =	sadd.s32 $0xD000, s14  }
0xc: {  	s12 =	smul.u32 $0x2800, s8;
	s16 =	simm.s32 @!p0 $0x17000;
	s15 =	ssub.s32 s5, s7  }
0xd: {  	s7 =	sadd.s32 s31, s3;
	s16 =	sadd.s32 s16, s14;
	s5 =	sadd.s32 s13, s17  }
0xe: {  	s8 =	sadd.s32 $0x4000, s7;
	s9 =	sadd.s32 $0x8000, s7;
	s10 =	sadd.s32 $0xC000, s7  }
0xf: {  	s12 =	sshrl.u32 s12, $0x3;
	s14 =	smax.u32 s15, $0x1;
	s15 =	sadd.s32 s16, s18  }
0x10: {  	s16 =	simm.s32 $0x5;
	s17 =	sadd.s32 s17, s6;
	s11 =	sadd.s32 $0x280, s12  }
0x11: {  	v0 =	vimm.f32 $0.0e+00;
	s18 =	simm.s32 $0x1400;
	s12 =	sadd.s32 $0x10000, s7;
	s13 =	sadd.s32 s13, s11  }
.LBB2_1:
0x12: {  	s30 =	simm.s32 $0x0;
	s31 =	simm.s32 $0x200  }
.LBB2_2:
0x13: {  	p0 =	sne.s32 s31, $0xFE00;
	[tilespmem:s30+$0x2870] =	vst v0  }
0x14: {  	[tilespmem:s30+$0x2800] =	vst v0  }
0x15: {  	[tilespmem:s30+$0x2810] =	vst v0  }
.Ltmp0:
0x16: {  	[tilespmem:s30+$0x2820] =	vst v0;
	(pc) =	sbr.rel @p0 .LBB2_2-.Ltmp0, $4  }
0x17: {  	[tilespmem:s30+$0x2830] =	vst v0  }
0x18: {  	[tilespmem:s30+$0x2840] =	vst v0  }
0x19: {  	[tilespmem:s30+$0x2850] =	vst v0  }
0x1a: {  	[tilespmem:s30+$0x2860] =	vst v0;
	s30 =	sshra.s32 s31, $0x2;
	s31 =	sadd.s32 $0x200, s31  }
0x1b: {  	[tilespmem:s30+$0x2870] =	vst v0  }
0x1c: {  	[tilespmem:s30+$0x2800] =	vst v0  }
0x1d: {  	[tilespmem:s30+$0x2810] =	vst v0  }
0x1e: {  	[tilespmem:s30+$0x2820] =	vst v0  }
0x1f: {  	[tilespmem:s30+$0x2830] =	vst v0  }
0x20: {  	[tilespmem:s30+$0x2840] =	vst v0  }
0x21: {  	[tilespmem:s30+$0x2850] =	vst v0  }
0x22: {  	[tilespmem:s30+$0x2860] =	vst v0;
	s30 =	simm.s32 $0x0  }
0x23: {  	[tilespmem:s30], [sflag:$0x5] =	stream.linear.gather [hbm4b:s5+s30], $0x1400, $0x38;
	[tilespmem:$0x1E800] =	vst v63  }
0x24: {  	_ =	swait.ge [sflag:s16], $0x1400  }
0x25: {  	[sflag:s16] =	ssyncset.done $0x0  }
0x26: {  	[sflag:s16] =	ssyncadd.s32 $0xFFFFEC00  }
0x27: {  	[tilespmem:s18], [sflag:$0x5] =	stream.linear.gather [hbm4b:s17+s30], $0x1400, $0x38;
	[tilespmem:$0x1E800] =	vst v63  }
0x28: {  	_ =	swait.ge [sflag:s16], $0x1400  }
0x29: {  	[sflag:s16] =	ssyncset.done $0x0  }
0x2a: {  	[sflag:s16] =	ssyncadd.s32 $0xFFFFEC00  }
0x2b: {  	[tilespmem:s21], [sflag:$0x2] =	stream.indirect.gather [hbm4b:s1+s19], $0x80, s20, s19, $0xb8;
	[tilespmem:$0x1E800] =	vst v63  }
0x2c: {  	_ = 	snop  }
0x2d: {  	[spmem:s7] =	stream.linear.scatter [tilespmem:s22], [sflag:$0x3], $0x4000, $0x38;
	[tilespmem:$0x1E800] =	vst v63  }
0x2e: {  	_ = 	snop  }
0x2f: {  	[spmem:s8] =	stream.linear.scatter [tilespmem:s22], [sflag:$0x3], $0x4000, $0x38;
	[tilespmem:$0x1E800] =	vst v63  }
0x30: {  	_ = 	snop  }
0x31: {  	[spmem:s9] =	stream.linear.scatter [tilespmem:s22], [sflag:$0x3], $0x4000, $0x38;
	[tilespmem:$0x1E800] =	vst v63  }
0x32: {  	_ = 	snop  }
0x33: {  	[spmem:s10] =	stream.linear.scatter [tilespmem:s22], [sflag:$0x3], $0x4000, $0x38;
	[tilespmem:$0x1E800] =	vst v63  }
0x34: {  	_ = 	snop  }
0x35: {  	[spmem:s12] =	stream.linear.scatter [tilespmem:s22], [sflag:$0x3], $0x4000, $0x38;
	[tilespmem:$0x1E800] =	vst v63  }
0x36: {  	_ =	swait.ge [sflag:s23], $0x4000  }
0x37: {  	[sflag:s23] =	ssyncset.done $0x0  }
0x38: {  	[sflag:s23] =	ssyncadd.s32 $0xFFFFC000  }
0x39: {  	_ =	swait.ge [sflag:s23], $0x4000  }
0x3a: {  	[sflag:s23] =	ssyncset.done $0x0  }
0x3b: {  	[sflag:s23] =	ssyncadd.s32 $0xFFFFC000  }
0x3c: {  	_ =	swait.ge [sflag:s23], $0x4000  }
0x3d: {  	[sflag:s23] =	ssyncset.done $0x0  }
0x3e: {  	[sflag:s23] =	ssyncadd.s32 $0xFFFFC000  }
0x3f: {  	_ =	swait.ge [sflag:s23], $0x4000  }
0x40: {  	[sflag:s23] =	ssyncset.done $0x0  }
0x41: {  	[sflag:s23] =	ssyncadd.s32 $0xFFFFC000  }
0x42: {  	_ =	swait.ge [sflag:s23], $0x4000  }
0x43: {  	[sflag:s23] =	ssyncset.done $0x0  }
0x44: {  	[sflag:s23] =	ssyncadd.s32 $0xFFFFC000  }
0x45: {  	[tilespmem:s22], [sflag:$0x1] =	stream.indirect.gather [hbm4b:s1+s19], $0x80, s30, s19, $0xb8;
	[tilespmem:$0x1E800] =	vst v63  }
0x46: {  	[bflag:$0x0] =	sbarrier.arrive $0xFFFF  }
0x47: {  	_ =	swait.ge [sflag:s24], $0x3E80  }
0x48: {  	[sflag:s24] =	ssyncset.done $0x0  }
0x49: {  	s30 =	simm.s32 $0x1400;
	[sflag:s24] =	ssyncadd.s32 $0xFFFFC180  }
0x4a: {  	[spmem:s3] =	stream.indirect.scatter.add.f32 [tilespmem:s22], [sflag:$0x3], $0x80, s30, s19, $0xb8;
	[tilespmem:$0x1E800] =	vst v63  }
0x4b: {  	_ =	swait.ge [sflag:s23], $0x3E80  }
0x4c: {  	[sflag:s23] =	ssyncset.done $0x0  }
0x4d: {  	s30 =	simm.s32 $0x100;
	[sflag:s23] =	ssyncadd.s32 $0xFFFFC180  }
0x4e: {  	[tilespmem:s22], [sflag:$0x1] =	stream.indirect.gather [hbm4b:s1+s19], $0x80, s30, s19, $0xb8;
	[tilespmem:$0x1E800] =	vst v63  }
0x4f: {  	_ =	swait.ge [sflag:s25], $0x3E80  }
0x50: {  	[sflag:s25] =	ssyncset.done $0x0  }
0x51: {  	s30 =	simm.s32 $0x1480;
	[sflag:s25] =	ssyncadd.s32 $0xFFFFC180  }
0x52: {  	[spmem:s3] =	stream.indirect.scatter.add.f32 [tilespmem:s21], [sflag:$0x4], $0x80, s30, s19, $0xb8;
	[tilespmem:$0x1E800] =	vst v63  }
0x53: {  	_ =	swait.ge [sflag:s26], $0x3E80  }
0x54: {  	[sflag:s26] =	ssyncset.done $0x0  }
0x55: {  	s31 =	simm.s32 $0x180;
	s30 =	simm.s32 $0x400;
	[sflag:s26] =	ssyncadd.s32 $0xFFFFC180  }
.LBB2_4:
0x56: {  	[tilespmem:s21], [sflag:$0x2] =	stream.indirect.gather [hbm4b:s1+s19], $0x80, s31, s19, $0xb8;
	[tilespmem:$0x1E800] =	vst v63  }
0x57: {  	s31 =	smov.u32 s30  }
0x58: {  	p0 =	sne.s32 s30, $0x4800;
	s30 =	sadd.s32 $0x400, s30;
	_ =	swait.ge [sflag:s24], $0x3E80  }
0x59: {  	s31 =	sshra.s32 s31, $0x2;
	[sflag:s24] =	ssyncset.done $0x0  }
0x5a: {  	s2 =	sadd.s32 $0x1400, s31;
	[sflag:s24] =	ssyncadd.s32 $0xFFFFC180  }
0x5b: {  	[spmem:s3] =	stream.indirect.scatter.add.f32 [tilespmem:s22], [sflag:$0x3], $0x80, s2, s19, $0xb8;
	[tilespmem:$0x1E800] =	vst v63  }
0x5c: {  	_ =	swait.ge [sflag:s23], $0x3E80  }
0x5d: {  	[sflag:s23] =	ssyncset.done $0x0  }
0x5e: {  	s2 =	sadd.s32 $0x100, s31;
	[sflag:s23] =	ssyncadd.s32 $0xFFFFC180  }
0x5f: {  	[tilespmem:s22], [sflag:$0x1] =	stream.indirect.gather [hbm4b:s1+s19], $0x80, s2, s19, $0xb8;
	[tilespmem:$0x1E800] =	vst v63  }
0x60: {  	_ =	swait.ge [sflag:s25], $0x3E80  }
0x61: {  	[sflag:s25] =	ssyncset.done $0x0  }
.Ltmp1:
0x62: {  	s2 =	sadd.s32 $0x1480, s31;
	[sflag:s25] =	ssyncadd.s32 $0xFFFFC180;
	(pc) =	sbr.rel @p0 .LBB2_4-.Ltmp1, $4  }
0x63: {  	[spmem:s3] =	stream.indirect.scatter.add.f32 [tilespmem:s21], [sflag:$0x4], $0x80, s2, s19, $0xb8;
	[tilespmem:$0x1E800] =	vst v63  }
0x64: {  	_ =	swait.ge [sflag:s26], $0x3E80  }
0x65: {  	[sflag:s26] =	ssyncset.done $0x0  }
0x66: {  	s31 =	sadd.s32 $0x180, s31;
	[sflag:s26] =	ssyncadd.s32 $0xFFFFC180  }
0x67: {  	[tilespmem:s21], [sflag:$0x2] =	stream.indirect.gather [hbm4b:s1+s19], $0x80, s31, s19, $0xb8;
	[tilespmem:$0x1E800] =	vst v63  }
0x68: {  	_ =	swait.ge [sflag:s24], $0x3E80  }
0x69: {  	[sflag:s24] =	ssyncset.done $0x0  }
0x6a: {  	[sflag:s24] =	ssyncadd.s32 $0xFFFFC180  }
0x6b: {  	[spmem:s3] =	stream.indirect.scatter.add.f32 [tilespmem:s22], [sflag:$0x3], $0x80, s28, s19, $0xb8;
	[tilespmem:$0x1E800] =	vst v63  }
0x6c: {  	_ =	swait.ge [sflag:s23], $0x3E80  }
0x6d: {  	[sflag:s23] =	ssyncset.done $0x0  }
0x6e: {  	[sflag:s23] =	ssyncadd.s32 $0xFFFFC180  }
0x6f: {  	_ =	swait.ge [sflag:s25], $0x3E80  }
0x70: {  	[sflag:s25] =	ssyncset.done $0x0  }
0x71: {  	[sflag:s25] =	ssyncadd.s32 $0xFFFFC180  }
0x72: {  	[spmem:s3] =	stream.indirect.scatter.add.f32 [tilespmem:s21], [sflag:$0x4], $0x80, s29, s19, $0xb8;
	[tilespmem:$0x1E800] =	vst v63  }
0x73: {  	_ =	swait.ge [sflag:s26], $0x3E80  }
0x74: {  	[sflag:s26] =	ssyncset.done $0x0  }
0x75: {  	s2 =	simm.s32 $0x0;
	[sflag:s26] =	ssyncadd.s32 $0xFFFFC180  }
0x76: {  	[tilespmem:s2], [sflag:$0x5] =	stream.linear.gather [hbm4b:s13+s2], $0x1400, $0x38;
	[tilespmem:$0x1E800] =	vst v63  }
0x77: {  	_ =	swait.ge [sflag:s16], $0x1400  }
0x78: {  	[sflag:s16] =	ssyncset.done $0x0  }
0x79: {  	s30 =	sadd.s32 s11, s6;
	[sflag:s16] =	ssyncadd.s32 $0xFFFFEC00  }
0x7a: {  	[tilespmem:s18], [sflag:$0x5] =	stream.linear.gather [hbm4b:s30+s2], $0x1400, $0x38;
	[tilespmem:$0x1E800] =	vst v63  }
0x7b: {  	_ =	swait.ge [sflag:s16], $0x1400  }
0x7c: {  	[sflag:s16] =	ssyncset.done $0x0  }
0x7d: {  	[sflag:s16] =	ssyncadd.s32 $0xFFFFEC00  }
0x7e: {  	[tilespmem:s22], [sflag:$0x1] =	stream.indirect.gather [hbm4b:s1+s19], $0x80, s2, s19, $0xb8;
	[tilespmem:$0x1E800] =	vst v63  }
0x7f: {  	_ = 	snop  }
0x80: {  	[tilespmem:s21], [sflag:$0x2] =	stream.indirect.gather [hbm4b:s1+s19], $0x80, s20, s19, $0xb8;
	[tilespmem:$0x1E800] =	vst v63  }
0x81: {  	_ =	swait.ge [sflag:s24], $0x3E80  }
0x82: {  	[sflag:s24] =	ssyncset.done $0x0  }
0x83: {  	s2 =	simm.s32 $0x1400;
	[sflag:s24] =	ssyncadd.s32 $0xFFFFC180  }
0x84: {  	[spmem:s3] =	stream.indirect.scatter.add.f32 [tilespmem:s22], [sflag:$0x3], $0x80, s2, s19, $0xb8;
	[tilespmem:$0x1E800] =	vst v63  }
0x85: {  	_ =	swait.ge [sflag:s23], $0x3E80  }
0x86: {  	[sflag:s23] =	ssyncset.done $0x0  }
0x87: {  	s2 =	simm.s32 $0x100;
	[sflag:s23] =	ssyncadd.s32 $0xFFFFC180  }
0x88: {  	[tilespmem:s22], [sflag:$0x1] =	stream.indirect.gather [hbm4b:s1+s19], $0x80, s2, s19, $0xb8;
	[tilespmem:$0x1E800] =	vst v63  }
0x89: {  	_ =	swait.ge [sflag:s25], $0x3E80  }
0x8a: {  	[sflag:s25] =	ssyncset.done $0x0  }
0x8b: {  	s2 =	simm.s32 $0x1480;
	[sflag:s25] =	ssyncadd.s32 $0xFFFFC180  }
0x8c: {  	[spmem:s3] =	stream.indirect.scatter.add.f32 [tilespmem:s21], [sflag:$0x4], $0x80, s2, s19, $0xb8;
	[tilespmem:$0x1E800] =	vst v63  }
0x8d: {  	_ =	swait.ge [sflag:s26], $0x3E80  }
0x8e: {  	[sflag:s26] =	ssyncset.done $0x0  }
0x8f: {  	s31 =	simm.s32 $0x180;
	s30 =	simm.s32 $0x400;
	[sflag:s26] =	ssyncadd.s32 $0xFFFFC180  }
.LBB2_6:
0x90: {  	[tilespmem:s21], [sflag:$0x2] =	stream.indirect.gather [hbm4b:s1+s19], $0x80, s31, s19, $0xb8;
	[tilespmem:$0x1E800] =	vst v63  }
0x91: {  	s2 =	smov.u32 s30  }
0x92: {  	p0 =	sne.s32 s30, $0x4800;
	s30 =	sadd.s32 $0x400, s30;
	_ =	swait.ge [sflag:s24], $0x3E80  }
0x93: {  	s2 =	sshra.s32 s2, $0x2;
	[sflag:s24] =	ssyncset.done $0x0  }
0x94: {  	s31 =	sadd.s32 $0x1400, s2;
	[sflag:s24] =	ssyncadd.s32 $0xFFFFC180  }
0x95: {  	[spmem:s3] =	stream.indirect.scatter.add.f32 [tilespmem:s22], [sflag:$0x3], $0x80, s31, s19, $0xb8;
	[tilespmem:$0x1E800] =	vst v63  }
0x96: {  	_ =	swait.ge [sflag:s23], $0x3E80  }
0x97: {  	[sflag:s23] =	ssyncset.done $0x0  }
0x98: {  	s31 =	sadd.s32 $0x100, s2;
	[sflag:s23] =	ssyncadd.s32 $0xFFFFC180  }
0x99: {  	[tilespmem:s22], [sflag:$0x1] =	stream.indirect.gather [hbm4b:s1+s19], $0x80, s31, s19, $0xb8;
	[tilespmem:$0x1E800] =	vst v63  }
0x9a: {  	_ =	swait.ge [sflag:s25], $0x3E80  }
0x9b: {  	[sflag:s25] =	ssyncset.done $0x0  }
.Ltmp2:
0x9c: {  	s31 =	sadd.s32 $0x1480, s2;
	[sflag:s25] =	ssyncadd.s32 $0xFFFFC180;
	(pc) =	sbr.rel @p0 .LBB2_6-.Ltmp2, $4  }
0x9d: {  	[spmem:s3] =	stream.indirect.scatter.add.f32 [tilespmem:s21], [sflag:$0x4], $0x80, s31, s19, $0xb8;
	[tilespmem:$0x1E800] =	vst v63  }
0x9e: {  	_ =	swait.ge [sflag:s26], $0x3E80  }
0x9f: {  	[sflag:s26] =	ssyncset.done $0x0  }
0xa0: {  	s31 =	sadd.s32 $0x180, s2;
	[sflag:s26] =	ssyncadd.s32 $0xFFFFC180  }
0xa1: {  	[tilespmem:s21], [sflag:$0x2] =	stream.indirect.gather [hbm4b:s1+s19], $0x80, s31, s19, $0xb8;
	[tilespmem:$0x1E800] =	vst v63  }
0xa2: {  	_ =	swait.ge [sflag:s24], $0x3E80  }
0xa3: {  	[sflag:s24] =	ssyncset.done $0x0  }
0xa4: {  	[sflag:s24] =	ssyncadd.s32 $0xFFFFC180  }
0xa5: {  	[spmem:s3] =	stream.indirect.scatter.add.f32 [tilespmem:s22], [sflag:$0x3], $0x80, s28, s19, $0xb8;
	[tilespmem:$0x1E800] =	vst v63  }
0xa6: {  	_ =	swait.ge [sflag:s23], $0x3E80  }
0xa7: {  	[sflag:s23] =	ssyncset.done $0x0  }
0xa8: {  	[sflag:s23] =	ssyncadd.s32 $0xFFFFC180  }
0xa9: {  	_ =	swait.ge [sflag:s25], $0x3E80  }
0xaa: {  	[sflag:s25] =	ssyncset.done $0x0  }
0xab: {  	[sflag:s25] =	ssyncadd.s32 $0xFFFFC180  }
0xac: {  	[spmem:s3] =	stream.indirect.scatter.add.f32 [tilespmem:s21], [sflag:$0x4], $0x80, s29, s19, $0xb8;
	[tilespmem:$0x1E800] =	vst v63  }
0xad: {  	_ =	swait.ge [sflag:s26], $0x3E80  }
0xae: {  	s2 =	sshll.u32 s0, $0x6;
	s4 =	sadd.s32 $0x1, s4;
	[sflag:s26] =	ssyncset.done $0x0  }
0xaf: {  	s30 =	sshrl.u32 s7, $0x3;
	p0 =	sne.s32 s4, s14;
	[sflag:s26] =	ssyncadd.s32 $0xFFFFC180  }
.Ltmp3:
0xb0: {  	s2 =	sor.u32 $0x1C05, s2;
	[bflag:$0x0] =	sbarrier.arrive $0xFFFF;
	(pc) =	sbr.rel @p0 .LBB2_1-.Ltmp3, $4  }
0xb1: {  	[hbm:s15], [sflag:s2] =	dma.local [spmem:s30], $0x2800  }
0xb2: {  	_ =	swait.ge [sflag:s16], $0x2800  }
0xb3: {  	[sflag:s16] =	ssyncset.done $0x0  }
0xb4: {  	[sflag:s16] =	ssyncadd.s32 $0xFFFFD800  }
0xb5: {  	_ =	sfence.sel $0x180000  }
0xb6: {  	[bflag:$0x0] =	sbarrier.arrive $0xFFFF  }
0xb7: {  	_ =	strace $0x9000004A  }
0xb8: {  	[bflag:$0x2] =	sbarrier.arrive $0xFFFF  }
0xb9: {  	p0 =	sne.s32 s0, $0x0;
	s0 =	rddreg [dreg:$0x3]  }
0xba: {  	s0 =	sadd.s32 @!p0 $0x100000, s0  }
0xbb: {  	[sflag:s0] =	ssyncadd.tile.s32 @!p0 $0x1;
	_ =	shalt  }
.Lfunc_end2:
_tile_overlayer_lowered:
.L_overlay_start_2:
0xbc: {  	(tag) =	ssettag $0x2  }
0xbd: {  	s0 =	rddreg [dreg:$0x0];
	s2 =	stileid.u32  }
0xbe: {  	s1 =	rddreg [dreg:$0x1];
	p0 =	sne.s32 s2, $0x0  }
0xbf: {  	s3 =	rddreg [dreg:$0x2];
	[bflag:$0x3] =	sbarrier.arrive $0xFFFF;
	s2 =	simm.s32 @!p0 $0x1C05  }
0xc0: {  	[timem:s3], [sflag:s2] =	dma.local @!p0 [hbm:s0], s1  }
0xc1: {  	s0 =	simm.s32 @!p0 $0x5  }
0xc2: {  	_ =	swait.ge @!p0 [sflag:s0], s1  }
0xc3: {  	s1 =	ssub.s32 @!p0 $0x0, s1;
	[sflag:s0] =	ssyncset.done @!p0 $0x0  }
0xc4: {  	[sflag:s0] =	ssyncadd.s32 @!p0 s1  }
0xc5: {  	[bflag:$0x3] =	sbarrier.arrive $0xFFFF  }
0xc6: {  	_ =	shalt  }

</sc_bundles>
